<compile_context>
chip_gen: v7x
topology: tpu7x:2x2x1
jax: 0.10.2.dev20260603
libtpu: 0.0.44.dev20260713+nightly
codegen_flags: <defaults>
</compile_context>

<pallas_src>
import jax
import jax.numpy as jnp
from jax import lax
from jax.experimental import pallas as pl
from jax.experimental.pallas import tpu as pltpu
from jax.experimental.pallas import tpu_sc as plsc

N = 10000
E = 320000
D = 128
NC = 2
NS = 16
L = 16
NW = NC * NS
EW = E // NW
G = 80
NG = EW // G
RSTRIDE = 624
RROWS = 640

NP = 10240
BR = 512
GRID = NP // BR


def _project_body(x_ref, wi_ref, b_ref, w_ref, a1_ref, a2_ref,
                  z_ref, s1_ref, s2_ref):
    x = x_ref[...]
    h = jax.nn.gelu(
        lax.dot_general(x, wi_ref[...], (((1,), (1,)), ((), ())),
                        preferred_element_type=jnp.float32)
        + b_ref[...])
    z = lax.dot_general(h, w_ref[...], (((1,), (1,)), ((), ())),
                        preferred_element_type=jnp.float32)
    z_ref[...] = z
    i = pl.program_id(0)
    s1_ref[pl.ds(i * BR, BR)] = jnp.sum(z * a1_ref[...], axis=1)
    s2_ref[pl.ds(i * BR, BR)] = jnp.sum(z * a2_ref[...], axis=1)


_project = pl.pallas_call(
    _project_body,
    grid=(GRID,),
    in_specs=[
        pl.BlockSpec((BR, D), lambda i: (i, 0)),
        pl.BlockSpec((D, D), lambda i: (0, 0)),
        pl.BlockSpec((D,), lambda i: (0,)),
        pl.BlockSpec((D, D), lambda i: (0, 0)),
        pl.BlockSpec((1, D), lambda i: (0, 0)),
        pl.BlockSpec((1, D), lambda i: (0, 0)),
    ],
    out_specs=[
        pl.BlockSpec((BR, D), lambda i: (i, 0)),
        pl.BlockSpec((NP,), lambda i: (0,)),
        pl.BlockSpec((NP,), lambda i: (0,)),
    ],
    out_shape=[
        jax.ShapeDtypeStruct((NP, D), jnp.float32),
        jax.ShapeDtypeStruct((NP,), jnp.float32),
        jax.ShapeDtypeStruct((NP,), jnp.float32),
    ],
)


def _edge_body(z_hbm, s1_hbm, s2_hbm, src_hbm, dst_hbm, u_hbm, d_hbm,
               rows0, rows1, rows2, sa0, sa1, sa2, sb0, sb1, sb2,
               w0, w1, w2, sc0, sc1, sc2, dc0, dc1, dc2, zb_v, u_sh, den_sh,
               gsem0, gsem1, gsem2, ssem0, ssem1, ssem2,
               isem0, isem1, isem2):
    cid = lax.axis_index("c")
    sid = lax.axis_index("s")
    wid = sid * NC + cid

    rows = [rows0, rows1, rows2]
    sa = [sa0, sa1, sa2]
    sb = [sb0, sb1, sb2]
    wv = [w0, w1, w2]
    sc = [sc0, sc1, sc2]
    dc = [dc0, dc1, dc2]
    gsem = [gsem0, gsem1, gsem2]
    ssem = [ssem0, ssem1, ssem2]
    isem = [isem0, isem1, isem2]

    def issue_idx(g, b):
        off = wid * EW + g * G
        pltpu.async_copy(src_hbm.at[pl.ds(off, G)], sc[b], isem[b])
        pltpu.async_copy(dst_hbm.at[pl.ds(off, G)], dc[b], isem[b])

    def wait_idx(g, b):
        off = wid * EW + g * G
        pltpu.make_async_copy(src_hbm.at[pl.ds(off, G)], sc[b], isem[b]).wait()
        pltpu.make_async_copy(dst_hbm.at[pl.ds(off, G)], dc[b], isem[b]).wait()

    def issue_gather(b):
        pltpu.async_copy(z_hbm.at[sc[b]], rows[b], gsem[b])
        pltpu.async_copy(s1_hbm.at[sc[b]], sa[b], isem[b])
        pltpu.async_copy(s2_hbm.at[dc[b]], sb[b], isem[b])

    def wait_gather_scalars(b):
        pltpu.make_async_copy(s1_hbm.at[sc[b]], sa[b], isem[b]).wait()
        pltpu.make_async_copy(s2_hbm.at[dc[b]], sb[b], isem[b]).wait()

    def wait_gather_rows(b):
        pltpu.make_async_copy(z_hbm.at[sc[b]], rows[b], gsem[b]).wait()

    def issue_scatter(b):
        pltpu.async_copy(rows[b], u_sh.at[dc[b]], ssem[b], add=True)
        pltpu.async_copy(wv[b], den_sh.at[dc[b]], ssem[b], add=True)

    def wait_scatter(b):
        pltpu.make_async_copy(rows[b], u_sh.at[dc[b]], ssem[b]).wait()
        pltpu.make_async_copy(wv[b], den_sh.at[dc[b]], ssem[b]).wait()

    def compute(b):
        wait_gather_scalars(b)

        @plsc.parallel_loop(0, G // L, unroll=G // L)
        def scal(i):
            e = sa[b][pl.ds(i * L, L)] + sb[b][pl.ds(i * L, L)]
            e = jnp.where(e >= 0, e, e * jnp.float32(0.01))
            wv[b][pl.ds(i * L, L)] = jnp.exp(e)

        wait_gather_rows(b)

        @plsc.parallel_loop(0, G, unroll=4)
        def scale(r):
            wspl = plsc.load_gather(wv[b], [jnp.full((L,), r, jnp.int32)])
            for j in range(D // L):
                rows[b][r, pl.ds(j * L, L)] = (
                    rows[b][r, pl.ds(j * L, L)] * wspl)

    issue_idx(0, 0)
    issue_idx(1, 1)

    zeros = jnp.zeros((L,), jnp.float32)

    def zero_zb(i, _):
        for j in range(4):
            zb_v[pl.ds((i * 4 + j) * L, L)] = zeros
        return 0
    lax.fori_loop(0, RROWS // (L * 4), zero_zb, 0)

    def zero_rows(r, _):
        for j in range(D // L):
            rows2[r, pl.ds(j * L, L)] = zeros
        return 0
    lax.fori_loop(0, G, zero_rows, 0)

    base = sid * RSTRIDE
    for t in range(RROWS // G):
        pltpu.async_copy(rows2, u_sh.at[pl.ds(base + t * G, G)], gsem[t % 3])
    pltpu.sync_copy(zb_v, den_sh.at[pl.ds(base, RROWS)])
    for t in range(RROWS // G):
        pltpu.make_async_copy(rows2, u_sh.at[pl.ds(base + t * G, G)],
                              gsem[t % 3]).wait()
    plsc.subcore_barrier()

    wait_idx(0, 0)
    issue_gather(0)
    wait_idx(1, 1)
    issue_gather(1)

    def slot(g, b, first=False, ahead=True):
        b2 = (b + 2) % 3
        compute(b)
        issue_scatter(b)
        if not first:
            wait_scatter(b2)

        def fetch_ahead():
            issue_idx(g + 2, b2)
            wait_idx(g + 2, b2)
            issue_gather(b2)
        if ahead is True:
            fetch_ahead()
        elif ahead is not False:
            pl.when(ahead)(fetch_ahead)

    slot(0, 0, first=True)

    def triple(t, _):
        for c in range(3):
            g = 3 * t + 1 + c
            slot(g, (1 + c) % 3, ahead=(g <= NG - 3))
        return 0
    lax.fori_loop(0, (NG - 2) // 3, triple, 0)

    slot(NG - 1, (NG - 1) % 3, ahead=False)
    wait_scatter((NG - 1) % 3)

    plsc.subcore_barrier()
    for t in range(RROWS // G):
        pltpu.async_copy(u_sh.at[pl.ds(base + t * G, G)],
                         u_hbm.at[cid, pl.ds(base + t * G, G)],
                         gsem[t % 3])
    pltpu.sync_copy(den_sh.at[pl.ds(base, RROWS)], zb_v)
    pltpu.sync_copy(zb_v, d_hbm.at[pl.ds(cid * NP + base, RROWS)])
    for t in range(RROWS // G):
        pltpu.make_async_copy(u_sh.at[pl.ds(base + t * G, G)],
                              u_hbm.at[cid, pl.ds(base + t * G, G)],
                              gsem[t % 3]).wait()


_edge = pl.kernel(
    _edge_body,
    out_type=(
        jax.ShapeDtypeStruct((NC, NP, D), jnp.float32),
        jax.ShapeDtypeStruct((NC * NP,), jnp.float32),
    ),
    mesh=plsc.VectorSubcoreMesh(core_axis_name="c", subcore_axis_name="s",
                                num_cores=NC, num_subcores=NS),
    compiler_params=pltpu.CompilerParams(needs_layout_passes=False),
    scratch_types=(
        [pltpu.VMEM((G, D), jnp.float32)] * 3
        + [pltpu.VMEM((G,), jnp.float32)] * 9
        + [pltpu.VMEM((G,), jnp.int32)] * 6
        + [pltpu.VMEM((RROWS,), jnp.float32)]
        + [pltpu.VMEM_SHARED((N, D), jnp.float32),
           pltpu.VMEM_SHARED((N,), jnp.float32)]
        + [pltpu.SemaphoreType.DMA] * 9
    ),
)


def _combine_body(u_ref, d_ref, o_ref):
    u = u_ref[0] + u_ref[1]
    den = d_ref[0] + d_ref[1]
    o_ref[...] = u * (1.0 / jnp.maximum(den, 1e-16))[:, None]


_combine = pl.pallas_call(
    _combine_body,
    grid=(GRID,),
    in_specs=[
        pl.BlockSpec((NC, BR, D), lambda i: (0, i, 0)),
        pl.BlockSpec((NC, BR), lambda i: (0, i)),
    ],
    out_specs=pl.BlockSpec((BR, D), lambda i: (i, 0)),
    out_shape=jax.ShapeDtypeStruct((N, D), jnp.float32),
)


def kernel(x, edge_index, W_inp, b_inp, W, attn):
    a1 = attn[:, :D]
    a2 = attn[:, D:]
    z, s1, s2 = _project(x, W_inp, b_inp, W, a1, a2)
    u, den = _edge(z, s1, s2, edge_index[0], edge_index[1])
    return _combine(u, den.reshape(NC, NP))

# --- scband reference (transcript-rebuilt; emitter-appended) ---
"""Pipeline reference for scband-gat-13907104104868 (READ-ONLY COPY).

The authoritative reference and input builder live on the scoring server;
editing this copy changes nothing except your own understanding.
"""

import jax, jax.numpy as jnp
import numpy as np

N = 10000
E = 320000
IN_DIM = 128
HID = 128
OUT = 128


def setup_inputs(seed: int = 0) -> dict:
    key = jax.random.key(seed)
    ks = jax.random.split(key, 6)
    x = jax.random.normal(ks[0], (N, IN_DIM), dtype=jnp.float32)
    edge_index = jax.random.randint(ks[1], (2, E), 0, N, dtype=jnp.int32)
    # Learned parameters (single ntype 'node', single etype 'edge')
    gain = float(np.sqrt(2.0))  # relu gain used by xavier in torch code
    W_inp = jax.random.normal(ks[2], (HID, IN_DIM), dtype=jnp.float32) * (gain * np.sqrt(2.0 / (HID + IN_DIM)))
    b_inp = jnp.zeros((HID,), dtype=jnp.float32)
    W = jax.random.normal(ks[3], (OUT, HID), dtype=jnp.float32) * (gain * np.sqrt(2.0 / (OUT + HID)))
    attn = jax.random.normal(ks[4], (1, 2 * OUT), dtype=jnp.float32) * (gain * np.sqrt(2.0 / (1 + 2 * OUT)))
    return {"x": x, "edge_index": edge_index, "W_inp": W_inp, "b_inp": b_inp, "W": W, "attn": attn}


def reference(x, edge_index, W_inp, b_inp, W, attn):
    # input projection: h = gelu(linear_inp(x))
    h = jax.nn.gelu(x @ W_inp.T + b_inp)
    # GATLayer: z = W_ntype(h)  (no bias)
    z = h @ W.T
    src = edge_index[0]
    dst = edge_index[1]
    z_src = jnp.take(z, src, axis=0)
    z_dst = jnp.take(z, dst, axis=0)
    # edge attention: e = leaky_relu(attn([z_src || z_dst]))
    z2 = jnp.concatenate([z_src, z_dst], axis=1)
    e = jax.nn.leaky_relu(z2 @ attn.T, negative_slope=0.01)[:, 0]
    # per-dst-node softmax over incoming edges (reduce_func softmax over mailbox)
    e_max = jax.ops.segment_max(e, dst, num_segments=N)
    e_max = jnp.where(jnp.isfinite(e_max), e_max, 0.0)
    w = jnp.exp(e - jnp.take(e_max, dst, axis=0))
    denom = jax.ops.segment_sum(w, dst, num_segments=N)
    alpha = w / jnp.maximum(jnp.take(denom, dst, axis=0), 1e-16)
    # weighted sum of source messages per dst node
    h_out = jax.ops.segment_sum(alpha[:, None] * z_src, dst, num_segments=N)
    # dropout is identity in eval mode; cross_reducer 'mean' trivial with one etype
    return h_out

if __name__ == "__main__":
    import jax
    _d = setup_inputs()
    print(jax.jit(kernel)(*tuple(_d.values())))

</pallas_src>

<mosaic_0001>
#map = affine_map<(d0, d1) -> (0, 0)>
#map1 = affine_map<(d0, d1) -> (0)>
#map2 = affine_map<(d0, d1) -> (0, 0, 0)>
module attributes {stable_mosaic.version = 14 : i64} {
  func.func @_edge_body(%arg0: i32, %arg1: i32, %arg2: memref<10240x128xf32, #tpu.memory_space<hbm>>, %arg3: memref<10240xf32, #tpu.memory_space<hbm>>, %arg4: memref<10240xf32, #tpu.memory_space<hbm>>, %arg5: memref<320000xi32, #tpu.memory_space<hbm>>, %arg6: memref<320000xi32, #tpu.memory_space<hbm>>, %arg7: memref<2x10240x128xf32, #tpu.memory_space<hbm>>, %arg8: memref<20480xf32, #tpu.memory_space<hbm>>, %arg9: memref<80x128xf32, #tpu.memory_space<vmem>>, %arg10: memref<80x128xf32, #tpu.memory_space<vmem>>, %arg11: memref<80x128xf32, #tpu.memory_space<vmem>>, %arg12: memref<80xf32, #tpu.memory_space<vmem>>, %arg13: memref<80xf32, #tpu.memory_space<vmem>>, %arg14: memref<80xf32, #tpu.memory_space<vmem>>, %arg15: memref<80xf32, #tpu.memory_space<vmem>>, %arg16: memref<80xf32, #tpu.memory_space<vmem>>, %arg17: memref<80xf32, #tpu.memory_space<vmem>>, %arg18: memref<80xf32, #tpu.memory_space<vmem>>, %arg19: memref<80xf32, #tpu.memory_space<vmem>>, %arg20: memref<80xf32, #tpu.memory_space<vmem>>, %arg21: memref<80xi32, #tpu.memory_space<vmem>>, %arg22: memref<80xi32, #tpu.memory_space<vmem>>, %arg23: memref<80xi32, #tpu.memory_space<vmem>>, %arg24: memref<80xi32, #tpu.memory_space<vmem>>, %arg25: memref<80xi32, #tpu.memory_space<vmem>>, %arg26: memref<80xi32, #tpu.memory_space<vmem>>, %arg27: memref<640xf32, #tpu.memory_space<vmem>>, %arg28: memref<10000x128xf32, #tpu.memory_space<vmem_shared>>, %arg29: memref<10000xf32, #tpu.memory_space<vmem_shared>>, %arg30: memref<!tpu.dma_semaphore, #tpu.memory_space<semaphore_mem>>, %arg31: memref<!tpu.dma_semaphore, #tpu.memory_space<semaphore_mem>>, %arg32: memref<!tpu.dma_semaphore, #tpu.memory_space<semaphore_mem>>, %arg33: memref<!tpu.dma_semaphore, #tpu.memory_space<semaphore_mem>>, %arg34: memref<!tpu.dma_semaphore, #tpu.memory_space<semaphore_mem>>, %arg35: memref<!tpu.dma_semaphore, #tpu.memory_space<semaphore_mem>>, %arg36: memref<!tpu.dma_semaphore, #tpu.memory_space<semaphore_mem>>, %arg37: memref<!tpu.dma_semaphore, #tpu.memory_space<semaphore_mem>>, %arg38: memref<!tpu.dma_semaphore, #tpu.memory_space<semaphore_mem>>) attributes {dimension_semantics = [#tpu.dimension_semantics<core_parallel>, #tpu.dimension_semantics<subcore_parallel>], iteration_bounds = array<i64: 2, 16>, scalar_prefetch = 0 : i64, scratch_operands = 30 : i64, tpu.core_type = #tpu.core_type<sc_vector_subcore>, window_params = [{transform_indices = #map}, {transform_indices = #map1}, {transform_indices = #map1}, {transform_indices = #map1}, {transform_indices = #map1}, {transform_indices = #map2}, {transform_indices = #map1}]} {
    %mul3A = arith.constant 2 : i32
    %mul3A_0 = arith.muli %arg1, %mul3A : i32
    %add3A = arith.addi %mul3A_0, %arg0 : i32
    %mul3A_1 = arith.constant 10000 : i32
    %mul3A_2 = arith.muli %add3A, %mul3A_1 : i32
    %add3A_3 = arith.constant 0 : i32
    %add3A_4 = arith.addi %mul3A_2, %add3A_3 : i32
    %dma_start3A = tpu.memref_slice %arg5[%add3A_4] : memref<320000xi32, #tpu.memory_space<hbm>> -> memref<80xi32, #tpu.memory_space<hbm>>
    %dma_start3A_5 = tpu.memref_slice %arg5[%add3A_4] : memref<320000xi32, #tpu.memory_space<hbm>> -> memref<80xi32, #tpu.memory_space<hbm>>
    tpu.enqueue_dma source(%dma_start3A_5 : memref<80xi32, #tpu.memory_space<hbm>>) target(%arg21 : memref<80xi32, #tpu.memory_space<vmem>>) target_semaphore(%arg36 : memref<!tpu.dma_semaphore, #tpu.memory_space<semaphore_mem>>)
    %dma_start3A_6 = tpu.memref_slice %arg6[%add3A_4] : memref<320000xi32, #tpu.memory_space<hbm>> -> memref<80xi32, #tpu.memory_space<hbm>>
    %dma_start3A_7 = tpu.memref_slice %arg6[%add3A_4] : memref<320000xi32, #tpu.memory_space<hbm>> -> memref<80xi32, #tpu.memory_space<hbm>>
    tpu.enqueue_dma source(%dma_start3A_7 : memref<80xi32, #tpu.memory_space<hbm>>) target(%arg24 : memref<80xi32, #tpu.memory_space<vmem>>) target_semaphore(%arg36 : memref<!tpu.dma_semaphore, #tpu.memory_space<semaphore_mem>>)
    %mul3A_8 = arith.constant 10000 : i32
    %mul3A_9 = arith.muli %add3A, %mul3A_8 : i32
    %add3A_10 = arith.constant 80 : i32
    %add3A_11 = arith.addi %mul3A_9, %add3A_10 : i32
    %dma_start3A_12 = tpu.memref_slice %arg5[%add3A_11] : memref<320000xi32, #tpu.memory_space<hbm>> -> memref<80xi32, #tpu.memory_space<hbm>>
    %dma_start3A_13 = tpu.memref_slice %arg5[%add3A_11] : memref<320000xi32, #tpu.memory_space<hbm>> -> memref<80xi32, #tpu.memory_space<hbm>>
    tpu.enqueue_dma source(%dma_start3A_13 : memref<80xi32, #tpu.memory_space<hbm>>) target(%arg22 : memref<80xi32, #tpu.memory_space<vmem>>) target_semaphore(%arg37 : memref<!tpu.dma_semaphore, #tpu.memory_space<semaphore_mem>>)
    %dma_start3A_14 = tpu.memref_slice %arg6[%add3A_11] : memref<320000xi32, #tpu.memory_space<hbm>> -> memref<80xi32, #tpu.memory_space<hbm>>
    %dma_start3A_15 = tpu.memref_slice %arg6[%add3A_11] : memref<320000xi32, #tpu.memory_space<hbm>> -> memref<80xi32, #tpu.memory_space<hbm>>
    tpu.enqueue_dma source(%dma_start3A_15 : memref<80xi32, #tpu.memory_space<hbm>>) target(%arg25 : memref<80xi32, #tpu.memory_space<vmem>>) target_semaphore(%arg37 : memref<!tpu.dma_semaphore, #tpu.memory_space<semaphore_mem>>)
    %broadcast_in_dim3A = arith.constant 0.000000e+00 : f32
    %broadcast_in_dim3A_16 = vector.broadcast %broadcast_in_dim3A : f32 to vector<16xf32>
    %scan3A = arith.constant 0 : i32
    %scan3A_17 = arith.constant 0 : i32
    %scan3A_18 = arith.constant 10 : i32
    %scan3A_19 = arith.addi %scan3A_17, %scan3A_18 : i32
    %scan3A_20 = arith.constant 1 : i32
    %scan3A_21 = scf.for %scan3A_380 = %scan3A_17 to %scan3A_19 step %scan3A_20 iter_args(%scan3A_381 = %scan3A) -> (i32)  : i32 {
      %mul3A_382 = arith.constant 4 : i32
      %mul3A_383 = arith.muli %scan3A_380, %mul3A_382 : i32
      %add3A_384 = arith.constant 0 : i32
      %add3A_385 = arith.addi %mul3A_383, %add3A_384 : i32
      %mul3A_386 = arith.constant 16 : i32
      %mul3A_387 = arith.muli %add3A_385, %mul3A_386 : i32
      %swap3A = arith.index_cast %mul3A_387 : i32 to index
      %swap3A_388 = tpu.vector_load %arg27[%swap3A] {strides = array<i32>} : memref<640xf32, #tpu.memory_space<vmem>>, vector<16xf32>,
      tpu.vector_store %arg27[%swap3A], %broadcast_in_dim3A_16 {strides = array<i32>} : memref<640xf32, #tpu.memory_space<vmem>>, vector<16xf32>,
      %mul3A_389 = arith.constant 4 : i32
      %mul3A_390 = arith.muli %scan3A_380, %mul3A_389 : i32
      %add3A_391 = arith.constant 1 : i32
      %add3A_392 = arith.addi %mul3A_390, %add3A_391 : i32
      %mul3A_393 = arith.constant 16 : i32
      %mul3A_394 = arith.muli %add3A_392, %mul3A_393 : i32
      %swap3A_395 = arith.index_cast %mul3A_394 : i32 to index
      %swap3A_396 = tpu.vector_load %arg27[%swap3A_395] {strides = array<i32>} : memref<640xf32, #tpu.memory_space<vmem>>, vector<16xf32>,
      tpu.vector_store %arg27[%swap3A_395], %broadcast_in_dim3A_16 {strides = array<i32>} : memref<640xf32, #tpu.memory_space<vmem>>, vector<16xf32>,
      %mul3A_397 = arith.constant 4 : i32
      %mul3A_398 = arith.muli %scan3A_380, %mul3A_397 : i32
      %add3A_399 = arith.constant 2 : i32
      %add3A_400 = arith.addi %mul3A_398, %add3A_399 : i32
      %mul3A_401 = arith.constant 16 : i32
      %mul3A_402 = arith.muli %add3A_400, %mul3A_401 : i32
      %swap3A_403 = arith.index_cast %mul3A_402 : i32 to index
      %swap3A_404 = tpu.vector_load %arg27[%swap3A_403] {strides = array<i32>} : memref<640xf32, #tpu.memory_space<vmem>>, vector<16xf32>,
      tpu.vector_store %arg27[%swap3A_403], %broadcast_in_dim3A_16 {strides = array<i32>} : memref<640xf32, #tpu.memory_space<vmem>>, vector<16xf32>,
      %mul3A_405 = arith.constant 4 : i32
      %mul3A_406 = arith.muli %scan3A_380, %mul3A_405 : i32
      %add3A_407 = arith.constant 3 : i32
      %add3A_408 = arith.addi %mul3A_406, %add3A_407 : i32
      %mul3A_409 = arith.constant 16 : i32
      %mul3A_410 = arith.muli %add3A_408, %mul3A_409 : i32
      %swap3A_411 = arith.index_cast %mul3A_410 : i32 to index
      %swap3A_412 = tpu.vector_load %arg27[%swap3A_411] {strides = array<i32>} : memref<640xf32, #tpu.memory_space<vmem>>, vector<16xf32>,
      tpu.vector_store %arg27[%swap3A_411], %broadcast_in_dim3A_16 {strides = array<i32>} : memref<640xf32, #tpu.memory_space<vmem>>, vector<16xf32>,
      %scan3A_413 = arith.constant 0 : i32
      scf.yield %scan3A_413 : i32
    }
    %scan3A_22 = arith.constant 10 : i32
    %scan3A_23 = arith.constant 0 : i32
    %scan3A_24 = arith.constant 0 : i32
    %scan3A_25 = arith.constant 80 : i32
    %scan3A_26 = arith.addi %scan3A_24, %scan3A_25 : i32
    %scan3A_27 = arith.constant 1 : i32
    %scan3A_28 = scf.for %scan3A_380 = %scan3A_24 to %scan3A_26 step %scan3A_27 iter_args(%scan3A_381 = %scan3A_23) -> (i32)  : i32 {
      %swap3A = arith.index_cast %scan3A_380 : i32 to index
      %swap3A_382 = arith.constant 0 : index
      %swap3A_383 = tpu.vector_load %arg11[%swap3A, %swap3A_382] {strides = array<i32>} : memref<80x128xf32, #tpu.memory_space<vmem>>, vector<16xf32>,
      tpu.vector_store %arg11[%swap3A, %swap3A_382], %broadcast_in_dim3A_16 {strides = array<i32>} : memref<80x128xf32, #tpu.memory_space<vmem>>, vector<16xf32>,
      %swap3A_384 = arith.index_cast %scan3A_380 : i32 to index
      %swap3A_385 = arith.constant 16 : index
      %swap3A_386 = tpu.vector_load %arg11[%swap3A_384, %swap3A_385] {strides = array<i32>} : memref<80x128xf32, #tpu.memory_space<vmem>>, vector<16xf32>,
      tpu.vector_store %arg11[%swap3A_384, %swap3A_385], %broadcast_in_dim3A_16 {strides = array<i32>} : memref<80x128xf32, #tpu.memory_space<vmem>>, vector<16xf32>,
      %swap3A_387 = arith.index_cast %scan3A_380 : i32 to index
      %swap3A_388 = arith.constant 32 : index
      %swap3A_389 = tpu.vector_load %arg11[%swap3A_387, %swap3A_388] {strides = array<i32>} : memref<80x128xf32, #tpu.memory_space<vmem>>, vector<16xf32>,
      tpu.vector_store %arg11[%swap3A_387, %swap3A_388], %broadcast_in_dim3A_16 {strides = array<i32>} : memref<80x128xf32, #tpu.memory_space<vmem>>, vector<16xf32>,
      %swap3A_390 = arith.index_cast %scan3A_380 : i32 to index
      %swap3A_391 = arith.constant 48 : index
      %swap3A_392 = tpu.vector_load %arg11[%swap3A_390, %swap3A_391] {strides = array<i32>} : memref<80x128xf32, #tpu.memory_space<vmem>>, vector<16xf32>,
      tpu.vector_store %arg11[%swap3A_390, %swap3A_391], %broadcast_in_dim3A_16 {strides = array<i32>} : memref<80x128xf32, #tpu.memory_space<vmem>>, vector<16xf32>,
      %swap3A_393 = arith.index_cast %scan3A_380 : i32 to index
      %swap3A_394 = arith.constant 64 : index
      %swap3A_395 = tpu.vector_load %arg11[%swap3A_393, %swap3A_394] {strides = array<i32>} : memref<80x128xf32, #tpu.memory_space<vmem>>, vector<16xf32>,
      tpu.vector_store %arg11[%swap3A_393, %swap3A_394], %broadcast_in_dim3A_16 {strides = array<i32>} : memref<80x128xf32, #tpu.memory_space<vmem>>, vector<16xf32>,
      %swap3A_396 = arith.index_cast %scan3A_380 : i32 to index
      %swap3A_397 = arith.constant 80 : index
      %swap3A_398 = tpu.vector_load %arg11[%swap3A_396, %swap3A_397] {strides = array<i32>} : memref<80x128xf32, #tpu.memory_space<vmem>>, vector<16xf32>,
      tpu.vector_store %arg11[%swap3A_396, %swap3A_397], %broadcast_in_dim3A_16 {strides = array<i32>} : memref<80x128xf32, #tpu.memory_space<vmem>>, vector<16xf32>,
      %swap3A_399 = arith.index_cast %scan3A_380 : i32 to index
      %swap3A_400 = arith.constant 96 : index
      %swap3A_401 = tpu.vector_load %arg11[%swap3A_399, %swap3A_400] {strides = array<i32>} : memref<80x128xf32, #tpu.memory_space<vmem>>, vector<16xf32>,
      tpu.vector_store %arg11[%swap3A_399, %swap3A_400], %broadcast_in_dim3A_16 {strides = array<i32>} : memref<80x128xf32, #tpu.memory_space<vmem>>, vector<16xf32>,
      %swap3A_402 = arith.index_cast %scan3A_380 : i32 to index
      %swap3A_403 = arith.constant 112 : index
      %swap3A_404 = tpu.vector_load %arg11[%swap3A_402, %swap3A_403] {strides = array<i32>} : memref<80x128xf32, #tpu.memory_space<vmem>>, vector<16xf32>,
      tpu.vector_store %arg11[%swap3A_402, %swap3A_403], %broadcast_in_dim3A_16 {strides = array<i32>} : memref<80x128xf32, #tpu.memory_space<vmem>>, vector<16xf32>,
      %scan3A_405 = arith.constant 0 : i32
      scf.yield %scan3A_405 : i32
    }
    %scan3A_29 = arith.constant 80 : i32
    %mul3A_30 = arith.constant 624 : i32
    %mul3A_31 = arith.muli %arg1, %mul3A_30 : i32
    %add3A_32 = arith.constant 0 : i32
    %add3A_33 = arith.addi %mul3A_31, %add3A_32 : i32
    %dma_start3A_34 = arith.constant 0 : i32
    %dma_start3A_35 = tpu.memref_slice %arg28[%add3A_33, %dma_start3A_34] : memref<10000x128xf32, #tpu.memory_space<vmem_shared>> -> memref<80x128xf32, #tpu.memory_space<vmem_shared>>
    %dma_start3A_36 = arith.constant 0 : i32
    %dma_start3A_37 = tpu.memref_slice %arg28[%add3A_33, %dma_start3A_36] : memref<10000x128xf32, #tpu.memory_space<vmem_shared>> -> memref<80x128xf32, #tpu.memory_space<vmem_shared>>
    tpu.enqueue_dma source(%arg11 : memref<80x128xf32, #tpu.memory_space<vmem>>) target(%dma_start3A_37 : memref<80x128xf32, #tpu.memory_space<vmem_shared>>) target_semaphore(%arg30 : memref<!tpu.dma_semaphore, #tpu.memory_space<semaphore_mem>>)
    %add3A_38 = arith.constant 80 : i32
    %add3A_39 = arith.addi %mul3A_31, %add3A_38 : i32
    %dma_start3A_40 = arith.constant 0 : i32
    %dma_start3A_41 = tpu.memref_slice %arg28[%add3A_39, %dma_start3A_40] : memref<10000x128xf32, #tpu.memory_space<vmem_shared>> -> memref<80x128xf32, #tpu.memory_space<vmem_shared>>
    %dma_start3A_42 = arith.constant 0 : i32
    %dma_start3A_43 = tpu.memref_slice %arg28[%add3A_39, %dma_start3A_42] : memref<10000x128xf32, #tpu.memory_space<vmem_shared>> -> memref<80x128xf32, #tpu.memory_space<vmem_shared>>
    tpu.enqueue_dma source(%arg11 : memref<80x128xf32, #tpu.memory_space<vmem>>) target(%dma_start3A_43 : memref<80x128xf32, #tpu.memory_space<vmem_shared>>) target_semaphore(%arg31 : memref<!tpu.dma_semaphore, #tpu.memory_space<semaphore_mem>>)
    %add3A_44 = arith.constant 160 : i32
    %add3A_45 = arith.addi %mul3A_31, %add3A_44 : i32
    %dma_start3A_46 = arith.constant 0 : i32
    %dma_start3A_47 = tpu.memref_slice %arg28[%add3A_45, %dma_start3A_46] : memref<10000x128xf32, #tpu.memory_space<vmem_shared>> -> memref<80x128xf32, #tpu.memory_space<vmem_shared>>
    %dma_start3A_48 = arith.constant 0 : i32
    %dma_start3A_49 = tpu.memref_slice %arg28[%add3A_45, %dma_start3A_48] : memref<10000x128xf32, #tpu.memory_space<vmem_shared>> -> memref<80x128xf32, #tpu.memory_space<vmem_shared>>
    tpu.enqueue_dma source(%arg11 : memref<80x128xf32, #tpu.memory_space<vmem>>) target(%dma_start3A_49 : memref<80x128xf32, #tpu.memory_space<vmem_shared>>) target_semaphore(%arg32 : memref<!tpu.dma_semaphore, #tpu.memory_space<semaphore_mem>>)
    %add3A_50 = arith.constant 240 : i32
    %add3A_51 = arith.addi %mul3A_31, %add3A_50 : i32
    %dma_start3A_52 = arith.constant 0 : i32
    %dma_start3A_53 = tpu.memref_slice %arg28[%add3A_51, %dma_start3A_52] : memref<10000x128xf32, #tpu.memory_space<vmem_shared>> -> memref<80x128xf32, #tpu.memory_space<vmem_shared>>
    %dma_start3A_54 = arith.constant 0 : i32
    %dma_start3A_55 = tpu.memref_slice %arg28[%add3A_51, %dma_start3A_54] : memref<10000x128xf32, #tpu.memory_space<vmem_shared>> -> memref<80x128xf32, #tpu.memory_space<vmem_shared>>
    tpu.enqueue_dma source(%arg11 : memref<80x128xf32, #tpu.memory_space<vmem>>) target(%dma_start3A_55 : memref<80x128xf32, #tpu.memory_space<vmem_shared>>) target_semaphore(%arg30 : memref<!tpu.dma_semaphore, #tpu.memory_space<semaphore_mem>>)
    %add3A_56 = arith.constant 320 : i32
    %add3A_57 = arith.addi %mul3A_31, %add3A_56 : i32
    %dma_start3A_58 = arith.constant 0 : i32
    %dma_start3A_59 = tpu.memref_slice %arg28[%add3A_57, %dma_start3A_58] : memref<10000x128xf32, #tpu.memory_space<vmem_shared>> -> memref<80x128xf32, #tpu.memory_space<vmem_shared>>
    %dma_start3A_60 = arith.constant 0 : i32
    %dma_start3A_61 = tpu.memref_slice %arg28[%add3A_57, %dma_start3A_60] : memref<10000x128xf32, #tpu.memory_space<vmem_shared>> -> memref<80x128xf32, #tpu.memory_space<vmem_shared>>
    tpu.enqueue_dma source(%arg11 : memref<80x128xf32, #tpu.memory_space<vmem>>) target(%dma_start3A_61 : memref<80x128xf32, #tpu.memory_space<vmem_shared>>) target_semaphore(%arg31 : memref<!tpu.dma_semaphore, #tpu.memory_space<semaphore_mem>>)
    %add3A_62 = arith.constant 400 : i32
    %add3A_63 = arith.addi %mul3A_31, %add3A_62 : i32
    %dma_start3A_64 = arith.constant 0 : i32
    %dma_start3A_65 = tpu.memref_slice %arg28[%add3A_63, %dma_start3A_64] : memref<10000x128xf32, #tpu.memory_space<vmem_shared>> -> memref<80x128xf32, #tpu.memory_space<vmem_shared>>
    %dma_start3A_66 = arith.constant 0 : i32
    %dma_start3A_67 = tpu.memref_slice %arg28[%add3A_63, %dma_start3A_66] : memref<10000x128xf32, #tpu.memory_space<vmem_shared>> -> memref<80x128xf32, #tpu.memory_space<vmem_shared>>
    tpu.enqueue_dma source(%arg11 : memref<80x128xf32, #tpu.memory_space<vmem>>) target(%dma_start3A_67 : memref<80x128xf32, #tpu.memory_space<vmem_shared>>) target_semaphore(%arg32 : memref<!tpu.dma_semaphore, #tpu.memory_space<semaphore_mem>>)
    %add3A_68 = arith.constant 480 : i32
    %add3A_69 = arith.addi %mul3A_31, %add3A_68 : i32
    %dma_start3A_70 = arith.constant 0 : i32
    %dma_start3A_71 = tpu.memref_slice %arg28[%add3A_69, %dma_start3A_70] : memref<10000x128xf32, #tpu.memory_space<vmem_shared>> -> memref<80x128xf32, #tpu.memory_space<vmem_shared>>
    %dma_start3A_72 = arith.constant 0 : i32
    %dma_start3A_73 = tpu.memref_slice %arg28[%add3A_69, %dma_start3A_72] : memref<10000x128xf32, #tpu.memory_space<vmem_shared>> -> memref<80x128xf32, #tpu.memory_space<vmem_shared>>
    tpu.enqueue_dma source(%arg11 : memref<80x128xf32, #tpu.memory_space<vmem>>) target(%dma_start3A_73 : memref<80x128xf32, #tpu.memory_space<vmem_shared>>) target_semaphore(%arg30 : memref<!tpu.dma_semaphore, #tpu.memory_space<semaphore_mem>>)
    %add3A_74 = arith.constant 560 : i32
    %add3A_75 = arith.addi %mul3A_31, %add3A_74 : i32
    %dma_start3A_76 = arith.constant 0 : i32
    %dma_start3A_77 = tpu.memref_slice %arg28[%add3A_75, %dma_start3A_76] : memref<10000x128xf32, #tpu.memory_space<vmem_shared>> -> memref<80x128xf32, #tpu.memory_space<vmem_shared>>
    %dma_start3A_78 = arith.constant 0 : i32
    %dma_start3A_79 = tpu.memref_slice %arg28[%add3A_75, %dma_start3A_78] : memref<10000x128xf32, #tpu.memory_space<vmem_shared>> -> memref<80x128xf32, #tpu.memory_space<vmem_shared>>
    tpu.enqueue_dma source(%arg11 : memref<80x128xf32, #tpu.memory_space<vmem>>) target(%dma_start3A_79 : memref<80x128xf32, #tpu.memory_space<vmem_shared>>) target_semaphore(%arg31 : memref<!tpu.dma_semaphore, #tpu.memory_space<semaphore_mem>>)
    "tpu.region"() ({
      %run_scoped3A = tpu.sem_alloc : memref<!tpu.dma_semaphore, #tpu.memory_space<semaphore_mem>>
      %dma_start3A_380 = tpu.memref_slice %arg29[%mul3A_31] : memref<10000xf32, #tpu.memory_space<vmem_shared>> -> memref<640xf32, #tpu.memory_space<vmem_shared>>
      %dma_start3A_381 = tpu.memref_slice %arg29[%mul3A_31] : memref<10000xf32, #tpu.memory_space<vmem_shared>> -> memref<640xf32, #tpu.memory_space<vmem_shared>>
      tpu.enqueue_dma source(%arg27 : memref<640xf32, #tpu.memory_space<vmem>>) target(%dma_start3A_381 : memref<640xf32, #tpu.memory_space<vmem_shared>>) target_semaphore(%run_scoped3A : memref<!tpu.dma_semaphore, #tpu.memory_space<semaphore_mem>>)
      %dma_wait3A_382 = tpu.memref_slice %arg29[%mul3A_31] : memref<10000xf32, #tpu.memory_space<vmem_shared>> -> memref<640xf32, #tpu.memory_space<vmem_shared>>
      %dma_wait3A_383 = tpu.memref_slice %arg29[%mul3A_31] : memref<10000xf32, #tpu.memory_space<vmem_shared>> -> memref<640xf32, #tpu.memory_space<vmem_shared>>
      tpu.wait_dma2 semaphore(%run_scoped3A : memref<!tpu.dma_semaphore, #tpu.memory_space<semaphore_mem>>) src(%arg27 : memref<640xf32, #tpu.memory_space<vmem>>) dst(%dma_wait3A_383 : memref<640xf32, #tpu.memory_space<vmem_shared>>)
      tpu.yield
    }) : () -> ()
    %add3A_80 = arith.constant 0 : i32
    %add3A_81 = arith.addi %mul3A_31, %add3A_80 : i32
    %dma_wait3A = arith.constant 0 : i32
    %dma_wait3A_82 = tpu.memref_slice %arg28[%add3A_81, %dma_wait3A] : memref<10000x128xf32, #tpu.memory_space<vmem_shared>> -> memref<80x128xf32, #tpu.memory_space<vmem_shared>>
    %dma_wait3A_83 = arith.constant 0 : i32
    %dma_wait3A_84 = tpu.memref_slice %arg28[%add3A_81, %dma_wait3A_83] : memref<10000x128xf32, #tpu.memory_space<vmem_shared>> -> memref<80x128xf32, #tpu.memory_space<vmem_shared>>
    tpu.wait_dma2 semaphore(%arg30 : memref<!tpu.dma_semaphore, #tpu.memory_space<semaphore_mem>>) src(%arg11 : memref<80x128xf32, #tpu.memory_space<vmem>>) dst(%dma_wait3A_84 : memref<80x128xf32, #tpu.memory_space<vmem_shared>>)
    %add3A_85 = arith.constant 80 : i32
    %add3A_86 = arith.addi %mul3A_31, %add3A_85 : i32
    %dma_wait3A_87 = arith.constant 0 : i32
    %dma_wait3A_88 = tpu.memref_slice %arg28[%add3A_86, %dma_wait3A_87] : memref<10000x128xf32, #tpu.memory_space<vmem_shared>> -> memref<80x128xf32, #tpu.memory_space<vmem_shared>>
    %dma_wait3A_89 = arith.constant 0 : i32
    %dma_wait3A_90 = tpu.memref_slice %arg28[%add3A_86, %dma_wait3A_89] : memref<10000x128xf32, #tpu.memory_space<vmem_shared>> -> memref<80x128xf32, #tpu.memory_space<vmem_shared>>
    tpu.wait_dma2 semaphore(%arg31 : memref<!tpu.dma_semaphore, #tpu.memory_space<semaphore_mem>>) src(%arg11 : memref<80x128xf32, #tpu.memory_space<vmem>>) dst(%dma_wait3A_90 : memref<80x128xf32, #tpu.memory_space<vmem_shared>>)
    %add3A_91 = arith.constant 160 : i32
    %add3A_92 = arith.addi %mul3A_31, %add3A_91 : i32
    %dma_wait3A_93 = arith.constant 0 : i32
    %dma_wait3A_94 = tpu.memref_slice %arg28[%add3A_92, %dma_wait3A_93] : memref<10000x128xf32, #tpu.memory_space<vmem_shared>> -> memref<80x128xf32, #tpu.memory_space<vmem_shared>>
    %dma_wait3A_95 = arith.constant 0 : i32
    %dma_wait3A_96 = tpu.memref_slice %arg28[%add3A_92, %dma_wait3A_95] : memref<10000x128xf32, #tpu.memory_space<vmem_shared>> -> memref<80x128xf32, #tpu.memory_space<vmem_shared>>
    tpu.wait_dma2 semaphore(%arg32 : memref<!tpu.dma_semaphore, #tpu.memory_space<semaphore_mem>>) src(%arg11 : memref<80x128xf32, #tpu.memory_space<vmem>>) dst(%dma_wait3A_96 : memref<80x128xf32, #tpu.memory_space<vmem_shared>>)
    %add3A_97 = arith.constant 240 : i32
    %add3A_98 = arith.addi %mul3A_31, %add3A_97 : i32
    %dma_wait3A_99 = arith.constant 0 : i32
    %dma_wait3A_100 = tpu.memref_slice %arg28[%add3A_98, %dma_wait3A_99] : memref<10000x128xf32, #tpu.memory_space<vmem_shared>> -> memref<80x128xf32, #tpu.memory_space<vmem_shared>>
    %dma_wait3A_101 = arith.constant 0 : i32
    %dma_wait3A_102 = tpu.memref_slice %arg28[%add3A_98, %dma_wait3A_101] : memref<10000x128xf32, #tpu.memory_space<vmem_shared>> -> memref<80x128xf32, #tpu.memory_space<vmem_shared>>
    tpu.wait_dma2 semaphore(%arg30 : memref<!tpu.dma_semaphore, #tpu.memory_space<semaphore_mem>>) src(%arg11 : memref<80x128xf32, #tpu.memory_space<vmem>>) dst(%dma_wait3A_102 : memref<80x128xf32, #tpu.memory_space<vmem_shared>>)
    %add3A_103 = arith.constant 320 : i32
    %add3A_104 = arith.addi %mul3A_31, %add3A_103 : i32
    %dma_wait3A_105 = arith.constant 0 : i32
    %dma_wait3A_106 = tpu.memref_slice %arg28[%add3A_104, %dma_wait3A_105] : memref<10000x128xf32, #tpu.memory_space<vmem_shared>> -> memref<80x128xf32, #tpu.memory_space<vmem_shared>>
    %dma_wait3A_107 = arith.constant 0 : i32
    %dma_wait3A_108 = tpu.memref_slice %arg28[%add3A_104, %dma_wait3A_107] : memref<10000x128xf32, #tpu.memory_space<vmem_shared>> -> memref<80x128xf32, #tpu.memory_space<vmem_shared>>
    tpu.wait_dma2 semaphore(%arg31 : memref<!tpu.dma_semaphore, #tpu.memory_space<semaphore_mem>>) src(%arg11 : memref<80x128xf32, #tpu.memory_space<vmem>>) dst(%dma_wait3A_108 : memref<80x128xf32, #tpu.memory_space<vmem_shared>>)
    %add3A_109 = arith.constant 400 : i32
    %add3A_110 = arith.addi %mul3A_31, %add3A_109 : i32
    %dma_wait3A_111 = arith.constant 0 : i32
    %dma_wait3A_112 = tpu.memref_slice %arg28[%add3A_110, %dma_wait3A_111] : memref<10000x128xf32, #tpu.memory_space<vmem_shared>> -> memref<80x128xf32, #tpu.memory_space<vmem_shared>>
    %dma_wait3A_113 = arith.constant 0 : i32
    %dma_wait3A_114 = tpu.memref_slice %arg28[%add3A_110, %dma_wait3A_113] : memref<10000x128xf32, #tpu.memory_space<vmem_shared>> -> memref<80x128xf32, #tpu.memory_space<vmem_shared>>
    tpu.wait_dma2 semaphore(%arg32 : memref<!tpu.dma_semaphore, #tpu.memory_space<semaphore_mem>>) src(%arg11 : memref<80x128xf32, #tpu.memory_space<vmem>>) dst(%dma_wait3A_114 : memref<80x128xf32, #tpu.memory_space<vmem_shared>>)
    %add3A_115 = arith.constant 480 : i32
    %add3A_116 = arith.addi %mul3A_31, %add3A_115 : i32
    %dma_wait3A_117 = arith.constant 0 : i32
    %dma_wait3A_118 = tpu.memref_slice %arg28[%add3A_116, %dma_wait3A_117] : memref<10000x128xf32, #tpu.memory_space<vmem_shared>> -> memref<80x128xf32, #tpu.memory_space<vmem_shared>>
    %dma_wait3A_119 = arith.constant 0 : i32
    %dma_wait3A_120 = tpu.memref_slice %arg28[%add3A_116, %dma_wait3A_119] : memref<10000x128xf32, #tpu.memory_space<vmem_shared>> -> memref<80x128xf32, #tpu.memory_space<vmem_shared>>
    tpu.wait_dma2 semaphore(%arg30 : memref<!tpu.dma_semaphore, #tpu.memory_space<semaphore_mem>>) src(%arg11 : memref<80x128xf32, #tpu.memory_space<vmem>>) dst(%dma_wait3A_120 : memref<80x128xf32, #tpu.memory_space<vmem_shared>>)
    %add3A_121 = arith.constant 560 : i32
    %add3A_122 = arith.addi %mul3A_31, %add3A_121 : i32
    %dma_wait3A_123 = arith.constant 0 : i32
    %dma_wait3A_124 = tpu.memref_slice %arg28[%add3A_122, %dma_wait3A_123] : memref<10000x128xf32, #tpu.memory_space<vmem_shared>> -> memref<80x128xf32, #tpu.memory_space<vmem_shared>>
    %dma_wait3A_125 = arith.constant 0 : i32
    %dma_wait3A_126 = tpu.memref_slice %arg28[%add3A_122, %dma_wait3A_125] : memref<10000x128xf32, #tpu.memory_space<vmem_shared>> -> memref<80x128xf32, #tpu.memory_space<vmem_shared>>
    tpu.wait_dma2 semaphore(%arg31 : memref<!tpu.dma_semaphore, #tpu.memory_space<semaphore_mem>>) src(%arg11 : memref<80x128xf32, #tpu.memory_space<vmem>>) dst(%dma_wait3A_126 : memref<80x128xf32, #tpu.memory_space<vmem_shared>>)
    %barrier3A = arith.constant 0 : index
    tpu.barrier barrier_id(%barrier3A)
    %mul3A_127 = arith.constant 10000 : i32
    %mul3A_128 = arith.muli %add3A, %mul3A_127 : i32
    %add3A_129 = arith.constant 0 : i32
    %add3A_130 = arith.addi %mul3A_128, %add3A_129 : i32
    %dma_wait3A_131 = tpu.memref_slice %arg5[%add3A_130] : memref<320000xi32, #tpu.memory_space<hbm>> -> memref<80xi32, #tpu.memory_space<hbm>>
    %dma_wait3A_132 = tpu.memref_slice %arg5[%add3A_130] : memref<320000xi32, #tpu.memory_space<hbm>> -> memref<80xi32, #tpu.memory_space<hbm>>
    tpu.wait_dma2 semaphore(%arg36 : memref<!tpu.dma_semaphore, #tpu.memory_space<semaphore_mem>>) src(%dma_wait3A_132 : memref<80xi32, #tpu.memory_space<hbm>>) dst(%arg21 : memref<80xi32, #tpu.memory_space<vmem>>)
    %dma_wait3A_133 = tpu.memref_slice %arg6[%add3A_130] : memref<320000xi32, #tpu.memory_space<hbm>> -> memref<80xi32, #tpu.memory_space<hbm>>
    %dma_wait3A_134 = tpu.memref_slice %arg6[%add3A_130] : memref<320000xi32, #tpu.memory_space<hbm>> -> memref<80xi32, #tpu.memory_space<hbm>>
    tpu.wait_dma2 semaphore(%arg36 : memref<!tpu.dma_semaphore, #tpu.memory_space<semaphore_mem>>) src(%dma_wait3A_134 : memref<80xi32, #tpu.memory_space<hbm>>) dst(%arg24 : memref<80xi32, #tpu.memory_space<vmem>>)
    %dma_start3A_135 = arith.constant 0 : i32
    %dma_start3A_136 = arith.constant 0 : i32
    %dma_start3A_137 = tpu.memref_slice %arg2[%dma_start3A_135, %dma_start3A_136] : memref<10240x128xf32, #tpu.memory_space<hbm>> -> memref<10240x128xf32, #tpu.memory_space<hbm>>
    tpu.enqueue_indirect_dma source(%dma_start3A_137 : memref<10240x128xf32, #tpu.memory_space<hbm>>) target(%arg9 : memref<80x128xf32, #tpu.memory_space<vmem>>) offsets(%arg21 : memref<80xi32, #tpu.memory_space<vmem>>) semaphore(%arg30 : memref<!tpu.dma_semaphore, #tpu.memory_space<semaphore_mem>>)
    %dma_start3A_138 = arith.constant 0 : i32
    %dma_start3A_139 = tpu.memref_slice %arg3[%dma_start3A_138] : memref<10240xf32, #tpu.memory_space<hbm>> -> memref<10240xf32, #tpu.memory_space<hbm>>
    tpu.enqueue_indirect_dma source(%dma_start3A_139 : memref<10240xf32, #tpu.memory_space<hbm>>) target(%arg12 : memref<80xf32, #tpu.memory_space<vmem>>) offsets(%arg21 : memref<80xi32, #tpu.memory_space<vmem>>) semaphore(%arg36 : memref<!tpu.dma_semaphore, #tpu.memory_space<semaphore_mem>>)
    %dma_start3A_140 = arith.constant 0 : i32
    %dma_start3A_141 = tpu.memref_slice %arg4[%dma_start3A_140] : memref<10240xf32, #tpu.memory_space<hbm>> -> memref<10240xf32, #tpu.memory_space<hbm>>
    tpu.enqueue_indirect_dma source(%dma_start3A_141 : memref<10240xf32, #tpu.memory_space<hbm>>) target(%arg15 : memref<80xf32, #tpu.memory_space<vmem>>) offsets(%arg24 : memref<80xi32, #tpu.memory_space<vmem>>) semaphore(%arg36 : memref<!tpu.dma_semaphore, #tpu.memory_space<semaphore_mem>>)
    %mul3A_142 = arith.constant 10000 : i32
    %mul3A_143 = arith.muli %add3A, %mul3A_142 : i32
    %add3A_144 = arith.constant 80 : i32
    %add3A_145 = arith.addi %mul3A_143, %add3A_144 : i32
    %dma_wait3A_146 = tpu.memref_slice %arg5[%add3A_145] : memref<320000xi32, #tpu.memory_space<hbm>> -> memref<80xi32, #tpu.memory_space<hbm>>
    %dma_wait3A_147 = tpu.memref_slice %arg5[%add3A_145] : memref<320000xi32, #tpu.memory_space<hbm>> -> memref<80xi32, #tpu.memory_space<hbm>>
    tpu.wait_dma2 semaphore(%arg37 : memref<!tpu.dma_semaphore, #tpu.memory_space<semaphore_mem>>) src(%dma_wait3A_147 : memref<80xi32, #tpu.memory_space<hbm>>) dst(%arg22 : memref<80xi32, #tpu.memory_space<vmem>>)
    %dma_wait3A_148 = tpu.memref_slice %arg6[%add3A_145] : memref<320000xi32, #tpu.memory_space<hbm>> -> memref<80xi32, #tpu.memory_space<hbm>>
    %dma_wait3A_149 = tpu.memref_slice %arg6[%add3A_145] : memref<320000xi32, #tpu.memory_space<hbm>> -> memref<80xi32, #tpu.memory_space<hbm>>
    tpu.wait_dma2 semaphore(%arg37 : memref<!tpu.dma_semaphore, #tpu.memory_space<semaphore_mem>>) src(%dma_wait3A_149 : memref<80xi32, #tpu.memory_space<hbm>>) dst(%arg25 : memref<80xi32, #tpu.memory_space<vmem>>)
    %dma_start3A_150 = arith.constant 0 : i32
    %dma_start3A_151 = arith.constant 0 : i32
    %dma_start3A_152 = tpu.memref_slice %arg2[%dma_start3A_150, %dma_start3A_151] : memref<10240x128xf32, #tpu.memory_space<hbm>> -> memref<10240x128xf32, #tpu.memory_space<hbm>>
    tpu.enqueue_indirect_dma source(%dma_start3A_152 : memref<10240x128xf32, #tpu.memory_space<hbm>>) target(%arg10 : memref<80x128xf32, #tpu.memory_space<vmem>>) offsets(%arg22 : memref<80xi32, #tpu.memory_space<vmem>>) semaphore(%arg31 : memref<!tpu.dma_semaphore, #tpu.memory_space<semaphore_mem>>)
    %dma_start3A_153 = arith.constant 0 : i32
    %dma_start3A_154 = tpu.memref_slice %arg3[%dma_start3A_153] : memref<10240xf32, #tpu.memory_space<hbm>> -> memref<10240xf32, #tpu.memory_space<hbm>>
    tpu.enqueue_indirect_dma source(%dma_start3A_154 : memref<10240xf32, #tpu.memory_space<hbm>>) target(%arg13 : memref<80xf32, #tpu.memory_space<vmem>>) offsets(%arg22 : memref<80xi32, #tpu.memory_space<vmem>>) semaphore(%arg37 : memref<!tpu.dma_semaphore, #tpu.memory_space<semaphore_mem>>)
    %dma_start3A_155 = arith.constant 0 : i32
    %dma_start3A_156 = tpu.memref_slice %arg4[%dma_start3A_155] : memref<10240xf32, #tpu.memory_space<hbm>> -> memref<10240xf32, #tpu.memory_space<hbm>>
    tpu.enqueue_indirect_dma source(%dma_start3A_156 : memref<10240xf32, #tpu.memory_space<hbm>>) target(%arg16 : memref<80xf32, #tpu.memory_space<vmem>>) offsets(%arg25 : memref<80xi32, #tpu.memory_space<vmem>>) semaphore(%arg37 : memref<!tpu.dma_semaphore, #tpu.memory_space<semaphore_mem>>)
    %dma_wait3A_157 = arith.constant 0 : i32
    %dma_wait3A_158 = tpu.memref_slice %arg3[%dma_wait3A_157] : memref<10240xf32, #tpu.memory_space<hbm>> -> memref<10240xf32, #tpu.memory_space<hbm>>
    tpu.wait_indirect_dma semaphore(%arg36 : memref<!tpu.dma_semaphore, #tpu.memory_space<semaphore_mem>>) src(%dma_wait3A_158 : memref<10240xf32, #tpu.memory_space<hbm>>) dst(%arg12 : memref<80xf32, #tpu.memory_space<vmem>>)
    %dma_wait3A_159 = arith.constant 0 : i32
    %dma_wait3A_160 = tpu.memref_slice %arg4[%dma_wait3A_159] : memref<10240xf32, #tpu.memory_space<hbm>> -> memref<10240xf32, #tpu.memory_space<hbm>>
    tpu.wait_indirect_dma semaphore(%arg36 : memref<!tpu.dma_semaphore, #tpu.memory_space<semaphore_mem>>) src(%dma_wait3A_160 : memref<10240xf32, #tpu.memory_space<hbm>>) dst(%arg15 : memref<80xf32, #tpu.memory_space<vmem>>)
    %parallel_loop3A = arith.constant 0 : i32
    %parallel_loop3A_161 = arith.constant 5 : i32
    %parallel_loop3A_162 = arith.constant 1 : i32
    scf.for %parallel_loop3A_380 = %parallel_loop3A to %parallel_loop3A_161 step %parallel_loop3A_162  : i32 {
      %parallel_loop3A_381 = arith.constant 16 : i32
      %parallel_loop3A_382 = arith.muli %parallel_loop3A_380, %parallel_loop3A_381 : i32
      %parallel_loop3A_383 = arith.index_cast %parallel_loop3A_382 : i32 to index
      %parallel_loop3A_384 = tpu.vector_load %arg12[%parallel_loop3A_383] {strides = array<i32>} : memref<80xf32, #tpu.memory_space<vmem>>, vector<16xf32>,
      %parallel_loop3A_385 = arith.constant 16 : i32
      %parallel_loop3A_386 = arith.muli %parallel_loop3A_380, %parallel_loop3A_385 : i32
      %parallel_loop3A_387 = arith.index_cast %parallel_loop3A_386 : i32 to index
      %parallel_loop3A_388 = tpu.vector_load %arg15[%parallel_loop3A_387] {strides = array<i32>} : memref<80xf32, #tpu.memory_space<vmem>>, vector<16xf32>,
      %parallel_loop3A_389 = arith.addf %parallel_loop3A_384, %parallel_loop3A_388 : vector<16xf32>
      %parallel_loop3A_390 = arith.constant 0.000000e+00 : f32
      %parallel_loop3A_391 = vector.broadcast %parallel_loop3A_390 : f32 to vector<16xf32>
      %parallel_loop3A_392 = arith.cmpf oge, %parallel_loop3A_389, %parallel_loop3A_391 : vector<16xf32>
      %parallel_loop3A_393 = arith.constant 0.00999999977 : f32
      %parallel_loop3A_394 = vector.broadcast %parallel_loop3A_393 : f32 to vector<16xf32>
      %parallel_loop3A_395 = arith.mulf %parallel_loop3A_389, %parallel_loop3A_394 : vector<16xf32>
      %parallel_loop3A_396 = arith.select %parallel_loop3A_392, %parallel_loop3A_389, %parallel_loop3A_395 : vector<16xi1>, vector<16xf32>
      %parallel_loop3A_397 = math.exp %parallel_loop3A_396 : vector<16xf32>
      %parallel_loop3A_398 = arith.constant 16 : i32
      %parallel_loop3A_399 = arith.muli %parallel_loop3A_380, %parallel_loop3A_398 : i32
      %parallel_loop3A_400 = arith.index_cast %parallel_loop3A_399 : i32 to index
      %parallel_loop3A_401 = tpu.vector_load %arg18[%parallel_loop3A_400] {strides = array<i32>} : memref<80xf32, #tpu.memory_space<vmem>>, vector<16xf32>,
      tpu.vector_store %arg18[%parallel_loop3A_400], %parallel_loop3A_397 {strides = array<i32>} : memref<80xf32, #tpu.memory_space<vmem>>, vector<16xf32>,
    } {sc.loop_unroll_factor = 5 : i64, sc.parallel_access}
    %dma_wait3A_163 = arith.constant 0 : i32
    %dma_wait3A_164 = arith.constant 0 : i32
    %dma_wait3A_165 = tpu.memref_slice %arg2[%dma_wait3A_163, %dma_wait3A_164] : memref<10240x128xf32, #tpu.memory_space<hbm>> -> memref<10240x128xf32, #tpu.memory_space<hbm>>
    tpu.wait_indirect_dma semaphore(%arg30 : memref<!tpu.dma_semaphore, #tpu.memory_space<semaphore_mem>>) src(%dma_wait3A_165 : memref<10240x128xf32, #tpu.memory_space<hbm>>) dst(%arg9 : memref<80x128xf32, #tpu.memory_space<vmem>>)
    %parallel_loop3A_166 = arith.constant 0 : i32
    %parallel_loop3A_167 = arith.constant 80 : i32
    %parallel_loop3A_168 = arith.constant 1 : i32
    scf.for %parallel_loop3A_380 = %parallel_loop3A_166 to %parallel_loop3A_167 step %parallel_loop3A_168  : i32 {
      %parallel_loop3A_381 = vector.broadcast %parallel_loop3A_380 : i32 to vector<16xi32>
      %parallel_loop3A_382 = tpu.vector_load_idx %arg18[%parallel_loop3A_381] : memref<80xf32, #tpu.memory_space<vmem>>[vector<16xi32>], vector<16xf32>,
      %parallel_loop3A_383 = arith.index_cast %parallel_loop3A_380 : i32 to index
      %parallel_loop3A_384 = arith.constant 0 : index
      %parallel_loop3A_385 = tpu.vector_load %arg9[%parallel_loop3A_383, %parallel_loop3A_384] {strides = array<i32>} : memref<80x128xf32, #tpu.memory_space<vmem>>, vector<16xf32>,
      %parallel_loop3A_386 = arith.mulf %parallel_loop3A_385, %parallel_loop3A_382 : vector<16xf32>
      %parallel_loop3A_387 = arith.index_cast %parallel_loop3A_380 : i32 to index
      %parallel_loop3A_388 = arith.constant 0 : index
      %parallel_loop3A_389 = tpu.vector_load %arg9[%parallel_loop3A_387, %parallel_loop3A_388] {strides = array<i32>} : memref<80x128xf32, #tpu.memory_space<vmem>>, vector<16xf32>,
      tpu.vector_store %arg9[%parallel_loop3A_387, %parallel_loop3A_388], %parallel_loop3A_386 {strides = array<i32>} : memref<80x128xf32, #tpu.memory_space<vmem>>, vector<16xf32>,
      %parallel_loop3A_390 = arith.index_cast %parallel_loop3A_380 : i32 to index
      %parallel_loop3A_391 = arith.constant 16 : index
      %parallel_loop3A_392 = tpu.vector_load %arg9[%parallel_loop3A_390, %parallel_loop3A_391] {strides = array<i32>} : memref<80x128xf32, #tpu.memory_space<vmem>>, vector<16xf32>,
      %parallel_loop3A_393 = arith.mulf %parallel_loop3A_392, %parallel_loop3A_382 : vector<16xf32>
      %parallel_loop3A_394 = arith.index_cast %parallel_loop3A_380 : i32 to index
      %parallel_loop3A_395 = arith.constant 16 : index
      %parallel_loop3A_396 = tpu.vector_load %arg9[%parallel_loop3A_394, %parallel_loop3A_395] {strides = array<i32>} : memref<80x128xf32, #tpu.memory_space<vmem>>, vector<16xf32>,
      tpu.vector_store %arg9[%parallel_loop3A_394, %parallel_loop3A_395], %parallel_loop3A_393 {strides = array<i32>} : memref<80x128xf32, #tpu.memory_space<vmem>>, vector<16xf32>,
      %parallel_loop3A_397 = arith.index_cast %parallel_loop3A_380 : i32 to index
      %parallel_loop3A_398 = arith.constant 32 : index
      %parallel_loop3A_399 = tpu.vector_load %arg9[%parallel_loop3A_397, %parallel_loop3A_398] {strides = array<i32>} : memref<80x128xf32, #tpu.memory_space<vmem>>, vector<16xf32>,
      %parallel_loop3A_400 = arith.mulf %parallel_loop3A_399, %parallel_loop3A_382 : vector<16xf32>
      %parallel_loop3A_401 = arith.index_cast %parallel_loop3A_380 : i32 to index
      %parallel_loop3A_402 = arith.constant 32 : index
      %parallel_loop3A_403 = tpu.vector_load %arg9[%parallel_loop3A_401, %parallel_loop3A_402] {strides = array<i32>} : memref<80x128xf32, #tpu.memory_space<vmem>>, vector<16xf32>,
      tpu.vector_store %arg9[%parallel_loop3A_401, %parallel_loop3A_402], %parallel_loop3A_400 {strides = array<i32>} : memref<80x128xf32, #tpu.memory_space<vmem>>, vector<16xf32>,
      %parallel_loop3A_404 = arith.index_cast %parallel_loop3A_380 : i32 to index
      %parallel_loop3A_405 = arith.constant 48 : index
      %parallel_loop3A_406 = tpu.vector_load %arg9[%parallel_loop3A_404, %parallel_loop3A_405] {strides = array<i32>} : memref<80x128xf32, #tpu.memory_space<vmem>>, vector<16xf32>,
      %parallel_loop3A_407 = arith.mulf %parallel_loop3A_406, %parallel_loop3A_382 : vector<16xf32>
      %parallel_loop3A_408 = arith.index_cast %parallel_loop3A_380 : i32 to index
      %parallel_loop3A_409 = arith.constant 48 : index
      %parallel_loop3A_410 = tpu.vector_load %arg9[%parallel_loop3A_408, %parallel_loop3A_409] {strides = array<i32>} : memref<80x128xf32, #tpu.memory_space<vmem>>, vector<16xf32>,
      tpu.vector_store %arg9[%parallel_loop3A_408, %parallel_loop3A_409], %parallel_loop3A_407 {strides = array<i32>} : memref<80x128xf32, #tpu.memory_space<vmem>>, vector<16xf32>,
      %parallel_loop3A_411 = arith.index_cast %parallel_loop3A_380 : i32 to index
      %parallel_loop3A_412 = arith.constant 64 : index
      %parallel_loop3A_413 = tpu.vector_load %arg9[%parallel_loop3A_411, %parallel_loop3A_412] {strides = array<i32>} : memref<80x128xf32, #tpu.memory_space<vmem>>, vector<16xf32>,
      %parallel_loop3A_414 = arith.mulf %parallel_loop3A_413, %parallel_loop3A_382 : vector<16xf32>
      %parallel_loop3A_415 = arith.index_cast %parallel_loop3A_380 : i32 to index
      %parallel_loop3A_416 = arith.constant 64 : index
      %parallel_loop3A_417 = tpu.vector_load %arg9[%parallel_loop3A_415, %parallel_loop3A_416] {strides = array<i32>} : memref<80x128xf32, #tpu.memory_space<vmem>>, vector<16xf32>,
      tpu.vector_store %arg9[%parallel_loop3A_415, %parallel_loop3A_416], %parallel_loop3A_414 {strides = array<i32>} : memref<80x128xf32, #tpu.memory_space<vmem>>, vector<16xf32>,
      %parallel_loop3A_418 = arith.index_cast %parallel_loop3A_380 : i32 to index
      %parallel_loop3A_419 = arith.constant 80 : index
      %parallel_loop3A_420 = tpu.vector_load %arg9[%parallel_loop3A_418, %parallel_loop3A_419] {strides = array<i32>} : memref<80x128xf32, #tpu.memory_space<vmem>>, vector<16xf32>,
      %parallel_loop3A_421 = arith.mulf %parallel_loop3A_420, %parallel_loop3A_382 : vector<16xf32>
      %parallel_loop3A_422 = arith.index_cast %parallel_loop3A_380 : i32 to index
      %parallel_loop3A_423 = arith.constant 80 : index
      %parallel_loop3A_424 = tpu.vector_load %arg9[%parallel_loop3A_422, %parallel_loop3A_423] {strides = array<i32>} : memref<80x128xf32, #tpu.memory_space<vmem>>, vector<16xf32>,
      tpu.vector_store %arg9[%parallel_loop3A_422, %parallel_loop3A_423], %parallel_loop3A_421 {strides = array<i32>} : memref<80x128xf32, #tpu.memory_space<vmem>>, vector<16xf32>,
      %parallel_loop3A_425 = arith.index_cast %parallel_loop3A_380 : i32 to index
      %parallel_loop3A_426 = arith.constant 96 : index
      %parallel_loop3A_427 = tpu.vector_load %arg9[%parallel_loop3A_425, %parallel_loop3A_426] {strides = array<i32>} : memref<80x128xf32, #tpu.memory_space<vmem>>, vector<16xf32>,
      %parallel_loop3A_428 = arith.mulf %parallel_loop3A_427, %parallel_loop3A_382 : vector<16xf32>
      %parallel_loop3A_429 = arith.index_cast %parallel_loop3A_380 : i32 to index
      %parallel_loop3A_430 = arith.constant 96 : index
      %parallel_loop3A_431 = tpu.vector_load %arg9[%parallel_loop3A_429, %parallel_loop3A_430] {strides = array<i32>} : memref<80x128xf32, #tpu.memory_space<vmem>>, vector<16xf32>,
      tpu.vector_store %arg9[%parallel_loop3A_429, %parallel_loop3A_430], %parallel_loop3A_428 {strides = array<i32>} : memref<80x128xf32, #tpu.memory_space<vmem>>, vector<16xf32>,
      %parallel_loop3A_432 = arith.index_cast %parallel_loop3A_380 : i32 to index
      %parallel_loop3A_433 = arith.constant 112 : index
      %parallel_loop3A_434 = tpu.vector_load %arg9[%parallel_loop3A_432, %parallel_loop3A_433] {strides = array<i32>} : memref<80x128xf32, #tpu.memory_space<vmem>>, vector<16xf32>,
      %parallel_loop3A_435 = arith.mulf %parallel_loop3A_434, %parallel_loop3A_382 : vector<16xf32>
      %parallel_loop3A_436 = arith.index_cast %parallel_loop3A_380 : i32 to index
      %parallel_loop3A_437 = arith.constant 112 : index
      %parallel_loop3A_438 = tpu.vector_load %arg9[%parallel_loop3A_436, %parallel_loop3A_437] {strides = array<i32>} : memref<80x128xf32, #tpu.memory_space<vmem>>, vector<16xf32>,
      tpu.vector_store %arg9[%parallel_loop3A_436, %parallel_loop3A_437], %parallel_loop3A_435 {strides = array<i32>} : memref<80x128xf32, #tpu.memory_space<vmem>>, vector<16xf32>,
    } {sc.loop_unroll_factor = 4 : i64, sc.parallel_access}
    %dma_start3A_169 = arith.constant 0 : i32
    %dma_start3A_170 = arith.constant 0 : i32
    %dma_start3A_171 = tpu.memref_slice %arg28[%dma_start3A_169, %dma_start3A_170] : memref<10000x128xf32, #tpu.memory_space<vmem_shared>> -> memref<10000x128xf32, #tpu.memory_space<vmem_shared>>
    tpu.enqueue_indirect_dma source(%arg9 : memref<80x128xf32, #tpu.memory_space<vmem>>) target(%dma_start3A_171 : memref<10000x128xf32, #tpu.memory_space<vmem_shared>>) offsets(%arg24 : memref<80xi32, #tpu.memory_space<vmem>>) semaphore(%arg33 : memref<!tpu.dma_semaphore, #tpu.memory_space<semaphore_mem>>) {add = true}
    %dma_start3A_172 = arith.constant 0 : i32
    %dma_start3A_173 = tpu.memref_slice %arg29[%dma_start3A_172] : memref<10000xf32, #tpu.memory_space<vmem_shared>> -> memref<10000xf32, #tpu.memory_space<vmem_shared>>
    tpu.enqueue_indirect_dma source(%arg18 : memref<80xf32, #tpu.memory_space<vmem>>) target(%dma_start3A_173 : memref<10000xf32, #tpu.memory_space<vmem_shared>>) offsets(%arg24 : memref<80xi32, #tpu.memory_space<vmem>>) semaphore(%arg33 : memref<!tpu.dma_semaphore, #tpu.memory_space<semaphore_mem>>) {add = true}
    %mul3A_174 = arith.constant 10000 : i32
    %mul3A_175 = arith.muli %add3A, %mul3A_174 : i32
    %add3A_176 = arith.constant 160 : i32
    %add3A_177 = arith.addi %mul3A_175, %add3A_176 : i32
    %dma_start3A_178 = tpu.memref_slice %arg5[%add3A_177] : memref<320000xi32, #tpu.memory_space<hbm>> -> memref<80xi32, #tpu.memory_space<hbm>>
    %dma_start3A_179 = tpu.memref_slice %arg5[%add3A_177] : memref<320000xi32, #tpu.memory_space<hbm>> -> memref<80xi32, #tpu.memory_space<hbm>>
    tpu.enqueue_dma source(%dma_start3A_179 : memref<80xi32, #tpu.memory_space<hbm>>) target(%arg23 : memref<80xi32, #tpu.memory_space<vmem>>) target_semaphore(%arg38 : memref<!tpu.dma_semaphore, #tpu.memory_space<semaphore_mem>>)
    %dma_start3A_180 = tpu.memref_slice %arg6[%add3A_177] : memref<320000xi32, #tpu.memory_space<hbm>> -> memref<80xi32, #tpu.memory_space<hbm>>
    %dma_start3A_181 = tpu.memref_slice %arg6[%add3A_177] : memref<320000xi32, #tpu.memory_space<hbm>> -> memref<80xi32, #tpu.memory_space<hbm>>
    tpu.enqueue_dma source(%dma_start3A_181 : memref<80xi32, #tpu.memory_space<hbm>>) target(%arg26 : memref<80xi32, #tpu.memory_space<vmem>>) target_semaphore(%arg38 : memref<!tpu.dma_semaphore, #tpu.memory_space<semaphore_mem>>)
    %mul3A_182 = arith.constant 10000 : i32
    %mul3A_183 = arith.muli %add3A, %mul3A_182 : i32
    %add3A_184 = arith.constant 160 : i32
    %add3A_185 = arith.addi %mul3A_183, %add3A_184 : i32
    %dma_wait3A_186 = tpu.memref_slice %arg5[%add3A_185] : memref<320000xi32, #tpu.memory_space<hbm>> -> memref<80xi32, #tpu.memory_space<hbm>>
    %dma_wait3A_187 = tpu.memref_slice %arg5[%add3A_185] : memref<320000xi32, #tpu.memory_space<hbm>> -> memref<80xi32, #tpu.memory_space<hbm>>
    tpu.wait_dma2 semaphore(%arg38 : memref<!tpu.dma_semaphore, #tpu.memory_space<semaphore_mem>>) src(%dma_wait3A_187 : memref<80xi32, #tpu.memory_space<hbm>>) dst(%arg23 : memref<80xi32, #tpu.memory_space<vmem>>)
    %dma_wait3A_188 = tpu.memref_slice %arg6[%add3A_185] : memref<320000xi32, #tpu.memory_space<hbm>> -> memref<80xi32, #tpu.memory_space<hbm>>
    %dma_wait3A_189 = tpu.memref_slice %arg6[%add3A_185] : memref<320000xi32, #tpu.memory_space<hbm>> -> memref<80xi32, #tpu.memory_space<hbm>>
    tpu.wait_dma2 semaphore(%arg38 : memref<!tpu.dma_semaphore, #tpu.memory_space<semaphore_mem>>) src(%dma_wait3A_189 : memref<80xi32, #tpu.memory_space<hbm>>) dst(%arg26 : memref<80xi32, #tpu.memory_space<vmem>>)
    %dma_start3A_190 = arith.constant 0 : i32
    %dma_start3A_191 = arith.constant 0 : i32
    %dma_start3A_192 = tpu.memref_slice %arg2[%dma_start3A_190, %dma_start3A_191] : memref<10240x128xf32, #tpu.memory_space<hbm>> -> memref<10240x128xf32, #tpu.memory_space<hbm>>
    tpu.enqueue_indirect_dma source(%dma_start3A_192 : memref<10240x128xf32, #tpu.memory_space<hbm>>) target(%arg11 : memref<80x128xf32, #tpu.memory_space<vmem>>) offsets(%arg23 : memref<80xi32, #tpu.memory_space<vmem>>) semaphore(%arg32 : memref<!tpu.dma_semaphore, #tpu.memory_space<semaphore_mem>>)
    %dma_start3A_193 = arith.constant 0 : i32
    %dma_start3A_194 = tpu.memref_slice %arg3[%dma_start3A_193] : memref<10240xf32, #tpu.memory_space<hbm>> -> memref<10240xf32, #tpu.memory_space<hbm>>
    tpu.enqueue_indirect_dma source(%dma_start3A_194 : memref<10240xf32, #tpu.memory_space<hbm>>) target(%arg14 : memref<80xf32, #tpu.memory_space<vmem>>) offsets(%arg23 : memref<80xi32, #tpu.memory_space<vmem>>) semaphore(%arg38 : memref<!tpu.dma_semaphore, #tpu.memory_space<semaphore_mem>>)
    %dma_start3A_195 = arith.constant 0 : i32
    %dma_start3A_196 = tpu.memref_slice %arg4[%dma_start3A_195] : memref<10240xf32, #tpu.memory_space<hbm>> -> memref<10240xf32, #tpu.memory_space<hbm>>
    tpu.enqueue_indirect_dma source(%dma_start3A_196 : memref<10240xf32, #tpu.memory_space<hbm>>) target(%arg17 : memref<80xf32, #tpu.memory_space<vmem>>) offsets(%arg26 : memref<80xi32, #tpu.memory_space<vmem>>) semaphore(%arg38 : memref<!tpu.dma_semaphore, #tpu.memory_space<semaphore_mem>>)
    %scan3A_197 = arith.constant 0 : i32
    %scan3A_198 = arith.constant 0 : i32
    %scan3A_199 = arith.constant 41 : i32
    %scan3A_200 = arith.addi %scan3A_198, %scan3A_199 : i32
    %scan3A_201 = arith.constant 1 : i32
    %scan3A_202 = scf.for %scan3A_380 = %scan3A_198 to %scan3A_200 step %scan3A_201 iter_args(%scan3A_381 = %scan3A_197) -> (i32)  : i32 {
      %mul3A_382 = arith.constant 3 : i32
      %mul3A_383 = arith.muli %mul3A_382, %scan3A_380 : i32
      %add3A_384 = arith.constant 1 : i32
      %add3A_385 = arith.addi %mul3A_383, %add3A_384 : i32
      %add3A_386 = arith.constant 0 : i32
      %add3A_387 = arith.addi %add3A_385, %add3A_386 : i32
      %le3A = arith.constant 122 : i32
      %le3A_388 = arith.cmpi sle, %add3A_387, %le3A : i32
      %dma_wait3A_389 = arith.constant 0 : i32
      %dma_wait3A_390 = tpu.memref_slice %arg3[%dma_wait3A_389] : memref<10240xf32, #tpu.memory_space<hbm>> -> memref<10240xf32, #tpu.memory_space<hbm>>
      tpu.wait_indirect_dma semaphore(%arg37 : memref<!tpu.dma_semaphore, #tpu.memory_space<semaphore_mem>>) src(%dma_wait3A_390 : memref<10240xf32, #tpu.memory_space<hbm>>) dst(%arg13 : memref<80xf32, #tpu.memory_space<vmem>>)
      %dma_wait3A_391 = arith.constant 0 : i32
      %dma_wait3A_392 = tpu.memref_slice %arg4[%dma_wait3A_391] : memref<10240xf32, #tpu.memory_space<hbm>> -> memref<10240xf32, #tpu.memory_space<hbm>>
      tpu.wait_indirect_dma semaphore(%arg37 : memref<!tpu.dma_semaphore, #tpu.memory_space<semaphore_mem>>) src(%dma_wait3A_392 : memref<10240xf32, #tpu.memory_space<hbm>>) dst(%arg16 : memref<80xf32, #tpu.memory_space<vmem>>)
      %parallel_loop3A_393 = arith.constant 0 : i32
      %parallel_loop3A_394 = arith.constant 5 : i32
      %parallel_loop3A_395 = arith.constant 1 : i32
      scf.for %parallel_loop3A_482 = %parallel_loop3A_393 to %parallel_loop3A_394 step %parallel_loop3A_395  : i32 {
        %parallel_loop3A_483 = arith.constant 16 : i32
        %parallel_loop3A_484 = arith.muli %parallel_loop3A_482, %parallel_loop3A_483 : i32
        %parallel_loop3A_485 = arith.index_cast %parallel_loop3A_484 : i32 to index
        %parallel_loop3A_486 = tpu.vector_load %arg13[%parallel_loop3A_485] {strides = array<i32>} : memref<80xf32, #tpu.memory_space<vmem>>, vector<16xf32>,
        %parallel_loop3A_487 = arith.constant 16 : i32
        %parallel_loop3A_488 = arith.muli %parallel_loop3A_482, %parallel_loop3A_487 : i32
        %parallel_loop3A_489 = arith.index_cast %parallel_loop3A_488 : i32 to index
        %parallel_loop3A_490 = tpu.vector_load %arg16[%parallel_loop3A_489] {strides = array<i32>} : memref<80xf32, #tpu.memory_space<vmem>>, vector<16xf32>,
        %parallel_loop3A_491 = arith.addf %parallel_loop3A_486, %parallel_loop3A_490 : vector<16xf32>
        %parallel_loop3A_492 = arith.constant 0.000000e+00 : f32
        %parallel_loop3A_493 = vector.broadcast %parallel_loop3A_492 : f32 to vector<16xf32>
        %parallel_loop3A_494 = arith.cmpf oge, %parallel_loop3A_491, %parallel_loop3A_493 : vector<16xf32>
        %parallel_loop3A_495 = arith.constant 0.00999999977 : f32
        %parallel_loop3A_496 = vector.broadcast %parallel_loop3A_495 : f32 to vector<16xf32>
        %parallel_loop3A_497 = arith.mulf %parallel_loop3A_491, %parallel_loop3A_496 : vector<16xf32>
        %parallel_loop3A_498 = arith.select %parallel_loop3A_494, %parallel_loop3A_491, %parallel_loop3A_497 : vector<16xi1>, vector<16xf32>
        %parallel_loop3A_499 = math.exp %parallel_loop3A_498 : vector<16xf32>
        %parallel_loop3A_500 = arith.constant 16 : i32
        %parallel_loop3A_501 = arith.muli %parallel_loop3A_482, %parallel_loop3A_500 : i32
        %parallel_loop3A_502 = arith.index_cast %parallel_loop3A_501 : i32 to index
        %parallel_loop3A_503 = tpu.vector_load %arg19[%parallel_loop3A_502] {strides = array<i32>} : memref<80xf32, #tpu.memory_space<vmem>>, vector<16xf32>,
        tpu.vector_store %arg19[%parallel_loop3A_502], %parallel_loop3A_499 {strides = array<i32>} : memref<80xf32, #tpu.memory_space<vmem>>, vector<16xf32>,
      } {sc.loop_unroll_factor = 5 : i64, sc.parallel_access}
      %dma_wait3A_396 = arith.constant 0 : i32
      %dma_wait3A_397 = arith.constant 0 : i32
      %dma_wait3A_398 = tpu.memref_slice %arg2[%dma_wait3A_396, %dma_wait3A_397] : memref<10240x128xf32, #tpu.memory_space<hbm>> -> memref<10240x128xf32, #tpu.memory_space<hbm>>
      tpu.wait_indirect_dma semaphore(%arg31 : memref<!tpu.dma_semaphore, #tpu.memory_space<semaphore_mem>>) src(%dma_wait3A_398 : memref<10240x128xf32, #tpu.memory_space<hbm>>) dst(%arg10 : memref<80x128xf32, #tpu.memory_space<vmem>>)
      %parallel_loop3A_399 = arith.constant 0 : i32
      %parallel_loop3A_400 = arith.constant 80 : i32
      %parallel_loop3A_401 = arith.constant 1 : i32
      scf.for %parallel_loop3A_482 = %parallel_loop3A_399 to %parallel_loop3A_400 step %parallel_loop3A_401  : i32 {
        %parallel_loop3A_483 = vector.broadcast %parallel_loop3A_482 : i32 to vector<16xi32>
        %parallel_loop3A_484 = tpu.vector_load_idx %arg19[%parallel_loop3A_483] : memref<80xf32, #tpu.memory_space<vmem>>[vector<16xi32>], vector<16xf32>,
        %parallel_loop3A_485 = arith.index_cast %parallel_loop3A_482 : i32 to index
        %parallel_loop3A_486 = arith.constant 0 : index
        %parallel_loop3A_487 = tpu.vector_load %arg10[%parallel_loop3A_485, %parallel_loop3A_486] {strides = array<i32>} : memref<80x128xf32, #tpu.memory_space<vmem>>, vector<16xf32>,
        %parallel_loop3A_488 = arith.mulf %parallel_loop3A_487, %parallel_loop3A_484 : vector<16xf32>
        %parallel_loop3A_489 = arith.index_cast %parallel_loop3A_482 : i32 to index
        %parallel_loop3A_490 = arith.constant 0 : index
        %parallel_loop3A_491 = tpu.vector_load %arg10[%parallel_loop3A_489, %parallel_loop3A_490] {strides = array<i32>} : memref<80x128xf32, #tpu.memory_space<vmem>>, vector<16xf32>,
        tpu.vector_store %arg10[%parallel_loop3A_489, %parallel_loop3A_490], %parallel_loop3A_488 {strides = array<i32>} : memref<80x128xf32, #tpu.memory_space<vmem>>, vector<16xf32>,
        %parallel_loop3A_492 = arith.index_cast %parallel_loop3A_482 : i32 to index
        %parallel_loop3A_493 = arith.constant 16 : index
        %parallel_loop3A_494 = tpu.vector_load %arg10[%parallel_loop3A_492, %parallel_loop3A_493] {strides = array<i32>} : memref<80x128xf32, #tpu.memory_space<vmem>>, vector<16xf32>,
        %parallel_loop3A_495 = arith.mulf %parallel_loop3A_494, %parallel_loop3A_484 : vector<16xf32>
        %parallel_loop3A_496 = arith.index_cast %parallel_loop3A_482 : i32 to index
        %parallel_loop3A_497 = arith.constant 16 : index
        %parallel_loop3A_498 = tpu.vector_load %arg10[%parallel_loop3A_496, %parallel_loop3A_497] {strides = array<i32>} : memref<80x128xf32, #tpu.memory_space<vmem>>, vector<16xf32>,
        tpu.vector_store %arg10[%parallel_loop3A_496, %parallel_loop3A_497], %parallel_loop3A_495 {strides = array<i32>} : memref<80x128xf32, #tpu.memory_space<vmem>>, vector<16xf32>,
        %parallel_loop3A_499 = arith.index_cast %parallel_loop3A_482 : i32 to index
        %parallel_loop3A_500 = arith.constant 32 : index
        %parallel_loop3A_501 = tpu.vector_load %arg10[%parallel_loop3A_499, %parallel_loop3A_500] {strides = array<i32>} : memref<80x128xf32, #tpu.memory_space<vmem>>, vector<16xf32>,
        %parallel_loop3A_502 = arith.mulf %parallel_loop3A_501, %parallel_loop3A_484 : vector<16xf32>
        %parallel_loop3A_503 = arith.index_cast %parallel_loop3A_482 : i32 to index
        %parallel_loop3A_504 = arith.constant 32 : index
        %parallel_loop3A_505 = tpu.vector_load %arg10[%parallel_loop3A_503, %parallel_loop3A_504] {strides = array<i32>} : memref<80x128xf32, #tpu.memory_space<vmem>>, vector<16xf32>,
        tpu.vector_store %arg10[%parallel_loop3A_503, %parallel_loop3A_504], %parallel_loop3A_502 {strides = array<i32>} : memref<80x128xf32, #tpu.memory_space<vmem>>, vector<16xf32>,
        %parallel_loop3A_506 = arith.index_cast %parallel_loop3A_482 : i32 to index
        %parallel_loop3A_507 = arith.constant 48 : index
        %parallel_loop3A_508 = tpu.vector_load %arg10[%parallel_loop3A_506, %parallel_loop3A_507] {strides = array<i32>} : memref<80x128xf32, #tpu.memory_space<vmem>>, vector<16xf32>,
        %parallel_loop3A_509 = arith.mulf %parallel_loop3A_508, %parallel_loop3A_484 : vector<16xf32>
        %parallel_loop3A_510 = arith.index_cast %parallel_loop3A_482 : i32 to index
        %parallel_loop3A_511 = arith.constant 48 : index
        %parallel_loop3A_512 = tpu.vector_load %arg10[%parallel_loop3A_510, %parallel_loop3A_511] {strides = array<i32>} : memref<80x128xf32, #tpu.memory_space<vmem>>, vector<16xf32>,
        tpu.vector_store %arg10[%parallel_loop3A_510, %parallel_loop3A_511], %parallel_loop3A_509 {strides = array<i32>} : memref<80x128xf32, #tpu.memory_space<vmem>>, vector<16xf32>,
        %parallel_loop3A_513 = arith.index_cast %parallel_loop3A_482 : i32 to index
        %parallel_loop3A_514 = arith.constant 64 : index
        %parallel_loop3A_515 = tpu.vector_load %arg10[%parallel_loop3A_513, %parallel_loop3A_514] {strides = array<i32>} : memref<80x128xf32, #tpu.memory_space<vmem>>, vector<16xf32>,
        %parallel_loop3A_516 = arith.mulf %parallel_loop3A_515, %parallel_loop3A_484 : vector<16xf32>
        %parallel_loop3A_517 = arith.index_cast %parallel_loop3A_482 : i32 to index
        %parallel_loop3A_518 = arith.constant 64 : index
        %parallel_loop3A_519 = tpu.vector_load %arg10[%parallel_loop3A_517, %parallel_loop3A_518] {strides = array<i32>} : memref<80x128xf32, #tpu.memory_space<vmem>>, vector<16xf32>,
        tpu.vector_store %arg10[%parallel_loop3A_517, %parallel_loop3A_518], %parallel_loop3A_516 {strides = array<i32>} : memref<80x128xf32, #tpu.memory_space<vmem>>, vector<16xf32>,
        %parallel_loop3A_520 = arith.index_cast %parallel_loop3A_482 : i32 to index
        %parallel_loop3A_521 = arith.constant 80 : index
        %parallel_loop3A_522 = tpu.vector_load %arg10[%parallel_loop3A_520, %parallel_loop3A_521] {strides = array<i32>} : memref<80x128xf32, #tpu.memory_space<vmem>>, vector<16xf32>,
        %parallel_loop3A_523 = arith.mulf %parallel_loop3A_522, %parallel_loop3A_484 : vector<16xf32>
        %parallel_loop3A_524 = arith.index_cast %parallel_loop3A_482 : i32 to index
        %parallel_loop3A_525 = arith.constant 80 : index
        %parallel_loop3A_526 = tpu.vector_load %arg10[%parallel_loop3A_524, %parallel_loop3A_525] {strides = array<i32>} : memref<80x128xf32, #tpu.memory_space<vmem>>, vector<16xf32>,
        tpu.vector_store %arg10[%parallel_loop3A_524, %parallel_loop3A_525], %parallel_loop3A_523 {strides = array<i32>} : memref<80x128xf32, #tpu.memory_space<vmem>>, vector<16xf32>,
        %parallel_loop3A_527 = arith.index_cast %parallel_loop3A_482 : i32 to index
        %parallel_loop3A_528 = arith.constant 96 : index
        %parallel_loop3A_529 = tpu.vector_load %arg10[%parallel_loop3A_527, %parallel_loop3A_528] {strides = array<i32>} : memref<80x128xf32, #tpu.memory_space<vmem>>, vector<16xf32>,
        %parallel_loop3A_530 = arith.mulf %parallel_loop3A_529, %parallel_loop3A_484 : vector<16xf32>
        %parallel_loop3A_531 = arith.index_cast %parallel_loop3A_482 : i32 to index
        %parallel_loop3A_532 = arith.constant 96 : index
        %parallel_loop3A_533 = tpu.vector_load %arg10[%parallel_loop3A_531, %parallel_loop3A_532] {strides = array<i32>} : memref<80x128xf32, #tpu.memory_space<vmem>>, vector<16xf32>,
        tpu.vector_store %arg10[%parallel_loop3A_531, %parallel_loop3A_532], %parallel_loop3A_530 {strides = array<i32>} : memref<80x128xf32, #tpu.memory_space<vmem>>, vector<16xf32>,
        %parallel_loop3A_534 = arith.index_cast %parallel_loop3A_482 : i32 to index
        %parallel_loop3A_535 = arith.constant 112 : index
        %parallel_loop3A_536 = tpu.vector_load %arg10[%parallel_loop3A_534, %parallel_loop3A_535] {strides = array<i32>} : memref<80x128xf32, #tpu.memory_space<vmem>>, vector<16xf32>,
        %parallel_loop3A_537 = arith.mulf %parallel_loop3A_536, %parallel_loop3A_484 : vector<16xf32>
        %parallel_loop3A_538 = arith.index_cast %parallel_loop3A_482 : i32 to index
        %parallel_loop3A_539 = arith.constant 112 : index
        %parallel_loop3A_540 = tpu.vector_load %arg10[%parallel_loop3A_538, %parallel_loop3A_539] {strides = array<i32>} : memref<80x128xf32, #tpu.memory_space<vmem>>, vector<16xf32>,
        tpu.vector_store %arg10[%parallel_loop3A_538, %parallel_loop3A_539], %parallel_loop3A_537 {strides = array<i32>} : memref<80x128xf32, #tpu.memory_space<vmem>>, vector<16xf32>,
      } {sc.loop_unroll_factor = 4 : i64, sc.parallel_access}
      %dma_start3A_402 = arith.constant 0 : i32
      %dma_start3A_403 = arith.constant 0 : i32
      %dma_start3A_404 = tpu.memref_slice %arg28[%dma_start3A_402, %dma_start3A_403] : memref<10000x128xf32, #tpu.memory_space<vmem_shared>> -> memref<10000x128xf32, #tpu.memory_space<vmem_shared>>
      tpu.enqueue_indirect_dma source(%arg10 : memref<80x128xf32, #tpu.memory_space<vmem>>) target(%dma_start3A_404 : memref<10000x128xf32, #tpu.memory_space<vmem_shared>>) offsets(%arg25 : memref<80xi32, #tpu.memory_space<vmem>>) semaphore(%arg34 : memref<!tpu.dma_semaphore, #tpu.memory_space<semaphore_mem>>) {add = true}
      %dma_start3A_405 = arith.constant 0 : i32
      %dma_start3A_406 = tpu.memref_slice %arg29[%dma_start3A_405] : memref<10000xf32, #tpu.memory_space<vmem_shared>> -> memref<10000xf32, #tpu.memory_space<vmem_shared>>
      tpu.enqueue_indirect_dma source(%arg19 : memref<80xf32, #tpu.memory_space<vmem>>) target(%dma_start3A_406 : memref<10000xf32, #tpu.memory_space<vmem_shared>>) offsets(%arg25 : memref<80xi32, #tpu.memory_space<vmem>>) semaphore(%arg34 : memref<!tpu.dma_semaphore, #tpu.memory_space<semaphore_mem>>) {add = true}
      %dma_wait3A_407 = arith.constant 0 : i32
      %dma_wait3A_408 = arith.constant 0 : i32
      %dma_wait3A_409 = tpu.memref_slice %arg28[%dma_wait3A_407, %dma_wait3A_408] : memref<10000x128xf32, #tpu.memory_space<vmem_shared>> -> memref<10000x128xf32, #tpu.memory_space<vmem_shared>>
      tpu.wait_indirect_dma semaphore(%arg33 : memref<!tpu.dma_semaphore, #tpu.memory_space<semaphore_mem>>) src(%arg9 : memref<80x128xf32, #tpu.memory_space<vmem>>) dst(%dma_wait3A_409 : memref<10000x128xf32, #tpu.memory_space<vmem_shared>>)
      %dma_wait3A_410 = arith.constant 0 : i32
      %dma_wait3A_411 = tpu.memref_slice %arg29[%dma_wait3A_410] : memref<10000xf32, #tpu.memory_space<vmem_shared>> -> memref<10000xf32, #tpu.memory_space<vmem_shared>>
      tpu.wait_indirect_dma semaphore(%arg33 : memref<!tpu.dma_semaphore, #tpu.memory_space<semaphore_mem>>) src(%arg18 : memref<80xf32, #tpu.memory_space<vmem>>) dst(%dma_wait3A_411 : memref<10000xf32, #tpu.memory_space<vmem_shared>>)
      %convert_element_type3A = arith.extui %le3A_388 : i1 to i32
      %cond3A = arith.constant 0 : i32
      %cond3A_412 = arith.cmpi ne, %convert_element_type3A, %cond3A : i32
      scf.if %cond3A_412 {
        %add3A_482 = arith.constant 2 : i32
        %add3A_483 = arith.addi %add3A_387, %add3A_482 : i32
        %mul3A_484 = arith.constant 10000 : i32
        %mul3A_485 = arith.muli %add3A, %mul3A_484 : i32
        %mul3A_486 = arith.constant 80 : i32
        %mul3A_487 = arith.muli %add3A_483, %mul3A_486 : i32
        %add3A_488 = arith.addi %mul3A_485, %mul3A_487 : i32
        %dma_start3A_489 = tpu.memref_slice %arg5[%add3A_488] : memref<320000xi32, #tpu.memory_space<hbm>> -> memref<80xi32, #tpu.memory_space<hbm>>
        %dma_start3A_490 = tpu.memref_slice %arg5[%add3A_488] : memref<320000xi32, #tpu.memory_space<hbm>> -> memref<80xi32, #tpu.memory_space<hbm>>
        tpu.enqueue_dma source(%dma_start3A_490 : memref<80xi32, #tpu.memory_space<hbm>>) target(%arg21 : memref<80xi32, #tpu.memory_space<vmem>>) target_semaphore(%arg36 : memref<!tpu.dma_semaphore, #tpu.memory_space<semaphore_mem>>)
        %dma_start3A_491 = tpu.memref_slice %arg6[%add3A_488] : memref<320000xi32, #tpu.memory_space<hbm>> -> memref<80xi32, #tpu.memory_space<hbm>>
        %dma_start3A_492 = tpu.memref_slice %arg6[%add3A_488] : memref<320000xi32, #tpu.memory_space<hbm>> -> memref<80xi32, #tpu.memory_space<hbm>>
        tpu.enqueue_dma source(%dma_start3A_492 : memref<80xi32, #tpu.memory_space<hbm>>) target(%arg24 : memref<80xi32, #tpu.memory_space<vmem>>) target_semaphore(%arg36 : memref<!tpu.dma_semaphore, #tpu.memory_space<semaphore_mem>>)
        %add3A_493 = arith.constant 2 : i32
        %add3A_494 = arith.addi %add3A_387, %add3A_493 : i32
        %mul3A_495 = arith.constant 10000 : i32
        %mul3A_496 = arith.muli %add3A, %mul3A_495 : i32
        %mul3A_497 = arith.constant 80 : i32
        %mul3A_498 = arith.muli %add3A_494, %mul3A_497 : i32
        %add3A_499 = arith.addi %mul3A_496, %mul3A_498 : i32
        %dma_wait3A_500 = tpu.memref_slice %arg5[%add3A_499] : memref<320000xi32, #tpu.memory_space<hbm>> -> memref<80xi32, #tpu.memory_space<hbm>>
        %dma_wait3A_501 = tpu.memref_slice %arg5[%add3A_499] : memref<320000xi32, #tpu.memory_space<hbm>> -> memref<80xi32, #tpu.memory_space<hbm>>
        tpu.wait_dma2 semaphore(%arg36 : memref<!tpu.dma_semaphore, #tpu.memory_space<semaphore_mem>>) src(%dma_wait3A_501 : memref<80xi32, #tpu.memory_space<hbm>>) dst(%arg21 : memref<80xi32, #tpu.memory_space<vmem>>)
        %dma_wait3A_502 = tpu.memref_slice %arg6[%add3A_499] : memref<320000xi32, #tpu.memory_space<hbm>> -> memref<80xi32, #tpu.memory_space<hbm>>
        %dma_wait3A_503 = tpu.memref_slice %arg6[%add3A_499] : memref<320000xi32, #tpu.memory_space<hbm>> -> memref<80xi32, #tpu.memory_space<hbm>>
        tpu.wait_dma2 semaphore(%arg36 : memref<!tpu.dma_semaphore, #tpu.memory_space<semaphore_mem>>) src(%dma_wait3A_503 : memref<80xi32, #tpu.memory_space<hbm>>) dst(%arg24 : memref<80xi32, #tpu.memory_space<vmem>>)
        %dma_start3A_504 = arith.constant 0 : i32
        %dma_start3A_505 = arith.constant 0 : i32
        %dma_start3A_506 = tpu.memref_slice %arg2[%dma_start3A_504, %dma_start3A_505] : memref<10240x128xf32, #tpu.memory_space<hbm>> -> memref<10240x128xf32, #tpu.memory_space<hbm>>
        tpu.enqueue_indirect_dma source(%dma_start3A_506 : memref<10240x128xf32, #tpu.memory_space<hbm>>) target(%arg9 : memref<80x128xf32, #tpu.memory_space<vmem>>) offsets(%arg21 : memref<80xi32, #tpu.memory_space<vmem>>) semaphore(%arg30 : memref<!tpu.dma_semaphore, #tpu.memory_space<semaphore_mem>>)
        %dma_start3A_507 = arith.constant 0 : i32
        %dma_start3A_508 = tpu.memref_slice %arg3[%dma_start3A_507] : memref<10240xf32, #tpu.memory_space<hbm>> -> memref<10240xf32, #tpu.memory_space<hbm>>
        tpu.enqueue_indirect_dma source(%dma_start3A_508 : memref<10240xf32, #tpu.memory_space<hbm>>) target(%arg12 : memref<80xf32, #tpu.memory_space<vmem>>) offsets(%arg21 : memref<80xi32, #tpu.memory_space<vmem>>) semaphore(%arg36 : memref<!tpu.dma_semaphore, #tpu.memory_space<semaphore_mem>>)
        %dma_start3A_509 = arith.constant 0 : i32
        %dma_start3A_510 = tpu.memref_slice %arg4[%dma_start3A_509] : memref<10240xf32, #tpu.memory_space<hbm>> -> memref<10240xf32, #tpu.memory_space<hbm>>
        tpu.enqueue_indirect_dma source(%dma_start3A_510 : memref<10240xf32, #tpu.memory_space<hbm>>) target(%arg15 : memref<80xf32, #tpu.memory_space<vmem>>) offsets(%arg24 : memref<80xi32, #tpu.memory_space<vmem>>) semaphore(%arg36 : memref<!tpu.dma_semaphore, #tpu.memory_space<semaphore_mem>>)
      } else {
      }
      %mul3A_413 = arith.constant 3 : i32
      %mul3A_414 = arith.muli %mul3A_413, %scan3A_380 : i32
      %add3A_415 = arith.constant 1 : i32
      %add3A_416 = arith.addi %mul3A_414, %add3A_415 : i32
      %add3A_417 = arith.constant 1 : i32
      %add3A_418 = arith.addi %add3A_416, %add3A_417 : i32
      %le3A_419 = arith.constant 122 : i32
      %le3A_420 = arith.cmpi sle, %add3A_418, %le3A_419 : i32
      %dma_wait3A_421 = arith.constant 0 : i32
      %dma_wait3A_422 = tpu.memref_slice %arg3[%dma_wait3A_421] : memref<10240xf32, #tpu.memory_space<hbm>> -> memref<10240xf32, #tpu.memory_space<hbm>>
      tpu.wait_indirect_dma semaphore(%arg38 : memref<!tpu.dma_semaphore, #tpu.memory_space<semaphore_mem>>) src(%dma_wait3A_422 : memref<10240xf32, #tpu.memory_space<hbm>>) dst(%arg14 : memref<80xf32, #tpu.memory_space<vmem>>)
      %dma_wait3A_423 = arith.constant 0 : i32
      %dma_wait3A_424 = tpu.memref_slice %arg4[%dma_wait3A_423] : memref<10240xf32, #tpu.memory_space<hbm>> -> memref<10240xf32, #tpu.memory_space<hbm>>
      tpu.wait_indirect_dma semaphore(%arg38 : memref<!tpu.dma_semaphore, #tpu.memory_space<semaphore_mem>>) src(%dma_wait3A_424 : memref<10240xf32, #tpu.memory_space<hbm>>) dst(%arg17 : memref<80xf32, #tpu.memory_space<vmem>>)
      %parallel_loop3A_425 = arith.constant 0 : i32
      %parallel_loop3A_426 = arith.constant 5 : i32
      %parallel_loop3A_427 = arith.constant 1 : i32
      scf.for %parallel_loop3A_482 = %parallel_loop3A_425 to %parallel_loop3A_426 step %parallel_loop3A_427  : i32 {
        %parallel_loop3A_483 = arith.constant 16 : i32
        %parallel_loop3A_484 = arith.muli %parallel_loop3A_482, %parallel_loop3A_483 : i32
        %parallel_loop3A_485 = arith.index_cast %parallel_loop3A_484 : i32 to index
        %parallel_loop3A_486 = tpu.vector_load %arg14[%parallel_loop3A_485] {strides = array<i32>} : memref<80xf32, #tpu.memory_space<vmem>>, vector<16xf32>,
        %parallel_loop3A_487 = arith.constant 16 : i32
        %parallel_loop3A_488 = arith.muli %parallel_loop3A_482, %parallel_loop3A_487 : i32
        %parallel_loop3A_489 = arith.index_cast %parallel_loop3A_488 : i32 to index
        %parallel_loop3A_490 = tpu.vector_load %arg17[%parallel_loop3A_489] {strides = array<i32>} : memref<80xf32, #tpu.memory_space<vmem>>, vector<16xf32>,
        %parallel_loop3A_491 = arith.addf %parallel_loop3A_486, %parallel_loop3A_490 : vector<16xf32>
        %parallel_loop3A_492 = arith.constant 0.000000e+00 : f32
        %parallel_loop3A_493 = vector.broadcast %parallel_loop3A_492 : f32 to vector<16xf32>
        %parallel_loop3A_494 = arith.cmpf oge, %parallel_loop3A_491, %parallel_loop3A_493 : vector<16xf32>
        %parallel_loop3A_495 = arith.constant 0.00999999977 : f32
        %parallel_loop3A_496 = vector.broadcast %parallel_loop3A_495 : f32 to vector<16xf32>
        %parallel_loop3A_497 = arith.mulf %parallel_loop3A_491, %parallel_loop3A_496 : vector<16xf32>
        %parallel_loop3A_498 = arith.select %parallel_loop3A_494, %parallel_loop3A_491, %parallel_loop3A_497 : vector<16xi1>, vector<16xf32>
        %parallel_loop3A_499 = math.exp %parallel_loop3A_498 : vector<16xf32>
        %parallel_loop3A_500 = arith.constant 16 : i32
        %parallel_loop3A_501 = arith.muli %parallel_loop3A_482, %parallel_loop3A_500 : i32
        %parallel_loop3A_502 = arith.index_cast %parallel_loop3A_501 : i32 to index
        %parallel_loop3A_503 = tpu.vector_load %arg20[%parallel_loop3A_502] {strides = array<i32>} : memref<80xf32, #tpu.memory_space<vmem>>, vector<16xf32>,
        tpu.vector_store %arg20[%parallel_loop3A_502], %parallel_loop3A_499 {strides = array<i32>} : memref<80xf32, #tpu.memory_space<vmem>>, vector<16xf32>,
      } {sc.loop_unroll_factor = 5 : i64, sc.parallel_access}
      %dma_wait3A_428 = arith.constant 0 : i32
      %dma_wait3A_429 = arith.constant 0 : i32
      %dma_wait3A_430 = tpu.memref_slice %arg2[%dma_wait3A_428, %dma_wait3A_429] : memref<10240x128xf32, #tpu.memory_space<hbm>> -> memref<10240x128xf32, #tpu.memory_space<hbm>>
      tpu.wait_indirect_dma semaphore(%arg32 : memref<!tpu.dma_semaphore, #tpu.memory_space<semaphore_mem>>) src(%dma_wait3A_430 : memref<10240x128xf32, #tpu.memory_space<hbm>>) dst(%arg11 : memref<80x128xf32, #tpu.memory_space<vmem>>)
      %parallel_loop3A_431 = arith.constant 0 : i32
      %parallel_loop3A_432 = arith.constant 80 : i32
      %parallel_loop3A_433 = arith.constant 1 : i32
      scf.for %parallel_loop3A_482 = %parallel_loop3A_431 to %parallel_loop3A_432 step %parallel_loop3A_433  : i32 {
        %parallel_loop3A_483 = vector.broadcast %parallel_loop3A_482 : i32 to vector<16xi32>
        %parallel_loop3A_484 = tpu.vector_load_idx %arg20[%parallel_loop3A_483] : memref<80xf32, #tpu.memory_space<vmem>>[vector<16xi32>], vector<16xf32>,
        %parallel_loop3A_485 = arith.index_cast %parallel_loop3A_482 : i32 to index
        %parallel_loop3A_486 = arith.constant 0 : index
        %parallel_loop3A_487 = tpu.vector_load %arg11[%parallel_loop3A_485, %parallel_loop3A_486] {strides = array<i32>} : memref<80x128xf32, #tpu.memory_space<vmem>>, vector<16xf32>,
        %parallel_loop3A_488 = arith.mulf %parallel_loop3A_487, %parallel_loop3A_484 : vector<16xf32>
        %parallel_loop3A_489 = arith.index_cast %parallel_loop3A_482 : i32 to index
        %parallel_loop3A_490 = arith.constant 0 : index
        %parallel_loop3A_491 = tpu.vector_load %arg11[%parallel_loop3A_489, %parallel_loop3A_490] {strides = array<i32>} : memref<80x128xf32, #tpu.memory_space<vmem>>, vector<16xf32>,
        tpu.vector_store %arg11[%parallel_loop3A_489, %parallel_loop3A_490], %parallel_loop3A_488 {strides = array<i32>} : memref<80x128xf32, #tpu.memory_space<vmem>>, vector<16xf32>,
        %parallel_loop3A_492 = arith.index_cast %parallel_loop3A_482 : i32 to index
        %parallel_loop3A_493 = arith.constant 16 : index
        %parallel_loop3A_494 = tpu.vector_load %arg11[%parallel_loop3A_492, %parallel_loop3A_493] {strides = array<i32>} : memref<80x128xf32, #tpu.memory_space<vmem>>, vector<16xf32>,
        %parallel_loop3A_495 = arith.mulf %parallel_loop3A_494, %parallel_loop3A_484 : vector<16xf32>
        %parallel_loop3A_496 = arith.index_cast %parallel_loop3A_482 : i32 to index
        %parallel_loop3A_497 = arith.constant 16 : index
        %parallel_loop3A_498 = tpu.vector_load %arg11[%parallel_loop3A_496, %parallel_loop3A_497] {strides = array<i32>} : memref<80x128xf32, #tpu.memory_space<vmem>>, vector<16xf32>,
        tpu.vector_store %arg11[%parallel_loop3A_496, %parallel_loop3A_497], %parallel_loop3A_495 {strides = array<i32>} : memref<80x128xf32, #tpu.memory_space<vmem>>, vector<16xf32>,
        %parallel_loop3A_499 = arith.index_cast %parallel_loop3A_482 : i32 to index
        %parallel_loop3A_500 = arith.constant 32 : index
        %parallel_loop3A_501 = tpu.vector_load %arg11[%parallel_loop3A_499, %parallel_loop3A_500] {strides = array<i32>} : memref<80x128xf32, #tpu.memory_space<vmem>>, vector<16xf32>,
        %parallel_loop3A_502 = arith.mulf %parallel_loop3A_501, %parallel_loop3A_484 : vector<16xf32>
        %parallel_loop3A_503 = arith.index_cast %parallel_loop3A_482 : i32 to index
        %parallel_loop3A_504 = arith.constant 32 : index
        %parallel_loop3A_505 = tpu.vector_load %arg11[%parallel_loop3A_503, %parallel_loop3A_504] {strides = array<i32>} : memref<80x128xf32, #tpu.memory_space<vmem>>, vector<16xf32>,
        tpu.vector_store %arg11[%parallel_loop3A_503, %parallel_loop3A_504], %parallel_loop3A_502 {strides = array<i32>} : memref<80x128xf32, #tpu.memory_space<vmem>>, vector<16xf32>,
        %parallel_loop3A_506 = arith.index_cast %parallel_loop3A_482 : i32 to index
        %parallel_loop3A_507 = arith.constant 48 : index
        %parallel_loop3A_508 = tpu.vector_load %arg11[%parallel_loop3A_506, %parallel_loop3A_507] {strides = array<i32>} : memref<80x128xf32, #tpu.memory_space<vmem>>, vector<16xf32>,
        %parallel_loop3A_509 = arith.mulf %parallel_loop3A_508, %parallel_loop3A_484 : vector<16xf32>
        %parallel_loop3A_510 = arith.index_cast %parallel_loop3A_482 : i32 to index
        %parallel_loop3A_511 = arith.constant 48 : index
        %parallel_loop3A_512 = tpu.vector_load %arg11[%parallel_loop3A_510, %parallel_loop3A_511] {strides = array<i32>} : memref<80x128xf32, #tpu.memory_space<vmem>>, vector<16xf32>,
        tpu.vector_store %arg11[%parallel_loop3A_510, %parallel_loop3A_511], %parallel_loop3A_509 {strides = array<i32>} : memref<80x128xf32, #tpu.memory_space<vmem>>, vector<16xf32>,
        %parallel_loop3A_513 = arith.index_cast %parallel_loop3A_482 : i32 to index
        %parallel_loop3A_514 = arith.constant 64 : index
        %parallel_loop3A_515 = tpu.vector_load %arg11[%parallel_loop3A_513, %parallel_loop3A_514] {strides = array<i32>} : memref<80x128xf32, #tpu.memory_space<vmem>>, vector<16xf32>,
        %parallel_loop3A_516 = arith.mulf %parallel_loop3A_515, %parallel_loop3A_484 : vector<16xf32>
        %parallel_loop3A_517 = arith.index_cast %parallel_loop3A_482 : i32 to index
        %parallel_loop3A_518 = arith.constant 64 : index
        %parallel_loop3A_519 = tpu.vector_load %arg11[%parallel_loop3A_517, %parallel_loop3A_518] {strides = array<i32>} : memref<80x128xf32, #tpu.memory_space<vmem>>, vector<16xf32>,
        tpu.vector_store %arg11[%parallel_loop3A_517, %parallel_loop3A_518], %parallel_loop3A_516 {strides = array<i32>} : memref<80x128xf32, #tpu.memory_space<vmem>>, vector<16xf32>,
        %parallel_loop3A_520 = arith.index_cast %parallel_loop3A_482 : i32 to index
        %parallel_loop3A_521 = arith.constant 80 : index
        %parallel_loop3A_522 = tpu.vector_load %arg11[%parallel_loop3A_520, %parallel_loop3A_521] {strides = array<i32>} : memref<80x128xf32, #tpu.memory_space<vmem>>, vector<16xf32>,
        %parallel_loop3A_523 = arith.mulf %parallel_loop3A_522, %parallel_loop3A_484 : vector<16xf32>
        %parallel_loop3A_524 = arith.index_cast %parallel_loop3A_482 : i32 to index
        %parallel_loop3A_525 = arith.constant 80 : index
        %parallel_loop3A_526 = tpu.vector_load %arg11[%parallel_loop3A_524, %parallel_loop3A_525] {strides = array<i32>} : memref<80x128xf32, #tpu.memory_space<vmem>>, vector<16xf32>,
        tpu.vector_store %arg11[%parallel_loop3A_524, %parallel_loop3A_525], %parallel_loop3A_523 {strides = array<i32>} : memref<80x128xf32, #tpu.memory_space<vmem>>, vector<16xf32>,
        %parallel_loop3A_527 = arith.index_cast %parallel_loop3A_482 : i32 to index
        %parallel_loop3A_528 = arith.constant 96 : index
        %parallel_loop3A_529 = tpu.vector_load %arg11[%parallel_loop3A_527, %parallel_loop3A_528] {strides = array<i32>} : memref<80x128xf32, #tpu.memory_space<vmem>>, vector<16xf32>,
        %parallel_loop3A_530 = arith.mulf %parallel_loop3A_529, %parallel_loop3A_484 : vector<16xf32>
        %parallel_loop3A_531 = arith.index_cast %parallel_loop3A_482 : i32 to index
        %parallel_loop3A_532 = arith.constant 96 : index
        %parallel_loop3A_533 = tpu.vector_load %arg11[%parallel_loop3A_531, %parallel_loop3A_532] {strides = array<i32>} : memref<80x128xf32, #tpu.memory_space<vmem>>, vector<16xf32>,
        tpu.vector_store %arg11[%parallel_loop3A_531, %parallel_loop3A_532], %parallel_loop3A_530 {strides = array<i32>} : memref<80x128xf32, #tpu.memory_space<vmem>>, vector<16xf32>,
        %parallel_loop3A_534 = arith.index_cast %parallel_loop3A_482 : i32 to index
        %parallel_loop3A_535 = arith.constant 112 : index
        %parallel_loop3A_536 = tpu.vector_load %arg11[%parallel_loop3A_534, %parallel_loop3A_535] {strides = array<i32>} : memref<80x128xf32, #tpu.memory_space<vmem>>, vector<16xf32>,
        %parallel_loop3A_537 = arith.mulf %parallel_loop3A_536, %parallel_loop3A_484 : vector<16xf32>
        %parallel_loop3A_538 = arith.index_cast %parallel_loop3A_482 : i32 to index
        %parallel_loop3A_539 = arith.constant 112 : index
        %parallel_loop3A_540 = tpu.vector_load %arg11[%parallel_loop3A_538, %parallel_loop3A_539] {strides = array<i32>} : memref<80x128xf32, #tpu.memory_space<vmem>>, vector<16xf32>,
        tpu.vector_store %arg11[%parallel_loop3A_538, %parallel_loop3A_539], %parallel_loop3A_537 {strides = array<i32>} : memref<80x128xf32, #tpu.memory_space<vmem>>, vector<16xf32>,
      } {sc.loop_unroll_factor = 4 : i64, sc.parallel_access}
      %dma_start3A_434 = arith.constant 0 : i32
      %dma_start3A_435 = arith.constant 0 : i32
      %dma_start3A_436 = tpu.memref_slice %arg28[%dma_start3A_434, %dma_start3A_435] : memref<10000x128xf32, #tpu.memory_space<vmem_shared>> -> memref<10000x128xf32, #tpu.memory_space<vmem_shared>>
      tpu.enqueue_indirect_dma source(%arg11 : memref<80x128xf32, #tpu.memory_space<vmem>>) target(%dma_start3A_436 : memref<10000x128xf32, #tpu.memory_space<vmem_shared>>) offsets(%arg26 : memref<80xi32, #tpu.memory_space<vmem>>) semaphore(%arg35 : memref<!tpu.dma_semaphore, #tpu.memory_space<semaphore_mem>>) {add = true}
      %dma_start3A_437 = arith.constant 0 : i32
      %dma_start3A_438 = tpu.memref_slice %arg29[%dma_start3A_437] : memref<10000xf32, #tpu.memory_space<vmem_shared>> -> memref<10000xf32, #tpu.memory_space<vmem_shared>>
      tpu.enqueue_indirect_dma source(%arg20 : memref<80xf32, #tpu.memory_space<vmem>>) target(%dma_start3A_438 : memref<10000xf32, #tpu.memory_space<vmem_shared>>) offsets(%arg26 : memref<80xi32, #tpu.memory_space<vmem>>) semaphore(%arg35 : memref<!tpu.dma_semaphore, #tpu.memory_space<semaphore_mem>>) {add = true}
      %dma_wait3A_439 = arith.constant 0 : i32
      %dma_wait3A_440 = arith.constant 0 : i32
      %dma_wait3A_441 = tpu.memref_slice %arg28[%dma_wait3A_439, %dma_wait3A_440] : memref<10000x128xf32, #tpu.memory_space<vmem_shared>> -> memref<10000x128xf32, #tpu.memory_space<vmem_shared>>
      tpu.wait_indirect_dma semaphore(%arg34 : memref<!tpu.dma_semaphore, #tpu.memory_space<semaphore_mem>>) src(%arg10 : memref<80x128xf32, #tpu.memory_space<vmem>>) dst(%dma_wait3A_441 : memref<10000x128xf32, #tpu.memory_space<vmem_shared>>)
      %dma_wait3A_442 = arith.constant 0 : i32
      %dma_wait3A_443 = tpu.memref_slice %arg29[%dma_wait3A_442] : memref<10000xf32, #tpu.memory_space<vmem_shared>> -> memref<10000xf32, #tpu.memory_space<vmem_shared>>
      tpu.wait_indirect_dma semaphore(%arg34 : memref<!tpu.dma_semaphore, #tpu.memory_space<semaphore_mem>>) src(%arg19 : memref<80xf32, #tpu.memory_space<vmem>>) dst(%dma_wait3A_443 : memref<10000xf32, #tpu.memory_space<vmem_shared>>)
      %convert_element_type3A_444 = arith.extui %le3A_420 : i1 to i32
      %cond3A_445 = arith.constant 0 : i32
      %cond3A_446 = arith.cmpi ne, %convert_element_type3A_444, %cond3A_445 : i32
      scf.if %cond3A_446 {
        %add3A_482 = arith.constant 2 : i32
        %add3A_483 = arith.addi %add3A_418, %add3A_482 : i32
        %mul3A_484 = arith.constant 10000 : i32
        %mul3A_485 = arith.muli %add3A, %mul3A_484 : i32
        %mul3A_486 = arith.constant 80 : i32
        %mul3A_487 = arith.muli %add3A_483, %mul3A_486 : i32
        %add3A_488 = arith.addi %mul3A_485, %mul3A_487 : i32
        %dma_start3A_489 = tpu.memref_slice %arg5[%add3A_488] : memref<320000xi32, #tpu.memory_space<hbm>> -> memref<80xi32, #tpu.memory_space<hbm>>
        %dma_start3A_490 = tpu.memref_slice %arg5[%add3A_488] : memref<320000xi32, #tpu.memory_space<hbm>> -> memref<80xi32, #tpu.memory_space<hbm>>
        tpu.enqueue_dma source(%dma_start3A_490 : memref<80xi32, #tpu.memory_space<hbm>>) target(%arg22 : memref<80xi32, #tpu.memory_space<vmem>>) target_semaphore(%arg37 : memref<!tpu.dma_semaphore, #tpu.memory_space<semaphore_mem>>)
        %dma_start3A_491 = tpu.memref_slice %arg6[%add3A_488] : memref<320000xi32, #tpu.memory_space<hbm>> -> memref<80xi32, #tpu.memory_space<hbm>>
        %dma_start3A_492 = tpu.memref_slice %arg6[%add3A_488] : memref<320000xi32, #tpu.memory_space<hbm>> -> memref<80xi32, #tpu.memory_space<hbm>>
        tpu.enqueue_dma source(%dma_start3A_492 : memref<80xi32, #tpu.memory_space<hbm>>) target(%arg25 : memref<80xi32, #tpu.memory_space<vmem>>) target_semaphore(%arg37 : memref<!tpu.dma_semaphore, #tpu.memory_space<semaphore_mem>>)
        %add3A_493 = arith.constant 2 : i32
        %add3A_494 = arith.addi %add3A_418, %add3A_493 : i32
        %mul3A_495 = arith.constant 10000 : i32
        %mul3A_496 = arith.muli %add3A, %mul3A_495 : i32
        %mul3A_497 = arith.constant 80 : i32
        %mul3A_498 = arith.muli %add3A_494, %mul3A_497 : i32
        %add3A_499 = arith.addi %mul3A_496, %mul3A_498 : i32
        %dma_wait3A_500 = tpu.memref_slice %arg5[%add3A_499] : memref<320000xi32, #tpu.memory_space<hbm>> -> memref<80xi32, #tpu.memory_space<hbm>>
        %dma_wait3A_501 = tpu.memref_slice %arg5[%add3A_499] : memref<320000xi32, #tpu.memory_space<hbm>> -> memref<80xi32, #tpu.memory_space<hbm>>
        tpu.wait_dma2 semaphore(%arg37 : memref<!tpu.dma_semaphore, #tpu.memory_space<semaphore_mem>>) src(%dma_wait3A_501 : memref<80xi32, #tpu.memory_space<hbm>>) dst(%arg22 : memref<80xi32, #tpu.memory_space<vmem>>)
        %dma_wait3A_502 = tpu.memref_slice %arg6[%add3A_499] : memref<320000xi32, #tpu.memory_space<hbm>> -> memref<80xi32, #tpu.memory_space<hbm>>
        %dma_wait3A_503 = tpu.memref_slice %arg6[%add3A_499] : memref<320000xi32, #tpu.memory_space<hbm>> -> memref<80xi32, #tpu.memory_space<hbm>>
        tpu.wait_dma2 semaphore(%arg37 : memref<!tpu.dma_semaphore, #tpu.memory_space<semaphore_mem>>) src(%dma_wait3A_503 : memref<80xi32, #tpu.memory_space<hbm>>) dst(%arg25 : memref<80xi32, #tpu.memory_space<vmem>>)
        %dma_start3A_504 = arith.constant 0 : i32
        %dma_start3A_505 = arith.constant 0 : i32
        %dma_start3A_506 = tpu.memref_slice %arg2[%dma_start3A_504, %dma_start3A_505] : memref<10240x128xf32, #tpu.memory_space<hbm>> -> memref<10240x128xf32, #tpu.memory_space<hbm>>
        tpu.enqueue_indirect_dma source(%dma_start3A_506 : memref<10240x128xf32, #tpu.memory_space<hbm>>) target(%arg10 : memref<80x128xf32, #tpu.memory_space<vmem>>) offsets(%arg22 : memref<80xi32, #tpu.memory_space<vmem>>) semaphore(%arg31 : memref<!tpu.dma_semaphore, #tpu.memory_space<semaphore_mem>>)
        %dma_start3A_507 = arith.constant 0 : i32
        %dma_start3A_508 = tpu.memref_slice %arg3[%dma_start3A_507] : memref<10240xf32, #tpu.memory_space<hbm>> -> memref<10240xf32, #tpu.memory_space<hbm>>
        tpu.enqueue_indirect_dma source(%dma_start3A_508 : memref<10240xf32, #tpu.memory_space<hbm>>) target(%arg13 : memref<80xf32, #tpu.memory_space<vmem>>) offsets(%arg22 : memref<80xi32, #tpu.memory_space<vmem>>) semaphore(%arg37 : memref<!tpu.dma_semaphore, #tpu.memory_space<semaphore_mem>>)
        %dma_start3A_509 = arith.constant 0 : i32
        %dma_start3A_510 = tpu.memref_slice %arg4[%dma_start3A_509] : memref<10240xf32, #tpu.memory_space<hbm>> -> memref<10240xf32, #tpu.memory_space<hbm>>
        tpu.enqueue_indirect_dma source(%dma_start3A_510 : memref<10240xf32, #tpu.memory_space<hbm>>) target(%arg16 : memref<80xf32, #tpu.memory_space<vmem>>) offsets(%arg25 : memref<80xi32, #tpu.memory_space<vmem>>) semaphore(%arg37 : memref<!tpu.dma_semaphore, #tpu.memory_space<semaphore_mem>>)
      } else {
      }
      %mul3A_447 = arith.constant 3 : i32
      %mul3A_448 = arith.muli %mul3A_447, %scan3A_380 : i32
      %add3A_449 = arith.constant 1 : i32
      %add3A_450 = arith.addi %mul3A_448, %add3A_449 : i32
      %add3A_451 = arith.constant 2 : i32
      %add3A_452 = arith.addi %add3A_450, %add3A_451 : i32
      %le3A_453 = arith.constant 122 : i32
      %le3A_454 = arith.cmpi sle, %add3A_452, %le3A_453 : i32
      %dma_wait3A_455 = arith.constant 0 : i32
      %dma_wait3A_456 = tpu.memref_slice %arg3[%dma_wait3A_455] : memref<10240xf32, #tpu.memory_space<hbm>> -> memref<10240xf32, #tpu.memory_space<hbm>>
      tpu.wait_indirect_dma semaphore(%arg36 : memref<!tpu.dma_semaphore, #tpu.memory_space<semaphore_mem>>) src(%dma_wait3A_456 : memref<10240xf32, #tpu.memory_space<hbm>>) dst(%arg12 : memref<80xf32, #tpu.memory_space<vmem>>)
      %dma_wait3A_457 = arith.constant 0 : i32
      %dma_wait3A_458 = tpu.memref_slice %arg4[%dma_wait3A_457] : memref<10240xf32, #tpu.memory_space<hbm>> -> memref<10240xf32, #tpu.memory_space<hbm>>
      tpu.wait_indirect_dma semaphore(%arg36 : memref<!tpu.dma_semaphore, #tpu.memory_space<semaphore_mem>>) src(%dma_wait3A_458 : memref<10240xf32, #tpu.memory_space<hbm>>) dst(%arg15 : memref<80xf32, #tpu.memory_space<vmem>>)
      %parallel_loop3A_459 = arith.constant 0 : i32
      %parallel_loop3A_460 = arith.constant 5 : i32
      %parallel_loop3A_461 = arith.constant 1 : i32
      scf.for %parallel_loop3A_482 = %parallel_loop3A_459 to %parallel_loop3A_460 step %parallel_loop3A_461  : i32 {
        %parallel_loop3A_483 = arith.constant 16 : i32
        %parallel_loop3A_484 = arith.muli %parallel_loop3A_482, %parallel_loop3A_483 : i32
        %parallel_loop3A_485 = arith.index_cast %parallel_loop3A_484 : i32 to index
        %parallel_loop3A_486 = tpu.vector_load %arg12[%parallel_loop3A_485] {strides = array<i32>} : memref<80xf32, #tpu.memory_space<vmem>>, vector<16xf32>,
        %parallel_loop3A_487 = arith.constant 16 : i32
        %parallel_loop3A_488 = arith.muli %parallel_loop3A_482, %parallel_loop3A_487 : i32
        %parallel_loop3A_489 = arith.index_cast %parallel_loop3A_488 : i32 to index
        %parallel_loop3A_490 = tpu.vector_load %arg15[%parallel_loop3A_489] {strides = array<i32>} : memref<80xf32, #tpu.memory_space<vmem>>, vector<16xf32>,
        %parallel_loop3A_491 = arith.addf %parallel_loop3A_486, %parallel_loop3A_490 : vector<16xf32>
        %parallel_loop3A_492 = arith.constant 0.000000e+00 : f32
        %parallel_loop3A_493 = vector.broadcast %parallel_loop3A_492 : f32 to vector<16xf32>
        %parallel_loop3A_494 = arith.cmpf oge, %parallel_loop3A_491, %parallel_loop3A_493 : vector<16xf32>
        %parallel_loop3A_495 = arith.constant 0.00999999977 : f32
        %parallel_loop3A_496 = vector.broadcast %parallel_loop3A_495 : f32 to vector<16xf32>
        %parallel_loop3A_497 = arith.mulf %parallel_loop3A_491, %parallel_loop3A_496 : vector<16xf32>
        %parallel_loop3A_498 = arith.select %parallel_loop3A_494, %parallel_loop3A_491, %parallel_loop3A_497 : vector<16xi1>, vector<16xf32>
        %parallel_loop3A_499 = math.exp %parallel_loop3A_498 : vector<16xf32>
        %parallel_loop3A_500 = arith.constant 16 : i32
        %parallel_loop3A_501 = arith.muli %parallel_loop3A_482, %parallel_loop3A_500 : i32
        %parallel_loop3A_502 = arith.index_cast %parallel_loop3A_501 : i32 to index
        %parallel_loop3A_503 = tpu.vector_load %arg18[%parallel_loop3A_502] {strides = array<i32>} : memref<80xf32, #tpu.memory_space<vmem>>, vector<16xf32>,
        tpu.vector_store %arg18[%parallel_loop3A_502], %parallel_loop3A_499 {strides = array<i32>} : memref<80xf32, #tpu.memory_space<vmem>>, vector<16xf32>,
      } {sc.loop_unroll_factor = 5 : i64, sc.parallel_access}
      %dma_wait3A_462 = arith.constant 0 : i32
      %dma_wait3A_463 = arith.constant 0 : i32
      %dma_wait3A_464 = tpu.memref_slice %arg2[%dma_wait3A_462, %dma_wait3A_463] : memref<10240x128xf32, #tpu.memory_space<hbm>> -> memref<10240x128xf32, #tpu.memory_space<hbm>>
      tpu.wait_indirect_dma semaphore(%arg30 : memref<!tpu.dma_semaphore, #tpu.memory_space<semaphore_mem>>) src(%dma_wait3A_464 : memref<10240x128xf32, #tpu.memory_space<hbm>>) dst(%arg9 : memref<80x128xf32, #tpu.memory_space<vmem>>)
      %parallel_loop3A_465 = arith.constant 0 : i32
      %parallel_loop3A_466 = arith.constant 80 : i32
      %parallel_loop3A_467 = arith.constant 1 : i32
      scf.for %parallel_loop3A_482 = %parallel_loop3A_465 to %parallel_loop3A_466 step %parallel_loop3A_467  : i32 {
        %parallel_loop3A_483 = vector.broadcast %parallel_loop3A_482 : i32 to vector<16xi32>
        %parallel_loop3A_484 = tpu.vector_load_idx %arg18[%parallel_loop3A_483] : memref<80xf32, #tpu.memory_space<vmem>>[vector<16xi32>], vector<16xf32>,
        %parallel_loop3A_485 = arith.index_cast %parallel_loop3A_482 : i32 to index
        %parallel_loop3A_486 = arith.constant 0 : index
        %parallel_loop3A_487 = tpu.vector_load %arg9[%parallel_loop3A_485, %parallel_loop3A_486] {strides = array<i32>} : memref<80x128xf32, #tpu.memory_space<vmem>>, vector<16xf32>,
        %parallel_loop3A_488 = arith.mulf %parallel_loop3A_487, %parallel_loop3A_484 : vector<16xf32>
        %parallel_loop3A_489 = arith.index_cast %parallel_loop3A_482 : i32 to index
        %parallel_loop3A_490 = arith.constant 0 : index
        %parallel_loop3A_491 = tpu.vector_load %arg9[%parallel_loop3A_489, %parallel_loop3A_490] {strides = array<i32>} : memref<80x128xf32, #tpu.memory_space<vmem>>, vector<16xf32>,
        tpu.vector_store %arg9[%parallel_loop3A_489, %parallel_loop3A_490], %parallel_loop3A_488 {strides = array<i32>} : memref<80x128xf32, #tpu.memory_space<vmem>>, vector<16xf32>,
        %parallel_loop3A_492 = arith.index_cast %parallel_loop3A_482 : i32 to index
        %parallel_loop3A_493 = arith.constant 16 : index
        %parallel_loop3A_494 = tpu.vector_load %arg9[%parallel_loop3A_492, %parallel_loop3A_493] {strides = array<i32>} : memref<80x128xf32, #tpu.memory_space<vmem>>, vector<16xf32>,
        %parallel_loop3A_495 = arith.mulf %parallel_loop3A_494, %parallel_loop3A_484 : vector<16xf32>
        %parallel_loop3A_496 = arith.index_cast %parallel_loop3A_482 : i32 to index
        %parallel_loop3A_497 = arith.constant 16 : index
        %parallel_loop3A_498 = tpu.vector_load %arg9[%parallel_loop3A_496, %parallel_loop3A_497] {strides = array<i32>} : memref<80x128xf32, #tpu.memory_space<vmem>>, vector<16xf32>,
        tpu.vector_store %arg9[%parallel_loop3A_496, %parallel_loop3A_497], %parallel_loop3A_495 {strides = array<i32>} : memref<80x128xf32, #tpu.memory_space<vmem>>, vector<16xf32>,
        %parallel_loop3A_499 = arith.index_cast %parallel_loop3A_482 : i32 to index
        %parallel_loop3A_500 = arith.constant 32 : index
        %parallel_loop3A_501 = tpu.vector_load %arg9[%parallel_loop3A_499, %parallel_loop3A_500] {strides = array<i32>} : memref<80x128xf32, #tpu.memory_space<vmem>>, vector<16xf32>,
        %parallel_loop3A_502 = arith.mulf %parallel_loop3A_501, %parallel_loop3A_484 : vector<16xf32>
        %parallel_loop3A_503 = arith.index_cast %parallel_loop3A_482 : i32 to index
        %parallel_loop3A_504 = arith.constant 32 : index
        %parallel_loop3A_505 = tpu.vector_load %arg9[%parallel_loop3A_503, %parallel_loop3A_504] {strides = array<i32>} : memref<80x128xf32, #tpu.memory_space<vmem>>, vector<16xf32>,
        tpu.vector_store %arg9[%parallel_loop3A_503, %parallel_loop3A_504], %parallel_loop3A_502 {strides = array<i32>} : memref<80x128xf32, #tpu.memory_space<vmem>>, vector<16xf32>,
        %parallel_loop3A_506 = arith.index_cast %parallel_loop3A_482 : i32 to index
        %parallel_loop3A_507 = arith.constant 48 : index
        %parallel_loop3A_508 = tpu.vector_load %arg9[%parallel_loop3A_506, %parallel_loop3A_507] {strides = array<i32>} : memref<80x128xf32, #tpu.memory_space<vmem>>, vector<16xf32>,
        %parallel_loop3A_509 = arith.mulf %parallel_loop3A_508, %parallel_loop3A_484 : vector<16xf32>
        %parallel_loop3A_510 = arith.index_cast %parallel_loop3A_482 : i32 to index
        %parallel_loop3A_511 = arith.constant 48 : index
        %parallel_loop3A_512 = tpu.vector_load %arg9[%parallel_loop3A_510, %parallel_loop3A_511] {strides = array<i32>} : memref<80x128xf32, #tpu.memory_space<vmem>>, vector<16xf32>,
        tpu.vector_store %arg9[%parallel_loop3A_510, %parallel_loop3A_511], %parallel_loop3A_509 {strides = array<i32>} : memref<80x128xf32, #tpu.memory_space<vmem>>, vector<16xf32>,
        %parallel_loop3A_513 = arith.index_cast %parallel_loop3A_482 : i32 to index
        %parallel_loop3A_514 = arith.constant 64 : index
        %parallel_loop3A_515 = tpu.vector_load %arg9[%parallel_loop3A_513, %parallel_loop3A_514] {strides = array<i32>} : memref<80x128xf32, #tpu.memory_space<vmem>>, vector<16xf32>,
        %parallel_loop3A_516 = arith.mulf %parallel_loop3A_515, %parallel_loop3A_484 : vector<16xf32>
        %parallel_loop3A_517 = arith.index_cast %parallel_loop3A_482 : i32 to index
        %parallel_loop3A_518 = arith.constant 64 : index
        %parallel_loop3A_519 = tpu.vector_load %arg9[%parallel_loop3A_517, %parallel_loop3A_518] {strides = array<i32>} : memref<80x128xf32, #tpu.memory_space<vmem>>, vector<16xf32>,
        tpu.vector_store %arg9[%parallel_loop3A_517, %parallel_loop3A_518], %parallel_loop3A_516 {strides = array<i32>} : memref<80x128xf32, #tpu.memory_space<vmem>>, vector<16xf32>,
        %parallel_loop3A_520 = arith.index_cast %parallel_loop3A_482 : i32 to index
        %parallel_loop3A_521 = arith.constant 80 : index
        %parallel_loop3A_522 = tpu.vector_load %arg9[%parallel_loop3A_520, %parallel_loop3A_521] {strides = array<i32>} : memref<80x128xf32, #tpu.memory_space<vmem>>, vector<16xf32>,
        %parallel_loop3A_523 = arith.mulf %parallel_loop3A_522, %parallel_loop3A_484 : vector<16xf32>
        %parallel_loop3A_524 = arith.index_cast %parallel_loop3A_482 : i32 to index
        %parallel_loop3A_525 = arith.constant 80 : index
        %parallel_loop3A_526 = tpu.vector_load %arg9[%parallel_loop3A_524, %parallel_loop3A_525] {strides = array<i32>} : memref<80x128xf32, #tpu.memory_space<vmem>>, vector<16xf32>,
        tpu.vector_store %arg9[%parallel_loop3A_524, %parallel_loop3A_525], %parallel_loop3A_523 {strides = array<i32>} : memref<80x128xf32, #tpu.memory_space<vmem>>, vector<16xf32>,
        %parallel_loop3A_527 = arith.index_cast %parallel_loop3A_482 : i32 to index
        %parallel_loop3A_528 = arith.constant 96 : index
        %parallel_loop3A_529 = tpu.vector_load %arg9[%parallel_loop3A_527, %parallel_loop3A_528] {strides = array<i32>} : memref<80x128xf32, #tpu.memory_space<vmem>>, vector<16xf32>,
        %parallel_loop3A_530 = arith.mulf %parallel_loop3A_529, %parallel_loop3A_484 : vector<16xf32>
        %parallel_loop3A_531 = arith.index_cast %parallel_loop3A_482 : i32 to index
        %parallel_loop3A_532 = arith.constant 96 : index
        %parallel_loop3A_533 = tpu.vector_load %arg9[%parallel_loop3A_531, %parallel_loop3A_532] {strides = array<i32>} : memref<80x128xf32, #tpu.memory_space<vmem>>, vector<16xf32>,
        tpu.vector_store %arg9[%parallel_loop3A_531, %parallel_loop3A_532], %parallel_loop3A_530 {strides = array<i32>} : memref<80x128xf32, #tpu.memory_space<vmem>>, vector<16xf32>,
        %parallel_loop3A_534 = arith.index_cast %parallel_loop3A_482 : i32 to index
        %parallel_loop3A_535 = arith.constant 112 : index
        %parallel_loop3A_536 = tpu.vector_load %arg9[%parallel_loop3A_534, %parallel_loop3A_535] {strides = array<i32>} : memref<80x128xf32, #tpu.memory_space<vmem>>, vector<16xf32>,
        %parallel_loop3A_537 = arith.mulf %parallel_loop3A_536, %parallel_loop3A_484 : vector<16xf32>
        %parallel_loop3A_538 = arith.index_cast %parallel_loop3A_482 : i32 to index
        %parallel_loop3A_539 = arith.constant 112 : index
        %parallel_loop3A_540 = tpu.vector_load %arg9[%parallel_loop3A_538, %parallel_loop3A_539] {strides = array<i32>} : memref<80x128xf32, #tpu.memory_space<vmem>>, vector<16xf32>,
        tpu.vector_store %arg9[%parallel_loop3A_538, %parallel_loop3A_539], %parallel_loop3A_537 {strides = array<i32>} : memref<80x128xf32, #tpu.memory_space<vmem>>, vector<16xf32>,
      } {sc.loop_unroll_factor = 4 : i64, sc.parallel_access}
      %dma_start3A_468 = arith.constant 0 : i32
      %dma_start3A_469 = arith.constant 0 : i32
      %dma_start3A_470 = tpu.memref_slice %arg28[%dma_start3A_468, %dma_start3A_469] : memref<10000x128xf32, #tpu.memory_space<vmem_shared>> -> memref<10000x128xf32, #tpu.memory_space<vmem_shared>>
      tpu.enqueue_indirect_dma source(%arg9 : memref<80x128xf32, #tpu.memory_space<vmem>>) target(%dma_start3A_470 : memref<10000x128xf32, #tpu.memory_space<vmem_shared>>) offsets(%arg24 : memref<80xi32, #tpu.memory_space<vmem>>) semaphore(%arg33 : memref<!tpu.dma_semaphore, #tpu.memory_space<semaphore_mem>>) {add = true}
      %dma_start3A_471 = arith.constant 0 : i32
      %dma_start3A_472 = tpu.memref_slice %arg29[%dma_start3A_471] : memref<10000xf32, #tpu.memory_space<vmem_shared>> -> memref<10000xf32, #tpu.memory_space<vmem_shared>>
      tpu.enqueue_indirect_dma source(%arg18 : memref<80xf32, #tpu.memory_space<vmem>>) target(%dma_start3A_472 : memref<10000xf32, #tpu.memory_space<vmem_shared>>) offsets(%arg24 : memref<80xi32, #tpu.memory_space<vmem>>) semaphore(%arg33 : memref<!tpu.dma_semaphore, #tpu.memory_space<semaphore_mem>>) {add = true}
      %dma_wait3A_473 = arith.constant 0 : i32
      %dma_wait3A_474 = arith.constant 0 : i32
      %dma_wait3A_475 = tpu.memref_slice %arg28[%dma_wait3A_473, %dma_wait3A_474] : memref<10000x128xf32, #tpu.memory_space<vmem_shared>> -> memref<10000x128xf32, #tpu.memory_space<vmem_shared>>
      tpu.wait_indirect_dma semaphore(%arg35 : memref<!tpu.dma_semaphore, #tpu.memory_space<semaphore_mem>>) src(%arg11 : memref<80x128xf32, #tpu.memory_space<vmem>>) dst(%dma_wait3A_475 : memref<10000x128xf32, #tpu.memory_space<vmem_shared>>)
      %dma_wait3A_476 = arith.constant 0 : i32
      %dma_wait3A_477 = tpu.memref_slice %arg29[%dma_wait3A_476] : memref<10000xf32, #tpu.memory_space<vmem_shared>> -> memref<10000xf32, #tpu.memory_space<vmem_shared>>
      tpu.wait_indirect_dma semaphore(%arg35 : memref<!tpu.dma_semaphore, #tpu.memory_space<semaphore_mem>>) src(%arg20 : memref<80xf32, #tpu.memory_space<vmem>>) dst(%dma_wait3A_477 : memref<10000xf32, #tpu.memory_space<vmem_shared>>)
      %convert_element_type3A_478 = arith.extui %le3A_454 : i1 to i32
      %cond3A_479 = arith.constant 0 : i32
      %cond3A_480 = arith.cmpi ne, %convert_element_type3A_478, %cond3A_479 : i32
      scf.if %cond3A_480 {
        %add3A_482 = arith.constant 2 : i32
        %add3A_483 = arith.addi %add3A_452, %add3A_482 : i32
        %mul3A_484 = arith.constant 10000 : i32
        %mul3A_485 = arith.muli %add3A, %mul3A_484 : i32
        %mul3A_486 = arith.constant 80 : i32
        %mul3A_487 = arith.muli %add3A_483, %mul3A_486 : i32
        %add3A_488 = arith.addi %mul3A_485, %mul3A_487 : i32
        %dma_start3A_489 = tpu.memref_slice %arg5[%add3A_488] : memref<320000xi32, #tpu.memory_space<hbm>> -> memref<80xi32, #tpu.memory_space<hbm>>
        %dma_start3A_490 = tpu.memref_slice %arg5[%add3A_488] : memref<320000xi32, #tpu.memory_space<hbm>> -> memref<80xi32, #tpu.memory_space<hbm>>
        tpu.enqueue_dma source(%dma_start3A_490 : memref<80xi32, #tpu.memory_space<hbm>>) target(%arg23 : memref<80xi32, #tpu.memory_space<vmem>>) target_semaphore(%arg38 : memref<!tpu.dma_semaphore, #tpu.memory_space<semaphore_mem>>)
        %dma_start3A_491 = tpu.memref_slice %arg6[%add3A_488] : memref<320000xi32, #tpu.memory_space<hbm>> -> memref<80xi32, #tpu.memory_space<hbm>>
        %dma_start3A_492 = tpu.memref_slice %arg6[%add3A_488] : memref<320000xi32, #tpu.memory_space<hbm>> -> memref<80xi32, #tpu.memory_space<hbm>>
        tpu.enqueue_dma source(%dma_start3A_492 : memref<80xi32, #tpu.memory_space<hbm>>) target(%arg26 : memref<80xi32, #tpu.memory_space<vmem>>) target_semaphore(%arg38 : memref<!tpu.dma_semaphore, #tpu.memory_space<semaphore_mem>>)
        %add3A_493 = arith.constant 2 : i32
        %add3A_494 = arith.addi %add3A_452, %add3A_493 : i32
        %mul3A_495 = arith.constant 10000 : i32
        %mul3A_496 = arith.muli %add3A, %mul3A_495 : i32
        %mul3A_497 = arith.constant 80 : i32
        %mul3A_498 = arith.muli %add3A_494, %mul3A_497 : i32
        %add3A_499 = arith.addi %mul3A_496, %mul3A_498 : i32
        %dma_wait3A_500 = tpu.memref_slice %arg5[%add3A_499] : memref<320000xi32, #tpu.memory_space<hbm>> -> memref<80xi32, #tpu.memory_space<hbm>>
        %dma_wait3A_501 = tpu.memref_slice %arg5[%add3A_499] : memref<320000xi32, #tpu.memory_space<hbm>> -> memref<80xi32, #tpu.memory_space<hbm>>
        tpu.wait_dma2 semaphore(%arg38 : memref<!tpu.dma_semaphore, #tpu.memory_space<semaphore_mem>>) src(%dma_wait3A_501 : memref<80xi32, #tpu.memory_space<hbm>>) dst(%arg23 : memref<80xi32, #tpu.memory_space<vmem>>)
        %dma_wait3A_502 = tpu.memref_slice %arg6[%add3A_499] : memref<320000xi32, #tpu.memory_space<hbm>> -> memref<80xi32, #tpu.memory_space<hbm>>
        %dma_wait3A_503 = tpu.memref_slice %arg6[%add3A_499] : memref<320000xi32, #tpu.memory_space<hbm>> -> memref<80xi32, #tpu.memory_space<hbm>>
        tpu.wait_dma2 semaphore(%arg38 : memref<!tpu.dma_semaphore, #tpu.memory_space<semaphore_mem>>) src(%dma_wait3A_503 : memref<80xi32, #tpu.memory_space<hbm>>) dst(%arg26 : memref<80xi32, #tpu.memory_space<vmem>>)
        %dma_start3A_504 = arith.constant 0 : i32
        %dma_start3A_505 = arith.constant 0 : i32
        %dma_start3A_506 = tpu.memref_slice %arg2[%dma_start3A_504, %dma_start3A_505] : memref<10240x128xf32, #tpu.memory_space<hbm>> -> memref<10240x128xf32, #tpu.memory_space<hbm>>
        tpu.enqueue_indirect_dma source(%dma_start3A_506 : memref<10240x128xf32, #tpu.memory_space<hbm>>) target(%arg11 : memref<80x128xf32, #tpu.memory_space<vmem>>) offsets(%arg23 : memref<80xi32, #tpu.memory_space<vmem>>) semaphore(%arg32 : memref<!tpu.dma_semaphore, #tpu.memory_space<semaphore_mem>>)
        %dma_start3A_507 = arith.constant 0 : i32
        %dma_start3A_508 = tpu.memref_slice %arg3[%dma_start3A_507] : memref<10240xf32, #tpu.memory_space<hbm>> -> memref<10240xf32, #tpu.memory_space<hbm>>
        tpu.enqueue_indirect_dma source(%dma_start3A_508 : memref<10240xf32, #tpu.memory_space<hbm>>) target(%arg14 : memref<80xf32, #tpu.memory_space<vmem>>) offsets(%arg23 : memref<80xi32, #tpu.memory_space<vmem>>) semaphore(%arg38 : memref<!tpu.dma_semaphore, #tpu.memory_space<semaphore_mem>>)
        %dma_start3A_509 = arith.constant 0 : i32
        %dma_start3A_510 = tpu.memref_slice %arg4[%dma_start3A_509] : memref<10240xf32, #tpu.memory_space<hbm>> -> memref<10240xf32, #tpu.memory_space<hbm>>
        tpu.enqueue_indirect_dma source(%dma_start3A_510 : memref<10240xf32, #tpu.memory_space<hbm>>) target(%arg17 : memref<80xf32, #tpu.memory_space<vmem>>) offsets(%arg26 : memref<80xi32, #tpu.memory_space<vmem>>) semaphore(%arg38 : memref<!tpu.dma_semaphore, #tpu.memory_space<semaphore_mem>>)
      } else {
      }
      %scan3A_481 = arith.constant 0 : i32
      scf.yield %scan3A_481 : i32
    }
    %scan3A_203 = arith.constant 41 : i32
    %dma_wait3A_204 = arith.constant 0 : i32
    %dma_wait3A_205 = tpu.memref_slice %arg3[%dma_wait3A_204] : memref<10240xf32, #tpu.memory_space<hbm>> -> memref<10240xf32, #tpu.memory_space<hbm>>
    tpu.wait_indirect_dma semaphore(%arg37 : memref<!tpu.dma_semaphore, #tpu.memory_space<semaphore_mem>>) src(%dma_wait3A_205 : memref<10240xf32, #tpu.memory_space<hbm>>) dst(%arg13 : memref<80xf32, #tpu.memory_space<vmem>>)
    %dma_wait3A_206 = arith.constant 0 : i32
    %dma_wait3A_207 = tpu.memref_slice %arg4[%dma_wait3A_206] : memref<10240xf32, #tpu.memory_space<hbm>> -> memref<10240xf32, #tpu.memory_space<hbm>>
    tpu.wait_indirect_dma semaphore(%arg37 : memref<!tpu.dma_semaphore, #tpu.memory_space<semaphore_mem>>) src(%dma_wait3A_207 : memref<10240xf32, #tpu.memory_space<hbm>>) dst(%arg16 : memref<80xf32, #tpu.memory_space<vmem>>)
    %parallel_loop3A_208 = arith.constant 0 : i32
    %parallel_loop3A_209 = arith.constant 5 : i32
    %parallel_loop3A_210 = arith.constant 1 : i32
    scf.for %parallel_loop3A_380 = %parallel_loop3A_208 to %parallel_loop3A_209 step %parallel_loop3A_210  : i32 {
      %parallel_loop3A_381 = arith.constant 16 : i32
      %parallel_loop3A_382 = arith.muli %parallel_loop3A_380, %parallel_loop3A_381 : i32
      %parallel_loop3A_383 = arith.index_cast %parallel_loop3A_382 : i32 to index
      %parallel_loop3A_384 = tpu.vector_load %arg13[%parallel_loop3A_383] {strides = array<i32>} : memref<80xf32, #tpu.memory_space<vmem>>, vector<16xf32>,
      %parallel_loop3A_385 = arith.constant 16 : i32
      %parallel_loop3A_386 = arith.muli %parallel_loop3A_380, %parallel_loop3A_385 : i32
      %parallel_loop3A_387 = arith.index_cast %parallel_loop3A_386 : i32 to index
      %parallel_loop3A_388 = tpu.vector_load %arg16[%parallel_loop3A_387] {strides = array<i32>} : memref<80xf32, #tpu.memory_space<vmem>>, vector<16xf32>,
      %parallel_loop3A_389 = arith.addf %parallel_loop3A_384, %parallel_loop3A_388 : vector<16xf32>
      %parallel_loop3A_390 = arith.constant 0.000000e+00 : f32
      %parallel_loop3A_391 = vector.broadcast %parallel_loop3A_390 : f32 to vector<16xf32>
      %parallel_loop3A_392 = arith.cmpf oge, %parallel_loop3A_389, %parallel_loop3A_391 : vector<16xf32>
      %parallel_loop3A_393 = arith.constant 0.00999999977 : f32
      %parallel_loop3A_394 = vector.broadcast %parallel_loop3A_393 : f32 to vector<16xf32>
      %parallel_loop3A_395 = arith.mulf %parallel_loop3A_389, %parallel_loop3A_394 : vector<16xf32>
      %parallel_loop3A_396 = arith.select %parallel_loop3A_392, %parallel_loop3A_389, %parallel_loop3A_395 : vector<16xi1>, vector<16xf32>
      %parallel_loop3A_397 = math.exp %parallel_loop3A_396 : vector<16xf32>
      %parallel_loop3A_398 = arith.constant 16 : i32
      %parallel_loop3A_399 = arith.muli %parallel_loop3A_380, %parallel_loop3A_398 : i32
      %parallel_loop3A_400 = arith.index_cast %parallel_loop3A_399 : i32 to index
      %parallel_loop3A_401 = tpu.vector_load %arg19[%parallel_loop3A_400] {strides = array<i32>} : memref<80xf32, #tpu.memory_space<vmem>>, vector<16xf32>,
      tpu.vector_store %arg19[%parallel_loop3A_400], %parallel_loop3A_397 {strides = array<i32>} : memref<80xf32, #tpu.memory_space<vmem>>, vector<16xf32>,
    } {sc.loop_unroll_factor = 5 : i64, sc.parallel_access}
    %dma_wait3A_211 = arith.constant 0 : i32
    %dma_wait3A_212 = arith.constant 0 : i32
    %dma_wait3A_213 = tpu.memref_slice %arg2[%dma_wait3A_211, %dma_wait3A_212] : memref<10240x128xf32, #tpu.memory_space<hbm>> -> memref<10240x128xf32, #tpu.memory_space<hbm>>
    tpu.wait_indirect_dma semaphore(%arg31 : memref<!tpu.dma_semaphore, #tpu.memory_space<semaphore_mem>>) src(%dma_wait3A_213 : memref<10240x128xf32, #tpu.memory_space<hbm>>) dst(%arg10 : memref<80x128xf32, #tpu.memory_space<vmem>>)
    %parallel_loop3A_214 = arith.constant 0 : i32
    %parallel_loop3A_215 = arith.constant 80 : i32
    %parallel_loop3A_216 = arith.constant 1 : i32
    scf.for %parallel_loop3A_380 = %parallel_loop3A_214 to %parallel_loop3A_215 step %parallel_loop3A_216  : i32 {
      %parallel_loop3A_381 = vector.broadcast %parallel_loop3A_380 : i32 to vector<16xi32>
      %parallel_loop3A_382 = tpu.vector_load_idx %arg19[%parallel_loop3A_381] : memref<80xf32, #tpu.memory_space<vmem>>[vector<16xi32>], vector<16xf32>,
      %parallel_loop3A_383 = arith.index_cast %parallel_loop3A_380 : i32 to index
      %parallel_loop3A_384 = arith.constant 0 : index
      %parallel_loop3A_385 = tpu.vector_load %arg10[%parallel_loop3A_383, %parallel_loop3A_384] {strides = array<i32>} : memref<80x128xf32, #tpu.memory_space<vmem>>, vector<16xf32>,
      %parallel_loop3A_386 = arith.mulf %parallel_loop3A_385, %parallel_loop3A_382 : vector<16xf32>
      %parallel_loop3A_387 = arith.index_cast %parallel_loop3A_380 : i32 to index
      %parallel_loop3A_388 = arith.constant 0 : index
      %parallel_loop3A_389 = tpu.vector_load %arg10[%parallel_loop3A_387, %parallel_loop3A_388] {strides = array<i32>} : memref<80x128xf32, #tpu.memory_space<vmem>>, vector<16xf32>,
      tpu.vector_store %arg10[%parallel_loop3A_387, %parallel_loop3A_388], %parallel_loop3A_386 {strides = array<i32>} : memref<80x128xf32, #tpu.memory_space<vmem>>, vector<16xf32>,
      %parallel_loop3A_390 = arith.index_cast %parallel_loop3A_380 : i32 to index
      %parallel_loop3A_391 = arith.constant 16 : index
      %parallel_loop3A_392 = tpu.vector_load %arg10[%parallel_loop3A_390, %parallel_loop3A_391] {strides = array<i32>} : memref<80x128xf32, #tpu.memory_space<vmem>>, vector<16xf32>,
      %parallel_loop3A_393 = arith.mulf %parallel_loop3A_392, %parallel_loop3A_382 : vector<16xf32>
      %parallel_loop3A_394 = arith.index_cast %parallel_loop3A_380 : i32 to index
      %parallel_loop3A_395 = arith.constant 16 : index
      %parallel_loop3A_396 = tpu.vector_load %arg10[%parallel_loop3A_394, %parallel_loop3A_395] {strides = array<i32>} : memref<80x128xf32, #tpu.memory_space<vmem>>, vector<16xf32>,
      tpu.vector_store %arg10[%parallel_loop3A_394, %parallel_loop3A_395], %parallel_loop3A_393 {strides = array<i32>} : memref<80x128xf32, #tpu.memory_space<vmem>>, vector<16xf32>,
      %parallel_loop3A_397 = arith.index_cast %parallel_loop3A_380 : i32 to index
      %parallel_loop3A_398 = arith.constant 32 : index
      %parallel_loop3A_399 = tpu.vector_load %arg10[%parallel_loop3A_397, %parallel_loop3A_398] {strides = array<i32>} : memref<80x128xf32, #tpu.memory_space<vmem>>, vector<16xf32>,
      %parallel_loop3A_400 = arith.mulf %parallel_loop3A_399, %parallel_loop3A_382 : vector<16xf32>
      %parallel_loop3A_401 = arith.index_cast %parallel_loop3A_380 : i32 to index
      %parallel_loop3A_402 = arith.constant 32 : index
      %parallel_loop3A_403 = tpu.vector_load %arg10[%parallel_loop3A_401, %parallel_loop3A_402] {strides = array<i32>} : memref<80x128xf32, #tpu.memory_space<vmem>>, vector<16xf32>,
      tpu.vector_store %arg10[%parallel_loop3A_401, %parallel_loop3A_402], %parallel_loop3A_400 {strides = array<i32>} : memref<80x128xf32, #tpu.memory_space<vmem>>, vector<16xf32>,
      %parallel_loop3A_404 = arith.index_cast %parallel_loop3A_380 : i32 to index
      %parallel_loop3A_405 = arith.constant 48 : index
      %parallel_loop3A_406 = tpu.vector_load %arg10[%parallel_loop3A_404, %parallel_loop3A_405] {strides = array<i32>} : memref<80x128xf32, #tpu.memory_space<vmem>>, vector<16xf32>,
      %parallel_loop3A_407 = arith.mulf %parallel_loop3A_406, %parallel_loop3A_382 : vector<16xf32>
      %parallel_loop3A_408 = arith.index_cast %parallel_loop3A_380 : i32 to index
      %parallel_loop3A_409 = arith.constant 48 : index
      %parallel_loop3A_410 = tpu.vector_load %arg10[%parallel_loop3A_408, %parallel_loop3A_409] {strides = array<i32>} : memref<80x128xf32, #tpu.memory_space<vmem>>, vector<16xf32>,
      tpu.vector_store %arg10[%parallel_loop3A_408, %parallel_loop3A_409], %parallel_loop3A_407 {strides = array<i32>} : memref<80x128xf32, #tpu.memory_space<vmem>>, vector<16xf32>,
      %parallel_loop3A_411 = arith.index_cast %parallel_loop3A_380 : i32 to index
      %parallel_loop3A_412 = arith.constant 64 : index
      %parallel_loop3A_413 = tpu.vector_load %arg10[%parallel_loop3A_411, %parallel_loop3A_412] {strides = array<i32>} : memref<80x128xf32, #tpu.memory_space<vmem>>, vector<16xf32>,
      %parallel_loop3A_414 = arith.mulf %parallel_loop3A_413, %parallel_loop3A_382 : vector<16xf32>
      %parallel_loop3A_415 = arith.index_cast %parallel_loop3A_380 : i32 to index
      %parallel_loop3A_416 = arith.constant 64 : index
      %parallel_loop3A_417 = tpu.vector_load %arg10[%parallel_loop3A_415, %parallel_loop3A_416] {strides = array<i32>} : memref<80x128xf32, #tpu.memory_space<vmem>>, vector<16xf32>,
      tpu.vector_store %arg10[%parallel_loop3A_415, %parallel_loop3A_416], %parallel_loop3A_414 {strides = array<i32>} : memref<80x128xf32, #tpu.memory_space<vmem>>, vector<16xf32>,
      %parallel_loop3A_418 = arith.index_cast %parallel_loop3A_380 : i32 to index
      %parallel_loop3A_419 = arith.constant 80 : index
      %parallel_loop3A_420 = tpu.vector_load %arg10[%parallel_loop3A_418, %parallel_loop3A_419] {strides = array<i32>} : memref<80x128xf32, #tpu.memory_space<vmem>>, vector<16xf32>,
      %parallel_loop3A_421 = arith.mulf %parallel_loop3A_420, %parallel_loop3A_382 : vector<16xf32>
      %parallel_loop3A_422 = arith.index_cast %parallel_loop3A_380 : i32 to index
      %parallel_loop3A_423 = arith.constant 80 : index
      %parallel_loop3A_424 = tpu.vector_load %arg10[%parallel_loop3A_422, %parallel_loop3A_423] {strides = array<i32>} : memref<80x128xf32, #tpu.memory_space<vmem>>, vector<16xf32>,
      tpu.vector_store %arg10[%parallel_loop3A_422, %parallel_loop3A_423], %parallel_loop3A_421 {strides = array<i32>} : memref<80x128xf32, #tpu.memory_space<vmem>>, vector<16xf32>,
      %parallel_loop3A_425 = arith.index_cast %parallel_loop3A_380 : i32 to index
      %parallel_loop3A_426 = arith.constant 96 : index
      %parallel_loop3A_427 = tpu.vector_load %arg10[%parallel_loop3A_425, %parallel_loop3A_426] {strides = array<i32>} : memref<80x128xf32, #tpu.memory_space<vmem>>, vector<16xf32>,
      %parallel_loop3A_428 = arith.mulf %parallel_loop3A_427, %parallel_loop3A_382 : vector<16xf32>
      %parallel_loop3A_429 = arith.index_cast %parallel_loop3A_380 : i32 to index
      %parallel_loop3A_430 = arith.constant 96 : index
      %parallel_loop3A_431 = tpu.vector_load %arg10[%parallel_loop3A_429, %parallel_loop3A_430] {strides = array<i32>} : memref<80x128xf32, #tpu.memory_space<vmem>>, vector<16xf32>,
      tpu.vector_store %arg10[%parallel_loop3A_429, %parallel_loop3A_430], %parallel_loop3A_428 {strides = array<i32>} : memref<80x128xf32, #tpu.memory_space<vmem>>, vector<16xf32>,
      %parallel_loop3A_432 = arith.index_cast %parallel_loop3A_380 : i32 to index
      %parallel_loop3A_433 = arith.constant 112 : index
      %parallel_loop3A_434 = tpu.vector_load %arg10[%parallel_loop3A_432, %parallel_loop3A_433] {strides = array<i32>} : memref<80x128xf32, #tpu.memory_space<vmem>>, vector<16xf32>,
      %parallel_loop3A_435 = arith.mulf %parallel_loop3A_434, %parallel_loop3A_382 : vector<16xf32>
      %parallel_loop3A_436 = arith.index_cast %parallel_loop3A_380 : i32 to index
      %parallel_loop3A_437 = arith.constant 112 : index
      %parallel_loop3A_438 = tpu.vector_load %arg10[%parallel_loop3A_436, %parallel_loop3A_437] {strides = array<i32>} : memref<80x128xf32, #tpu.memory_space<vmem>>, vector<16xf32>,
      tpu.vector_store %arg10[%parallel_loop3A_436, %parallel_loop3A_437], %parallel_loop3A_435 {strides = array<i32>} : memref<80x128xf32, #tpu.memory_space<vmem>>, vector<16xf32>,
    } {sc.loop_unroll_factor = 4 : i64, sc.parallel_access}
    %dma_start3A_217 = arith.constant 0 : i32
    %dma_start3A_218 = arith.constant 0 : i32
    %dma_start3A_219 = tpu.memref_slice %arg28[%dma_start3A_217, %dma_start3A_218] : memref<10000x128xf32, #tpu.memory_space<vmem_shared>> -> memref<10000x128xf32, #tpu.memory_space<vmem_shared>>
    tpu.enqueue_indirect_dma source(%arg10 : memref<80x128xf32, #tpu.memory_space<vmem>>) target(%dma_start3A_219 : memref<10000x128xf32, #tpu.memory_space<vmem_shared>>) offsets(%arg25 : memref<80xi32, #tpu.memory_space<vmem>>) semaphore(%arg34 : memref<!tpu.dma_semaphore, #tpu.memory_space<semaphore_mem>>) {add = true}
    %dma_start3A_220 = arith.constant 0 : i32
    %dma_start3A_221 = tpu.memref_slice %arg29[%dma_start3A_220] : memref<10000xf32, #tpu.memory_space<vmem_shared>> -> memref<10000xf32, #tpu.memory_space<vmem_shared>>
    tpu.enqueue_indirect_dma source(%arg19 : memref<80xf32, #tpu.memory_space<vmem>>) target(%dma_start3A_221 : memref<10000xf32, #tpu.memory_space<vmem_shared>>) offsets(%arg25 : memref<80xi32, #tpu.memory_space<vmem>>) semaphore(%arg34 : memref<!tpu.dma_semaphore, #tpu.memory_space<semaphore_mem>>) {add = true}
    %dma_wait3A_222 = arith.constant 0 : i32
    %dma_wait3A_223 = arith.constant 0 : i32
    %dma_wait3A_224 = tpu.memref_slice %arg28[%dma_wait3A_222, %dma_wait3A_223] : memref<10000x128xf32, #tpu.memory_space<vmem_shared>> -> memref<10000x128xf32, #tpu.memory_space<vmem_shared>>
    tpu.wait_indirect_dma semaphore(%arg33 : memref<!tpu.dma_semaphore, #tpu.memory_space<semaphore_mem>>) src(%arg9 : memref<80x128xf32, #tpu.memory_space<vmem>>) dst(%dma_wait3A_224 : memref<10000x128xf32, #tpu.memory_space<vmem_shared>>)
    %dma_wait3A_225 = arith.constant 0 : i32
    %dma_wait3A_226 = tpu.memref_slice %arg29[%dma_wait3A_225] : memref<10000xf32, #tpu.memory_space<vmem_shared>> -> memref<10000xf32, #tpu.memory_space<vmem_shared>>
    tpu.wait_indirect_dma semaphore(%arg33 : memref<!tpu.dma_semaphore, #tpu.memory_space<semaphore_mem>>) src(%arg18 : memref<80xf32, #tpu.memory_space<vmem>>) dst(%dma_wait3A_226 : memref<10000xf32, #tpu.memory_space<vmem_shared>>)
    %dma_wait3A_227 = arith.constant 0 : i32
    %dma_wait3A_228 = arith.constant 0 : i32
    %dma_wait3A_229 = tpu.memref_slice %arg28[%dma_wait3A_227, %dma_wait3A_228] : memref<10000x128xf32, #tpu.memory_space<vmem_shared>> -> memref<10000x128xf32, #tpu.memory_space<vmem_shared>>
    tpu.wait_indirect_dma semaphore(%arg34 : memref<!tpu.dma_semaphore, #tpu.memory_space<semaphore_mem>>) src(%arg10 : memref<80x128xf32, #tpu.memory_space<vmem>>) dst(%dma_wait3A_229 : memref<10000x128xf32, #tpu.memory_space<vmem_shared>>)
    %dma_wait3A_230 = arith.constant 0 : i32
    %dma_wait3A_231 = tpu.memref_slice %arg29[%dma_wait3A_230] : memref<10000xf32, #tpu.memory_space<vmem_shared>> -> memref<10000xf32, #tpu.memory_space<vmem_shared>>
    tpu.wait_indirect_dma semaphore(%arg34 : memref<!tpu.dma_semaphore, #tpu.memory_space<semaphore_mem>>) src(%arg19 : memref<80xf32, #tpu.memory_space<vmem>>) dst(%dma_wait3A_231 : memref<10000xf32, #tpu.memory_space<vmem_shared>>)
    %barrier3A_232 = arith.constant 0 : index
    tpu.barrier barrier_id(%barrier3A_232)
    %add3A_233 = arith.constant 0 : i32
    %add3A_234 = arith.addi %mul3A_31, %add3A_233 : i32
    %add3A_235 = arith.constant 0 : i32
    %add3A_236 = arith.addi %mul3A_31, %add3A_235 : i32
    %dma_start3A_237 = arith.constant 0 : i32
    %dma_start3A_238 = tpu.memref_slice %arg7[%arg0, %add3A_236, %dma_start3A_237] : memref<2x10240x128xf32, #tpu.memory_space<hbm>> -> memref<1x80x128xf32, #tpu.memory_space<hbm>>
    %dma_start3A_239 = tpu.memref_squeeze %dma_start3A_238 : memref<1x80x128xf32, #tpu.memory_space<hbm>> -> memref<80x128xf32, #tpu.memory_space<hbm>>
    %dma_start3A_240 = arith.constant 0 : i32
    %dma_start3A_241 = tpu.memref_slice %arg28[%add3A_234, %dma_start3A_240] : memref<10000x128xf32, #tpu.memory_space<vmem_shared>> -> memref<80x128xf32, #tpu.memory_space<vmem_shared>>
    tpu.enqueue_dma source(%dma_start3A_241 : memref<80x128xf32, #tpu.memory_space<vmem_shared>>) target(%dma_start3A_239 : memref<80x128xf32, #tpu.memory_space<hbm>>) target_semaphore(%arg30 : memref<!tpu.dma_semaphore, #tpu.memory_space<semaphore_mem>>)
    %add3A_242 = arith.constant 80 : i32
    %add3A_243 = arith.addi %mul3A_31, %add3A_242 : i32
    %add3A_244 = arith.constant 80 : i32
    %add3A_245 = arith.addi %mul3A_31, %add3A_244 : i32
    %dma_start3A_246 = arith.constant 0 : i32
    %dma_start3A_247 = tpu.memref_slice %arg7[%arg0, %add3A_245, %dma_start3A_246] : memref<2x10240x128xf32, #tpu.memory_space<hbm>> -> memref<1x80x128xf32, #tpu.memory_space<hbm>>
    %dma_start3A_248 = tpu.memref_squeeze %dma_start3A_247 : memref<1x80x128xf32, #tpu.memory_space<hbm>> -> memref<80x128xf32, #tpu.memory_space<hbm>>
    %dma_start3A_249 = arith.constant 0 : i32
    %dma_start3A_250 = tpu.memref_slice %arg28[%add3A_243, %dma_start3A_249] : memref<10000x128xf32, #tpu.memory_space<vmem_shared>> -> memref<80x128xf32, #tpu.memory_space<vmem_shared>>
    tpu.enqueue_dma source(%dma_start3A_250 : memref<80x128xf32, #tpu.memory_space<vmem_shared>>) target(%dma_start3A_248 : memref<80x128xf32, #tpu.memory_space<hbm>>) target_semaphore(%arg31 : memref<!tpu.dma_semaphore, #tpu.memory_space<semaphore_mem>>)
    %add3A_251 = arith.constant 160 : i32
    %add3A_252 = arith.addi %mul3A_31, %add3A_251 : i32
    %add3A_253 = arith.constant 160 : i32
    %add3A_254 = arith.addi %mul3A_31, %add3A_253 : i32
    %dma_start3A_255 = arith.constant 0 : i32
    %dma_start3A_256 = tpu.memref_slice %arg7[%arg0, %add3A_254, %dma_start3A_255] : memref<2x10240x128xf32, #tpu.memory_space<hbm>> -> memref<1x80x128xf32, #tpu.memory_space<hbm>>
    %dma_start3A_257 = tpu.memref_squeeze %dma_start3A_256 : memref<1x80x128xf32, #tpu.memory_space<hbm>> -> memref<80x128xf32, #tpu.memory_space<hbm>>
    %dma_start3A_258 = arith.constant 0 : i32
    %dma_start3A_259 = tpu.memref_slice %arg28[%add3A_252, %dma_start3A_258] : memref<10000x128xf32, #tpu.memory_space<vmem_shared>> -> memref<80x128xf32, #tpu.memory_space<vmem_shared>>
    tpu.enqueue_dma source(%dma_start3A_259 : memref<80x128xf32, #tpu.memory_space<vmem_shared>>) target(%dma_start3A_257 : memref<80x128xf32, #tpu.memory_space<hbm>>) target_semaphore(%arg32 : memref<!tpu.dma_semaphore, #tpu.memory_space<semaphore_mem>>)
    %add3A_260 = arith.constant 240 : i32
    %add3A_261 = arith.addi %mul3A_31, %add3A_260 : i32
    %add3A_262 = arith.constant 240 : i32
    %add3A_263 = arith.addi %mul3A_31, %add3A_262 : i32
    %dma_start3A_264 = arith.constant 0 : i32
    %dma_start3A_265 = tpu.memref_slice %arg7[%arg0, %add3A_263, %dma_start3A_264] : memref<2x10240x128xf32, #tpu.memory_space<hbm>> -> memref<1x80x128xf32, #tpu.memory_space<hbm>>
    %dma_start3A_266 = tpu.memref_squeeze %dma_start3A_265 : memref<1x80x128xf32, #tpu.memory_space<hbm>> -> memref<80x128xf32, #tpu.memory_space<hbm>>
    %dma_start3A_267 = arith.constant 0 : i32
    %dma_start3A_268 = tpu.memref_slice %arg28[%add3A_261, %dma_start3A_267] : memref<10000x128xf32, #tpu.memory_space<vmem_shared>> -> memref<80x128xf32, #tpu.memory_space<vmem_shared>>
    tpu.enqueue_dma source(%dma_start3A_268 : memref<80x128xf32, #tpu.memory_space<vmem_shared>>) target(%dma_start3A_266 : memref<80x128xf32, #tpu.memory_space<hbm>>) target_semaphore(%arg30 : memref<!tpu.dma_semaphore, #tpu.memory_space<semaphore_mem>>)
    %add3A_269 = arith.constant 320 : i32
    %add3A_270 = arith.addi %mul3A_31, %add3A_269 : i32
    %add3A_271 = arith.constant 320 : i32
    %add3A_272 = arith.addi %mul3A_31, %add3A_271 : i32
    %dma_start3A_273 = arith.constant 0 : i32
    %dma_start3A_274 = tpu.memref_slice %arg7[%arg0, %add3A_272, %dma_start3A_273] : memref<2x10240x128xf32, #tpu.memory_space<hbm>> -> memref<1x80x128xf32, #tpu.memory_space<hbm>>
    %dma_start3A_275 = tpu.memref_squeeze %dma_start3A_274 : memref<1x80x128xf32, #tpu.memory_space<hbm>> -> memref<80x128xf32, #tpu.memory_space<hbm>>
    %dma_start3A_276 = arith.constant 0 : i32
    %dma_start3A_277 = tpu.memref_slice %arg28[%add3A_270, %dma_start3A_276] : memref<10000x128xf32, #tpu.memory_space<vmem_shared>> -> memref<80x128xf32, #tpu.memory_space<vmem_shared>>
    tpu.enqueue_dma source(%dma_start3A_277 : memref<80x128xf32, #tpu.memory_space<vmem_shared>>) target(%dma_start3A_275 : memref<80x128xf32, #tpu.memory_space<hbm>>) target_semaphore(%arg31 : memref<!tpu.dma_semaphore, #tpu.memory_space<semaphore_mem>>)
    %add3A_278 = arith.constant 400 : i32
    %add3A_279 = arith.addi %mul3A_31, %add3A_278 : i32
    %add3A_280 = arith.constant 400 : i32
    %add3A_281 = arith.addi %mul3A_31, %add3A_280 : i32
    %dma_start3A_282 = arith.constant 0 : i32
    %dma_start3A_283 = tpu.memref_slice %arg7[%arg0, %add3A_281, %dma_start3A_282] : memref<2x10240x128xf32, #tpu.memory_space<hbm>> -> memref<1x80x128xf32, #tpu.memory_space<hbm>>
    %dma_start3A_284 = tpu.memref_squeeze %dma_start3A_283 : memref<1x80x128xf32, #tpu.memory_space<hbm>> -> memref<80x128xf32, #tpu.memory_space<hbm>>
    %dma_start3A_285 = arith.constant 0 : i32
    %dma_start3A_286 = tpu.memref_slice %arg28[%add3A_279, %dma_start3A_285] : memref<10000x128xf32, #tpu.memory_space<vmem_shared>> -> memref<80x128xf32, #tpu.memory_space<vmem_shared>>
    tpu.enqueue_dma source(%dma_start3A_286 : memref<80x128xf32, #tpu.memory_space<vmem_shared>>) target(%dma_start3A_284 : memref<80x128xf32, #tpu.memory_space<hbm>>) target_semaphore(%arg32 : memref<!tpu.dma_semaphore, #tpu.memory_space<semaphore_mem>>)
    %add3A_287 = arith.constant 480 : i32
    %add3A_288 = arith.addi %mul3A_31, %add3A_287 : i32
    %add3A_289 = arith.constant 480 : i32
    %add3A_290 = arith.addi %mul3A_31, %add3A_289 : i32
    %dma_start3A_291 = arith.constant 0 : i32
    %dma_start3A_292 = tpu.memref_slice %arg7[%arg0, %add3A_290, %dma_start3A_291] : memref<2x10240x128xf32, #tpu.memory_space<hbm>> -> memref<1x80x128xf32, #tpu.memory_space<hbm>>
    %dma_start3A_293 = tpu.memref_squeeze %dma_start3A_292 : memref<1x80x128xf32, #tpu.memory_space<hbm>> -> memref<80x128xf32, #tpu.memory_space<hbm>>
    %dma_start3A_294 = arith.constant 0 : i32
    %dma_start3A_295 = tpu.memref_slice %arg28[%add3A_288, %dma_start3A_294] : memref<10000x128xf32, #tpu.memory_space<vmem_shared>> -> memref<80x128xf32, #tpu.memory_space<vmem_shared>>
    tpu.enqueue_dma source(%dma_start3A_295 : memref<80x128xf32, #tpu.memory_space<vmem_shared>>) target(%dma_start3A_293 : memref<80x128xf32, #tpu.memory_space<hbm>>) target_semaphore(%arg30 : memref<!tpu.dma_semaphore, #tpu.memory_space<semaphore_mem>>)
    %add3A_296 = arith.constant 560 : i32
    %add3A_297 = arith.addi %mul3A_31, %add3A_296 : i32
    %add3A_298 = arith.constant 560 : i32
    %add3A_299 = arith.addi %mul3A_31, %add3A_298 : i32
    %dma_start3A_300 = arith.constant 0 : i32
    %dma_start3A_301 = tpu.memref_slice %arg7[%arg0, %add3A_299, %dma_start3A_300] : memref<2x10240x128xf32, #tpu.memory_space<hbm>> -> memref<1x80x128xf32, #tpu.memory_space<hbm>>
    %dma_start3A_302 = tpu.memref_squeeze %dma_start3A_301 : memref<1x80x128xf32, #tpu.memory_space<hbm>> -> memref<80x128xf32, #tpu.memory_space<hbm>>
    %dma_start3A_303 = arith.constant 0 : i32
    %dma_start3A_304 = tpu.memref_slice %arg28[%add3A_297, %dma_start3A_303] : memref<10000x128xf32, #tpu.memory_space<vmem_shared>> -> memref<80x128xf32, #tpu.memory_space<vmem_shared>>
    tpu.enqueue_dma source(%dma_start3A_304 : memref<80x128xf32, #tpu.memory_space<vmem_shared>>) target(%dma_start3A_302 : memref<80x128xf32, #tpu.memory_space<hbm>>) target_semaphore(%arg31 : memref<!tpu.dma_semaphore, #tpu.memory_space<semaphore_mem>>)
    "tpu.region"() ({
      %run_scoped3A = tpu.sem_alloc : memref<!tpu.dma_semaphore, #tpu.memory_space<semaphore_mem>>
      %dma_start3A_380 = tpu.memref_slice %arg29[%mul3A_31] : memref<10000xf32, #tpu.memory_space<vmem_shared>> -> memref<640xf32, #tpu.memory_space<vmem_shared>>
      %dma_start3A_381 = tpu.memref_slice %arg29[%mul3A_31] : memref<10000xf32, #tpu.memory_space<vmem_shared>> -> memref<640xf32, #tpu.memory_space<vmem_shared>>
      tpu.enqueue_dma source(%dma_start3A_381 : memref<640xf32, #tpu.memory_space<vmem_shared>>) target(%arg27 : memref<640xf32, #tpu.memory_space<vmem>>) target_semaphore(%run_scoped3A : memref<!tpu.dma_semaphore, #tpu.memory_space<semaphore_mem>>)
      %dma_wait3A_382 = tpu.memref_slice %arg29[%mul3A_31] : memref<10000xf32, #tpu.memory_space<vmem_shared>> -> memref<640xf32, #tpu.memory_space<vmem_shared>>
      %dma_wait3A_383 = tpu.memref_slice %arg29[%mul3A_31] : memref<10000xf32, #tpu.memory_space<vmem_shared>> -> memref<640xf32, #tpu.memory_space<vmem_shared>>
      tpu.wait_dma2 semaphore(%run_scoped3A : memref<!tpu.dma_semaphore, #tpu.memory_space<semaphore_mem>>) src(%dma_wait3A_383 : memref<640xf32, #tpu.memory_space<vmem_shared>>) dst(%arg27 : memref<640xf32, #tpu.memory_space<vmem>>)
      tpu.yield
    }) : () -> ()
    %mul3A_305 = arith.constant 10240 : i32
    %mul3A_306 = arith.muli %arg0, %mul3A_305 : i32
    %add3A_307 = arith.addi %mul3A_306, %mul3A_31 : i32
    "tpu.region"() ({
      %run_scoped3A = tpu.sem_alloc : memref<!tpu.dma_semaphore, #tpu.memory_space<semaphore_mem>>
      %dma_start3A_380 = tpu.memref_slice %arg8[%add3A_307] : memref<20480xf32, #tpu.memory_space<hbm>> -> memref<640xf32, #tpu.memory_space<hbm>>
      %dma_start3A_381 = tpu.memref_slice %arg8[%add3A_307] : memref<20480xf32, #tpu.memory_space<hbm>> -> memref<640xf32, #tpu.memory_space<hbm>>
      tpu.enqueue_dma source(%arg27 : memref<640xf32, #tpu.memory_space<vmem>>) target(%dma_start3A_381 : memref<640xf32, #tpu.memory_space<hbm>>) target_semaphore(%run_scoped3A : memref<!tpu.dma_semaphore, #tpu.memory_space<semaphore_mem>>)
      %dma_wait3A_382 = tpu.memref_slice %arg8[%add3A_307] : memref<20480xf32, #tpu.memory_space<hbm>> -> memref<640xf32, #tpu.memory_space<hbm>>
      %dma_wait3A_383 = tpu.memref_slice %arg8[%add3A_307] : memref<20480xf32, #tpu.memory_space<hbm>> -> memref<640xf32, #tpu.memory_space<hbm>>
      tpu.wait_dma2 semaphore(%run_scoped3A : memref<!tpu.dma_semaphore, #tpu.memory_space<semaphore_mem>>) src(%arg27 : memref<640xf32, #tpu.memory_space<vmem>>) dst(%dma_wait3A_383 : memref<640xf32, #tpu.memory_space<hbm>>)
      tpu.yield
    }) : () -> ()
    %add3A_308 = arith.constant 0 : i32
    %add3A_309 = arith.addi %mul3A_31, %add3A_308 : i32
    %add3A_310 = arith.constant 0 : i32
    %add3A_311 = arith.addi %mul3A_31, %add3A_310 : i32
    %dma_wait3A_312 = arith.constant 0 : i32
    %dma_wait3A_313 = tpu.memref_slice %arg7[%arg0, %add3A_311, %dma_wait3A_312] : memref<2x10240x128xf32, #tpu.memory_space<hbm>> -> memref<1x80x128xf32, #tpu.memory_space<hbm>>
    %dma_wait3A_314 = tpu.memref_squeeze %dma_wait3A_313 : memref<1x80x128xf32, #tpu.memory_space<hbm>> -> memref<80x128xf32, #tpu.memory_space<hbm>>
    %dma_wait3A_315 = arith.constant 0 : i32
    %dma_wait3A_316 = tpu.memref_slice %arg28[%add3A_309, %dma_wait3A_315] : memref<10000x128xf32, #tpu.memory_space<vmem_shared>> -> memref<80x128xf32, #tpu.memory_space<vmem_shared>>
    tpu.wait_dma2 semaphore(%arg30 : memref<!tpu.dma_semaphore, #tpu.memory_space<semaphore_mem>>) src(%dma_wait3A_316 : memref<80x128xf32, #tpu.memory_space<vmem_shared>>) dst(%dma_wait3A_314 : memref<80x128xf32, #tpu.memory_space<hbm>>)
    %add3A_317 = arith.constant 80 : i32
    %add3A_318 = arith.addi %mul3A_31, %add3A_317 : i32
    %add3A_319 = arith.constant 80 : i32
    %add3A_320 = arith.addi %mul3A_31, %add3A_319 : i32
    %dma_wait3A_321 = arith.constant 0 : i32
    %dma_wait3A_322 = tpu.memref_slice %arg7[%arg0, %add3A_320, %dma_wait3A_321] : memref<2x10240x128xf32, #tpu.memory_space<hbm>> -> memref<1x80x128xf32, #tpu.memory_space<hbm>>
    %dma_wait3A_323 = tpu.memref_squeeze %dma_wait3A_322 : memref<1x80x128xf32, #tpu.memory_space<hbm>> -> memref<80x128xf32, #tpu.memory_space<hbm>>
    %dma_wait3A_324 = arith.constant 0 : i32
    %dma_wait3A_325 = tpu.memref_slice %arg28[%add3A_318, %dma_wait3A_324] : memref<10000x128xf32, #tpu.memory_space<vmem_shared>> -> memref<80x128xf32, #tpu.memory_space<vmem_shared>>
    tpu.wait_dma2 semaphore(%arg31 : memref<!tpu.dma_semaphore, #tpu.memory_space<semaphore_mem>>) src(%dma_wait3A_325 : memref<80x128xf32, #tpu.memory_space<vmem_shared>>) dst(%dma_wait3A_323 : memref<80x128xf32, #tpu.memory_space<hbm>>)
    %add3A_326 = arith.constant 160 : i32
    %add3A_327 = arith.addi %mul3A_31, %add3A_326 : i32
    %add3A_328 = arith.constant 160 : i32
    %add3A_329 = arith.addi %mul3A_31, %add3A_328 : i32
    %dma_wait3A_330 = arith.constant 0 : i32
    %dma_wait3A_331 = tpu.memref_slice %arg7[%arg0, %add3A_329, %dma_wait3A_330] : memref<2x10240x128xf32, #tpu.memory_space<hbm>> -> memref<1x80x128xf32, #tpu.memory_space<hbm>>
    %dma_wait3A_332 = tpu.memref_squeeze %dma_wait3A_331 : memref<1x80x128xf32, #tpu.memory_space<hbm>> -> memref<80x128xf32, #tpu.memory_space<hbm>>
    %dma_wait3A_333 = arith.constant 0 : i32
    %dma_wait3A_334 = tpu.memref_slice %arg28[%add3A_327, %dma_wait3A_333] : memref<10000x128xf32, #tpu.memory_space<vmem_shared>> -> memref<80x128xf32, #tpu.memory_space<vmem_shared>>
    tpu.wait_dma2 semaphore(%arg32 : memref<!tpu.dma_semaphore, #tpu.memory_space<semaphore_mem>>) src(%dma_wait3A_334 : memref<80x128xf32, #tpu.memory_space<vmem_shared>>) dst(%dma_wait3A_332 : memref<80x128xf32, #tpu.memory_space<hbm>>)
    %add3A_335 = arith.constant 240 : i32
    %add3A_336 = arith.addi %mul3A_31, %add3A_335 : i32
    %add3A_337 = arith.constant 240 : i32
    %add3A_338 = arith.addi %mul3A_31, %add3A_337 : i32
    %dma_wait3A_339 = arith.constant 0 : i32
    %dma_wait3A_340 = tpu.memref_slice %arg7[%arg0, %add3A_338, %dma_wait3A_339] : memref<2x10240x128xf32, #tpu.memory_space<hbm>> -> memref<1x80x128xf32, #tpu.memory_space<hbm>>
    %dma_wait3A_341 = tpu.memref_squeeze %dma_wait3A_340 : memref<1x80x128xf32, #tpu.memory_space<hbm>> -> memref<80x128xf32, #tpu.memory_space<hbm>>
    %dma_wait3A_342 = arith.constant 0 : i32
    %dma_wait3A_343 = tpu.memref_slice %arg28[%add3A_336, %dma_wait3A_342] : memref<10000x128xf32, #tpu.memory_space<vmem_shared>> -> memref<80x128xf32, #tpu.memory_space<vmem_shared>>
    tpu.wait_dma2 semaphore(%arg30 : memref<!tpu.dma_semaphore, #tpu.memory_space<semaphore_mem>>) src(%dma_wait3A_343 : memref<80x128xf32, #tpu.memory_space<vmem_shared>>) dst(%dma_wait3A_341 : memref<80x128xf32, #tpu.memory_space<hbm>>)
    %add3A_344 = arith.constant 320 : i32
    %add3A_345 = arith.addi %mul3A_31, %add3A_344 : i32
    %add3A_346 = arith.constant 320 : i32
    %add3A_347 = arith.addi %mul3A_31, %add3A_346 : i32
    %dma_wait3A_348 = arith.constant 0 : i32
    %dma_wait3A_349 = tpu.memref_slice %arg7[%arg0, %add3A_347, %dma_wait3A_348] : memref<2x10240x128xf32, #tpu.memory_space<hbm>> -> memref<1x80x128xf32, #tpu.memory_space<hbm>>
    %dma_wait3A_350 = tpu.memref_squeeze %dma_wait3A_349 : memref<1x80x128xf32, #tpu.memory_space<hbm>> -> memref<80x128xf32, #tpu.memory_space<hbm>>
    %dma_wait3A_351 = arith.constant 0 : i32
    %dma_wait3A_352 = tpu.memref_slice %arg28[%add3A_345, %dma_wait3A_351] : memref<10000x128xf32, #tpu.memory_space<vmem_shared>> -> memref<80x128xf32, #tpu.memory_space<vmem_shared>>
    tpu.wait_dma2 semaphore(%arg31 : memref<!tpu.dma_semaphore, #tpu.memory_space<semaphore_mem>>) src(%dma_wait3A_352 : memref<80x128xf32, #tpu.memory_space<vmem_shared>>) dst(%dma_wait3A_350 : memref<80x128xf32, #tpu.memory_space<hbm>>)
    %add3A_353 = arith.constant 400 : i32
    %add3A_354 = arith.addi %mul3A_31, %add3A_353 : i32
    %add3A_355 = arith.constant 400 : i32
    %add3A_356 = arith.addi %mul3A_31, %add3A_355 : i32
    %dma_wait3A_357 = arith.constant 0 : i32
    %dma_wait3A_358 = tpu.memref_slice %arg7[%arg0, %add3A_356, %dma_wait3A_357] : memref<2x10240x128xf32, #tpu.memory_space<hbm>> -> memref<1x80x128xf32, #tpu.memory_space<hbm>>
    %dma_wait3A_359 = tpu.memref_squeeze %dma_wait3A_358 : memref<1x80x128xf32, #tpu.memory_space<hbm>> -> memref<80x128xf32, #tpu.memory_space<hbm>>
    %dma_wait3A_360 = arith.constant 0 : i32
    %dma_wait3A_361 = tpu.memref_slice %arg28[%add3A_354, %dma_wait3A_360] : memref<10000x128xf32, #tpu.memory_space<vmem_shared>> -> memref<80x128xf32, #tpu.memory_space<vmem_shared>>
    tpu.wait_dma2 semaphore(%arg32 : memref<!tpu.dma_semaphore, #tpu.memory_space<semaphore_mem>>) src(%dma_wait3A_361 : memref<80x128xf32, #tpu.memory_space<vmem_shared>>) dst(%dma_wait3A_359 : memref<80x128xf32, #tpu.memory_space<hbm>>)
    %add3A_362 = arith.constant 480 : i32
    %add3A_363 = arith.addi %mul3A_31, %add3A_362 : i32
    %add3A_364 = arith.constant 480 : i32
    %add3A_365 = arith.addi %mul3A_31, %add3A_364 : i32
    %dma_wait3A_366 = arith.constant 0 : i32
    %dma_wait3A_367 = tpu.memref_slice %arg7[%arg0, %add3A_365, %dma_wait3A_366] : memref<2x10240x128xf32, #tpu.memory_space<hbm>> -> memref<1x80x128xf32, #tpu.memory_space<hbm>>
    %dma_wait3A_368 = tpu.memref_squeeze %dma_wait3A_367 : memref<1x80x128xf32, #tpu.memory_space<hbm>> -> memref<80x128xf32, #tpu.memory_space<hbm>>
    %dma_wait3A_369 = arith.constant 0 : i32
    %dma_wait3A_370 = tpu.memref_slice %arg28[%add3A_363, %dma_wait3A_369] : memref<10000x128xf32, #tpu.memory_space<vmem_shared>> -> memref<80x128xf32, #tpu.memory_space<vmem_shared>>
    tpu.wait_dma2 semaphore(%arg30 : memref<!tpu.dma_semaphore, #tpu.memory_space<semaphore_mem>>) src(%dma_wait3A_370 : memref<80x128xf32, #tpu.memory_space<vmem_shared>>) dst(%dma_wait3A_368 : memref<80x128xf32, #tpu.memory_space<hbm>>)
    %add3A_371 = arith.constant 560 : i32
    %add3A_372 = arith.addi %mul3A_31, %add3A_371 : i32
    %add3A_373 = arith.constant 560 : i32
    %add3A_374 = arith.addi %mul3A_31, %add3A_373 : i32
    %dma_wait3A_375 = arith.constant 0 : i32
    %dma_wait3A_376 = tpu.memref_slice %arg7[%arg0, %add3A_374, %dma_wait3A_375] : memref<2x10240x128xf32, #tpu.memory_space<hbm>> -> memref<1x80x128xf32, #tpu.memory_space<hbm>>
    %dma_wait3A_377 = tpu.memref_squeeze %dma_wait3A_376 : memref<1x80x128xf32, #tpu.memory_space<hbm>> -> memref<80x128xf32, #tpu.memory_space<hbm>>
    %dma_wait3A_378 = arith.constant 0 : i32
    %dma_wait3A_379 = tpu.memref_slice %arg28[%add3A_372, %dma_wait3A_378] : memref<10000x128xf32, #tpu.memory_space<vmem_shared>> -> memref<80x128xf32, #tpu.memory_space<vmem_shared>>
    tpu.wait_dma2 semaphore(%arg31 : memref<!tpu.dma_semaphore, #tpu.memory_space<semaphore_mem>>) src(%dma_wait3A_379 : memref<80x128xf32, #tpu.memory_space<vmem_shared>>) dst(%dma_wait3A_377 : memref<80x128xf32, #tpu.memory_space<hbm>>)
    return
  }
}

module attributes {stable_mosaic.version = 14 : i64} {
  func.func @_project_body(%arg0: i32, %arg1: memref<512x128xf32, #tpu.memory_space<vmem>>, %arg2: memref<128x128xf32, #tpu.memory_space<vmem>>, %arg3: memref<128xf32, #tpu.memory_space<vmem>>, %arg4: memref<128x128xf32, #tpu.memory_space<vmem>>, %arg5: memref<1x128xf32, #tpu.memory_space<vmem>>, %arg6: memref<1x128xf32, #tpu.memory_space<vmem>>, %arg7: memref<512x128xf32, #tpu.memory_space<vmem>>, %arg8: memref<10240xf32, #tpu.memory_space<vmem>>, %arg9: memref<10240xf32, #tpu.memory_space<vmem>>) attributes {dimension_semantics = [#tpu.dimension_semantics<arbitrary>], iteration_bounds = array<i64: 20>, scalar_prefetch = 0 : i64, scratch_operands = 0 : i64, tpu.core_type = #tpu.core_type<tc>, window_params = [{transform_indices = @transform_0, window_bounds = array<i64: 512, 128>}, {pipeline_mode = #tpu.pipeline_mode<synchronous>, transform_indices = @transform_1, window_bounds = array<i64: 128, 128>}, {pipeline_mode = #tpu.pipeline_mode<synchronous>, transform_indices = @transform_2, window_bounds = array<i64: 128>}, {pipeline_mode = #tpu.pipeline_mode<synchronous>, transform_indices = @transform_3, window_bounds = array<i64: 128, 128>}, {pipeline_mode = #tpu.pipeline_mode<synchronous>, transform_indices = @transform_4, window_bounds = array<i64: 1, 128>}, {pipeline_mode = #tpu.pipeline_mode<synchronous>, transform_indices = @transform_5, window_bounds = array<i64: 1, 128>}, {transform_indices = @transform_6, window_bounds = array<i64: 512, 128>}, {pipeline_mode = #tpu.pipeline_mode<synchronous>, transform_indices = @transform_7, window_bounds = array<i64: 10240>}, {pipeline_mode = #tpu.pipeline_mode<synchronous>, transform_indices = @transform_8, window_bounds = array<i64: 10240>}]} {
    %get3A = arith.constant 0 : index
    %get3A_0 = arith.constant 0 : index
    %get3A_1 = vector.load %arg1[%get3A, %get3A_0] : memref<512x128xf32, #tpu.memory_space<vmem>>, vector<512x128xf32>
    %get3A_2 = arith.constant 0 : index
    %get3A_3 = arith.constant 0 : index
    %get3A_4 = vector.load %arg2[%get3A_2, %get3A_3] : memref<128x128xf32, #tpu.memory_space<vmem>>, vector<128x128xf32>
    %dot_general3A = arith.constant dense<0.000000e+00> : vector<512x128xf32>
    %dot_general3A_5 = tpu.matmul %get3A_1, %get3A_4, %dot_general3A {dimension_numbers = #tpu.dot_dimension_numbers<[1], [1], [0], [0], [0, 0, 1, 0], [], []>, transpose_lhs_hint = false} : vector<512x128xf32>, vector<128x128xf32>, vector<512x128xf32> -> vector<512x128xf32>
    %get3A_6 = arith.constant 0 : index
    %get3A_7 = vector.load %arg3[%get3A_6] : memref<128xf32, #tpu.memory_space<vmem>>, vector<128xf32>
    %broadcast_in_dim3A = vector.shape_cast %get3A_7 : vector<128xf32> to vector<1x128xf32>
    %add3A = vector.broadcast %broadcast_in_dim3A : vector<1x128xf32> to vector<512x128xf32>
    %add3A_8 = arith.addf %dot_general3A_5, %add3A : vector<512x128xf32>
    %integer_pow3A = arith.mulf %add3A_8, %add3A_8 : vector<512x128xf32>
    %integer_pow3A_9 = arith.mulf %add3A_8, %integer_pow3A : vector<512x128xf32>
    %mul3A = arith.constant 4.471500e-02 : f32
    %mul3A_10 = vector.broadcast %mul3A : f32 to vector<512x128xf32>
    %mul3A_11 = arith.mulf %mul3A_10, %integer_pow3A_9 : vector<512x128xf32>
    %add3A_12 = arith.addf %add3A_8, %mul3A_11 : vector<512x128xf32>
    %mul3A_13 = arith.constant 0.797884583 : f32
    %mul3A_14 = vector.broadcast %mul3A_13 : f32 to vector<512x128xf32>
    %mul3A_15 = arith.mulf %mul3A_14, %add3A_12 : vector<512x128xf32>
    %tanh3A = math.tanh %mul3A_15 : vector<512x128xf32>
    %add3A_16 = arith.constant 1.000000e+00 : f32
    %add3A_17 = vector.broadcast %add3A_16 : f32 to vector<512x128xf32>
    %add3A_18 = arith.addf %add3A_17, %tanh3A : vector<512x128xf32>
    %mul3A_19 = arith.constant 5.000000e-01 : f32
    %mul3A_20 = vector.broadcast %mul3A_19 : f32 to vector<512x128xf32>
    %mul3A_21 = arith.mulf %mul3A_20, %add3A_18 : vector<512x128xf32>
    %mul3A_22 = arith.mulf %add3A_8, %mul3A_21 : vector<512x128xf32>
    %get3A_23 = arith.constant 0 : index
    %get3A_24 = arith.constant 0 : index
    %get3A_25 = vector.load %arg4[%get3A_23, %get3A_24] : memref<128x128xf32, #tpu.memory_space<vmem>>, vector<128x128xf32>
    %dot_general3A_26 = arith.constant dense<0.000000e+00> : vector<512x128xf32>
    %dot_general3A_27 = tpu.matmul %mul3A_22, %get3A_25, %dot_general3A_26 {dimension_numbers = #tpu.dot_dimension_numbers<[1], [1], [0], [0], [0, 0, 1, 0], [], []>, transpose_lhs_hint = false} : vector<512x128xf32>, vector<128x128xf32>, vector<512x128xf32> -> vector<512x128xf32>
    %swap3A = arith.constant 0 : index
    %swap3A_28 = arith.constant 0 : index
    %swap3A_29 = vector.load %arg7[%swap3A, %swap3A_28] : memref<512x128xf32, #tpu.memory_space<vmem>>, vector<512x128xf32>
    tpu.vector_store %arg7[%swap3A, %swap3A_28], %dot_general3A_27 {strides = array<i32>} : memref<512x128xf32, #tpu.memory_space<vmem>>, vector<512x128xf32>,
    %get3A_30 = arith.constant 0 : index
    %get3A_31 = arith.constant 0 : index
    %get3A_32 = vector.load %arg5[%get3A_30, %get3A_31] : memref<1x128xf32, #tpu.memory_space<vmem>>, vector<1x128xf32>
    %mul3A_33 = vector.broadcast %get3A_32 : vector<1x128xf32> to vector<512x128xf32>
    %mul3A_34 = arith.mulf %dot_general3A_27, %mul3A_33 : vector<512x128xf32>
    %reduce_sum3A = arith.constant dense<0.000000e+00> : vector<512xf32>
    %reduce_sum3A_35 = vector.multi_reduction <add>, %mul3A_34, %reduce_sum3A [1] : vector<512x128xf32> to vector<512xf32>
    %mul3A_36 = arith.constant 512 : i32
    %mul3A_37 = arith.muli %arg0, %mul3A_36 : i32
    %swap3A_38 = arith.index_cast %mul3A_37 : i32 to index
    %swap3A_39 = vector.load %arg8[%swap3A_38] : memref<10240xf32, #tpu.memory_space<vmem>>, vector<512xf32>
    tpu.vector_store %arg8[%swap3A_38], %reduce_sum3A_35 {strides = array<i32>} : memref<10240xf32, #tpu.memory_space<vmem>>, vector<512xf32>,
    %get3A_40 = arith.constant 0 : index
    %get3A_41 = arith.constant 0 : index
    %get3A_42 = vector.load %arg6[%get3A_40, %get3A_41] : memref<1x128xf32, #tpu.memory_space<vmem>>, vector<1x128xf32>
    %mul3A_43 = vector.broadcast %get3A_42 : vector<1x128xf32> to vector<512x128xf32>
    %mul3A_44 = arith.mulf %dot_general3A_27, %mul3A_43 : vector<512x128xf32>
    %reduce_sum3A_45 = arith.constant dense<0.000000e+00> : vector<512xf32>
    %reduce_sum3A_46 = vector.multi_reduction <add>, %mul3A_44, %reduce_sum3A_45 [1] : vector<512x128xf32> to vector<512xf32>
    %mul3A_47 = arith.constant 512 : i32
    %mul3A_48 = arith.muli %arg0, %mul3A_47 : i32
    %swap3A_49 = arith.index_cast %mul3A_48 : i32 to index
    %swap3A_50 = vector.load %arg9[%swap3A_49] : memref<10240xf32, #tpu.memory_space<vmem>>, vector<512xf32>
    tpu.vector_store %arg9[%swap3A_49], %reduce_sum3A_46 {strides = array<i32>} : memref<10240xf32, #tpu.memory_space<vmem>>, vector<512xf32>,
    return
  }
  func.func @transform_0(%arg0: i32) -> (i32, i32) {
    %c0_i32 = arith.constant 0 : i32
    %c0_i32_0 = arith.constant 0 : i32
    return %arg0, %c0_i32 : i32, i32
  }
  func.func @transform_1(%arg0: i32) -> (i32, i32) {
    %c0_i32 = arith.constant 0 : i32
    %c0_i32_0 = arith.constant 0 : i32
    %c0_i32_1 = arith.constant 0 : i32
    return %c0_i32, %c0_i32_0 : i32, i32
  }
  func.func @transform_2(%arg0: i32) -> i32 {
    %c0_i32 = arith.constant 0 : i32
    %c0_i32_0 = arith.constant 0 : i32
    return %c0_i32 : i32
  }
  func.func @transform_3(%arg0: i32) -> (i32, i32) {
    %c0_i32 = arith.constant 0 : i32
    %c0_i32_0 = arith.constant 0 : i32
    %c0_i32_1 = arith.constant 0 : i32
    return %c0_i32, %c0_i32_0 : i32, i32
  }
  func.func @transform_4(%arg0: i32) -> (i32, i32) {
    %c0_i32 = arith.constant 0 : i32
    %c0_i32_0 = arith.constant 0 : i32
    %c0_i32_1 = arith.constant 0 : i32
    return %c0_i32, %c0_i32_0 : i32, i32
  }
  func.func @transform_5(%arg0: i32) -> (i32, i32) {
    %c0_i32 = arith.constant 0 : i32
    %c0_i32_0 = arith.constant 0 : i32
    %c0_i32_1 = arith.constant 0 : i32
    return %c0_i32, %c0_i32_0 : i32, i32
  }
  func.func @transform_6(%arg0: i32) -> (i32, i32) {
    %c0_i32 = arith.constant 0 : i32
    %c0_i32_0 = arith.constant 0 : i32
    return %arg0, %c0_i32 : i32, i32
  }
  func.func @transform_7(%arg0: i32) -> i32 {
    %c0_i32 = arith.constant 0 : i32
    %c0_i32_0 = arith.constant 0 : i32
    return %c0_i32 : i32
  }
  func.func @transform_8(%arg0: i32) -> i32 {
    %c0_i32 = arith.constant 0 : i32
    %c0_i32_0 = arith.constant 0 : i32
    return %c0_i32 : i32
  }
}

module attributes {stable_mosaic.version = 14 : i64} {
  func.func @_combine_body(%arg0: i32, %arg1: memref<2x512x128xf32, #tpu.memory_space<vmem>>, %arg2: memref<2x512xf32, #tpu.memory_space<vmem>>, %arg3: memref<512x128xf32, #tpu.memory_space<vmem>>) attributes {dimension_semantics = [#tpu.dimension_semantics<arbitrary>], iteration_bounds = array<i64: 20>, scalar_prefetch = 0 : i64, scratch_operands = 0 : i64, tpu.core_type = #tpu.core_type<tc>, window_params = [{transform_indices = @transform_0, window_bounds = array<i64: 2, 512, 128>}, {transform_indices = @transform_1, window_bounds = array<i64: 2, 512>}, {transform_indices = @transform_2, window_bounds = array<i64: 512, 128>}]} {
    %get3A = arith.constant 0 : index
    %get3A_0 = arith.constant 0 : index
    %get3A_1 = arith.constant 0 : index
    %get3A_2 = vector.load %arg1[%get3A, %get3A_0, %get3A_1] : memref<2x512x128xf32, #tpu.memory_space<vmem>>, vector<1x512x128xf32>
    %get3A_3 = vector.shape_cast %get3A_2 : vector<1x512x128xf32> to vector<512x128xf32>
    %get3A_4 = arith.constant 1 : index
    %get3A_5 = arith.constant 0 : index
    %get3A_6 = arith.constant 0 : index
    %get3A_7 = vector.load %arg1[%get3A_4, %get3A_5, %get3A_6] : memref<2x512x128xf32, #tpu.memory_space<vmem>>, vector<1x512x128xf32>
    %get3A_8 = vector.shape_cast %get3A_7 : vector<1x512x128xf32> to vector<512x128xf32>
    %add3A = arith.addf %get3A_3, %get3A_8 : vector<512x128xf32>
    %get3A_9 = arith.constant 0 : index
    %get3A_10 = arith.constant 0 : index
    %get3A_11 = vector.load %arg2[%get3A_9, %get3A_10] : memref<2x512xf32, #tpu.memory_space<vmem>>, vector<1x512xf32>
    %get3A_12 = vector.shape_cast %get3A_11 : vector<1x512xf32> to vector<512xf32>
    %get3A_13 = arith.constant 1 : index
    %get3A_14 = arith.constant 0 : index
    %get3A_15 = vector.load %arg2[%get3A_13, %get3A_14] : memref<2x512xf32, #tpu.memory_space<vmem>>, vector<1x512xf32>
    %get3A_16 = vector.shape_cast %get3A_15 : vector<1x512xf32> to vector<512xf32>
    %add3A_17 = arith.addf %get3A_12, %get3A_16 : vector<512xf32>
    %max3A = arith.constant 1.000000e-16 : f32
    %max3A_18 = vector.broadcast %max3A : f32 to vector<512xf32>
    %max3A_19 = arith.maximumf %add3A_17, %max3A_18 : vector<512xf32>
    %div3A = arith.constant 1.000000e+00 : f32
    %div3A_20 = vector.broadcast %div3A : f32 to vector<512xf32>
    %div3A_21 = arith.divf %div3A_20, %max3A_19 : vector<512xf32>
    %broadcast_in_dim3A = vector.shape_cast %div3A_21 : vector<512xf32> to vector<512x1xf32>
    %mul3A = vector.broadcast %broadcast_in_dim3A : vector<512x1xf32> to vector<512x128xf32>
    %mul3A_22 = arith.mulf %add3A, %mul3A : vector<512x128xf32>
    %swap3A = arith.constant 0 : index
    %swap3A_23 = arith.constant 0 : index
    %swap3A_24 = vector.load %arg3[%swap3A, %swap3A_23] : memref<512x128xf32, #tpu.memory_space<vmem>>, vector<512x128xf32>
    tpu.vector_store %arg3[%swap3A, %swap3A_23], %mul3A_22 {strides = array<i32>} : memref<512x128xf32, #tpu.memory_space<vmem>>, vector<512x128xf32>,
    return
  }
  func.func @transform_0(%arg0: i32) -> (i32, i32, i32) {
    %c0_i32 = arith.constant 0 : i32
    %c0_i32_0 = arith.constant 0 : i32
    %c0_i32_1 = arith.constant 0 : i32
    return %c0_i32, %arg0, %c0_i32_0 : i32, i32, i32
  }
  func.func @transform_1(%arg0: i32) -> (i32, i32) {
    %c0_i32 = arith.constant 0 : i32
    %c0_i32_0 = arith.constant 0 : i32
    return %c0_i32, %arg0 : i32, i32
  }
  func.func @transform_2(%arg0: i32) -> (i32, i32) {
    %c0_i32 = arith.constant 0 : i32
    %c0_i32_0 = arith.constant 0 : i32
    return %arg0, %c0_i32 : i32, i32
  }
}

</mosaic_0001>

<sc_bundles>
// kernel: kernel.5.cloned.1.call-start
scs
__scs_entry_jumppad:
0x0: {  	(pc) =	sbr.rel $0x88, $3  }
0x1: {  	(tag) =	ssettag $0x0;
	lr =	simm.s32 $0x1  }
0x2: {  	[smem:$0x3F9B] =	sst lr;
	_ =	strace $0xD0000000  }
0x3: {  	_ = 	snop  }
0x4: {  	_ = 	snop  }
0x5: {  	_ = 	snop  }
0x6: {  	_ = 	snop  }
0x7: {  	_ = 	snop  }
__scs_overlays_trampoline_lowered:
0x8: {  	[smem:$0x3FAA] =	sst s0  }
0x9: {  	[smem:$0x3FAB] =	sst s1  }
0xa: {  	[smem:$0x3FAC] =	sst s2  }
0xb: {  	[smem:$0x3FAD] =	sst s3  }
0xc: {  	[smem:$0x3FAE] =	sst s4  }
0xd: {  	[smem:$0x3FAF] =	sst s5  }
0xe: {  	[smem:$0x3FB0] =	sst s6  }
0xf: {  	[smem:$0x3FB1] =	sst s7  }
0x10: {  	[smem:$0x3FB2] =	sst s8  }
0x11: {  	[smem:$0x3FB3] =	sst s9;
	s0 =	simm.s32 @!p0 $0x0  }
0x12: {  	s1 =	sld [smem:$0x3F99];
	s0 =	simm.s32 @p0 $0x1  }
0x13: {  	[smem:$0x3FB4] =	sst s0;
	s0 =	simm.s32 @!p1 $0x0  }
0x14: {  	s2 =	sld [smem:$0x3F98];
	s0 =	simm.s32 @p1 $0x1  }
0x15: {  	[smem:$0x3FB5] =	sst s0;
	s0 =	simm.s32 @!p2 $0x0  }
0x16: {  	s3 =	sld [smem:$0x3FDB];
	s0 =	simm.s32 @p2 $0x1  }
0x17: {  	s4 =	simm.s32 $0x1BF5;
	[smem:$0x3FB7] =	sst s0  }
0x18: {  	s0 =	sld [smem:$0x3F9A];
	_ =	swait.ge [sflag:s4], $0x0  }
0x19: {  	s7 =	sld [smem:$0x3F9B]  }
0x1a: {  	s8 =	sadd.s32 $0xFFFFE003, lr  }
0x1b: {  	s9 =	sadd.s32 $0xFFFFFEF7, lr;
	s5 =	simm.s32 $0xFFFFFFFF;
	p2 =	slt.u32 s8, $0xFFFFF086  }
0x1c: {  	p1 =	slt.u32 s9, $0xF7A;
	s5 =	simm.s32 @!p2 $0x0  }
0x1d: {  	s5 =	simm.s32 @p1 $0x1;
	p0 =	seq.s32 s7, s2  }
0x1e: {  	s7 =	smul.u32 @!p0 $0xF7A, s2;
	p2 =	seq.s32 @!p0 s5, $0x0  }
0x1f: {  	s9 =	smul.u32 $0xF7A, s1;
	s8 =	simm.s32 @!p0 $0x1BF5;
	p2 =	por !p2, p0  }
0x20: {  	[sflag:s8] =	ssyncset.s32 @!p0 $0xFFFFF086;
	s6 =	sadd.s32 @!p0 s3, s7;
	s7 =	simm.s32 @!p0 $0x108  }
0x21: {  	s3 =	sadd.s32 s3, s9;
	s6 =	sadd.s32 @!p0 $0x88, s6;
	s7 =	simm.s32 @p2 $0x1082  }
0x22: {  	[simem:s7], [sflag:s8] =	dma.local @!p0 [hbm:s6], $0xF7A  }
0x23: {  	s9 =	sor.u32 $0xD0000000, s2;
	s6 =	simm.s32 $0x108;
	_ =	swait.ge @!p0 [sflag:s8], $0x0  }
0x24: {  	s3 =	sadd.s32 $0x88, s3;
	s6 =	simm.s32 @!p1 $0x1082;
	[sflag:s4] =	ssyncset.s32 $0xFFFFF086  }
0x25: {  	[simem:s6], [sflag:s4] =	dma.local [hbm:s3], $0xF7A  }
0x26: {  	[smem:$0x3F9B] =	sst s1;
	(tag) =	ssettag s2;
	_ =	strace s9  }
0x27: {  	s1 =	sld [smem:$0x3FAB]  }
0x28: {  	s2 =	sld [smem:$0x3FAC]  }
0x29: {  	s4 =	sld [smem:$0x3FAE]  }
0x2a: {  	p0 =	seq.s32 s5, $0x0;
	s5 =	sld [smem:$0x3FAF]  }
0x2b: {  	s6 =	sld [smem:$0x3FB0]  }
0x2c: {  	s7 =	sld [smem:$0x3FB1]  }
0x2d: {  	s3 =	simm.s32 $0x108;
	s8 =	sld [smem:$0x3FB2]  }
0x2e: {  	s3 =	simm.s32 @!p0 $0x1082;
	s9 =	sld [smem:$0x3FB3]  }
0x2f: {  	lr =	sadd.s32 s0, s3;
	s0 =	sld [smem:$0x3FAA]  }
0x30: {  	s3 =	sld [smem:$0x3FAD]  }
0x31: {  	[smem:$0x3FB6] =	sst s10  }
0x32: {  	s10 =	sld [smem:$0x3FB4];
	_ =	sdelay $0x3  }
0x33: {  	p0 =	seq.s32 s10, $0x1;
	s10 =	sld [smem:$0x3FB6];
	_ =	sdelay $0x3  }
0x34: {  	[smem:$0x3FB6] =	sst s10  }
0x35: {  	s10 =	sld [smem:$0x3FB5];
	_ =	sdelay $0x3  }
0x36: {  	p1 =	seq.s32 s10, $0x1;
	s10 =	sld [smem:$0x3FB6];
	_ =	sdelay $0x3  }
0x37: {  	[smem:$0x3FB6] =	sst s10  }
0x38: {  	s10 =	sld [smem:$0x3FB7]  }
0x39: {  	_ = 	snop;
	(pc) =	sbr.ind lr, $3  }
0x3a: {  	_ = 	snop  }
0x3b: {  	_ = 	snop  }
0x3c: {  	p2 =	seq.s32 s10, $0x1;
	s10 =	sld [smem:$0x3FB6]  }
0x3d: {  	_ =	shalt  }
0x3e: {  	_ =	shalt  }
0x3f: {  	_ =	shalt  }
0x40: {  	_ =	shalt  }
0x41: {  	_ =	shalt  }
0x42: {  	_ =	shalt  }
0x43: {  	_ =	shalt  }
0x44: {  	_ =	shalt  }
0x45: {  	_ =	shalt  }
0x46: {  	_ =	shalt  }
0x47: {  	_ =	shalt  }
0x48: {  	_ =	shalt  }
0x49: {  	_ =	shalt  }
0x4a: {  	_ =	shalt  }
0x4b: {  	_ =	shalt  }
0x4c: {  	_ =	shalt  }
0x4d: {  	_ =	shalt  }
0x4e: {  	_ =	shalt  }
0x4f: {  	_ =	shalt  }
0x50: {  	_ =	shalt  }
0x51: {  	_ =	shalt  }
0x52: {  	_ =	shalt  }
0x53: {  	_ =	shalt  }
0x54: {  	_ =	shalt  }
0x55: {  	_ =	shalt  }
0x56: {  	_ =	shalt  }
0x57: {  	_ =	shalt  }
0x58: {  	_ =	shalt  }
0x59: {  	_ =	shalt  }
0x5a: {  	_ =	shalt  }
0x5b: {  	_ =	shalt  }
0x5c: {  	_ =	shalt  }
0x5d: {  	_ =	shalt  }
0x5e: {  	_ =	shalt  }
0x5f: {  	_ =	shalt  }
0x60: {  	_ =	shalt  }
0x61: {  	_ =	shalt  }
0x62: {  	_ =	shalt  }
0x63: {  	_ =	shalt  }
0x64: {  	_ =	shalt  }
0x65: {  	_ =	shalt  }
0x66: {  	_ =	shalt  }
0x67: {  	_ =	shalt  }
0x68: {  	_ =	shalt  }
0x69: {  	_ =	shalt  }
0x6a: {  	_ =	shalt  }
0x6b: {  	_ =	shalt  }
0x6c: {  	_ =	shalt  }
0x6d: {  	_ =	shalt  }
0x6e: {  	_ =	shalt  }
0x6f: {  	_ =	shalt  }
0x70: {  	_ =	shalt  }
0x71: {  	_ =	shalt  }
0x72: {  	_ =	shalt  }
0x73: {  	_ =	shalt  }
0x74: {  	_ =	shalt  }
0x75: {  	_ =	shalt  }
0x76: {  	_ =	shalt  }
0x77: {  	_ =	shalt  }
0x78: {  	_ =	shalt  }
0x79: {  	_ =	shalt  }
0x7a: {  	_ =	shalt  }
0x7b: {  	_ =	shalt  }
0x7c: {  	_ =	shalt  }
0x7d: {  	_ =	shalt  }
0x7e: {  	_ =	shalt  }
0x7f: {  	_ =	shalt  }
0x80: {  	_ =	shalt  }
0x81: {  	_ =	shalt  }
0x82: {  	_ =	shalt  }
0x83: {  	_ =	shalt  }
0x84: {  	_ =	shalt  }
0x85: {  	_ =	shalt  }
0x86: {  	_ =	shalt  }
0x87: {  	_ =	shalt  }
.Lfunc_end0:
.L_simem_size_0:
called_computation_lowered:
.L_overlay_start_0:
0x88: {  	s2 =	sld [smem:$0x3FD9]  }
0x89: {  	s3 =	sld [smem:$0x3FFE];
	_ =	sdelay $0x1  }
0x8a: {  	s1 =	srdreg.scid  }
0x8b: {  	s0 =	sand.u32 $0x1, s1  }
0x8c: {  	s17 =	sshll.u32 s0, $0xA;
	s2 =	sadd.s32 s3, s2  }
0x8d: {  	s2 =	sadd.s32 s2, s17  }
0x8e: {  	[smem:$0x3FC2] =	sst s2  }
0x8f: {  	_ = 	snop  }
0x90: {  	s2 =	sld [smem:$0x3FD0];
	(tm) =	ssettm $0x1  }
0x91: {  	s18 =	sld [smem:$0x3FFB];
	_ =	sdelay $0x3  }
0x92: {  	_ =	strace s18  }
0x93: {  	s3 =	sld [smem:$0x3FFC];
	_ =	sdelay $0x3  }
0x94: {  	_ =	strace s3  }
0x95: {  	s3 =	sld [smem:$0x3FFD];
	_ =	sdelay $0x3  }
0x96: {  	_ =	strace s3  }
0x97: {  	_ =	strace $0x8FFFFFFF  }
0x98: {  	s19 =	sld [smem:$0x3FDB];
	_ =	sdelay $0x1  }
0x99: {  	s4 =	simm.s32 $_scs_section_size  }
0x9a: {  	s5 =	simm.s32 $_size__tile_overlayer_lowered;
	s6 =	simm.s32 $_tile_overlayer_lowered  }
0x9b: {  	s22 =	simm.s32 $0x1BFF;
	s21 =	sshll.u32 s6, $0x1;
	s3 =	sadd.s32 s4, s19  }
0x9c: {  	s7 =	simm.s32 $0x0;
	s20 =	sshll.u32 s5, $0x1;
	s5 =	sadd.s32 s21, s3  }
0x9d: {  	[timem:s7], [sflag:s22] =	dma.local [hbm:s5], s20  }
0x9e: {  	_ =	swait.ge [sflag:s22], s20  }
0x9f: {  	s4 =	ssub.s32 $0x0, s20;
	[sflag:s22] =	ssyncset.done $0x0  }
0xa0: {  	[sflag:s22] =	ssyncadd.s32 s4;
	_ =	sdelay $0x1  }
0xa1: {  	s23 =	simm.s32 $0x1B8B  }
0xa2: {  	_ =	swait.ge [sflag:s23], $0x1  }
0xa3: {  	[sflag:s23] =	ssyncset.done $0x0  }
0xa4: {  	s25 =	simm.s32 $0x1B8E;
	s24 =	sld [smem:$0x3FFE];
	[sflag:s23] =	ssyncadd.s32 $0xFFFFFFFF  }
0xa5: {  	s26 =	simm.s32 $execute0_lowered;
	[smem:$0x3FD2] =	sst s25  }
0xa6: {  	s5 =	sshll.u32 s26, $0x1;
	_ =	strace $0x80000046;
	[dreg:$0x1] =	wrdreg $0xFFFFFFFF  }
0xa7: {  	s28 =	simm.s32 $_size_execute0_lowered;
	s3 =	sadd.s32 s3, s5;
	[dreg:$0x0] =	wrdreg $0x0  }
0xa8: {  	s5 =	sshll.u32 s28, $0x1;
	[dreg:$0x2] =	wrdreg s3  }
0xa9: {  	[dreg:$0x3] =	wrdreg s5  }
0xaa: {  	[dreg:$0x4] =	wrdreg $0xC0  }
0xab: {  	_ =	task [dreg:s7], $0x5FFFF  }
0xac: {  	[dreg:$0x1] =	wrdreg $0xFFFFFFFF  }
0xad: {  	[dreg:$0x0] =	wrdreg $0x60  }
0xae: {  	[dreg:$0x2] =	wrdreg s24  }
0xaf: {  	[dreg:$0x3] =	wrdreg s2  }
0xb0: {  	[dreg:$0x4] =	wrdreg $0x82000  }
0xb1: {  	[dreg:$0x5] =	wrdreg $0x1BA800  }
0xb2: {  	[dreg:$0x6] =	wrdreg $0x9  }
0xb3: {  	_ =	task.clear_ibuf [dreg:s7], $0x7FFFF;
	_ =	strace $0x90000046  }
0xb4: {  	s29 =	simm.s32 $0x9;
	_ =	strace $0x80000048  }
0xb5: {  	_ =	swait.ge [sflag:s29], $0x1  }
0xb6: {  	[sflag:s29] =	ssyncadd.s32 $0xFFFFFFFF  }
0xb7: {  	_ =	strace $0x90000048  }
0xb8: {  	_ =	sfence  }
0xb9: {  	s30 =	sld [smem:$0x0];
	_ =	sdelay $0x2  }
0xba: {  	s31 =	sshll.u32 s1, $0xD;
	s1 =	sshrl.u32 s1, $0x2  }
0xbb: {  	s3 =	sand.u32 $0x4000, s31;
	s1 =	sadd.s32 s1, s30  }
0xbc: {  	s0 =	sor.u32 s3, s0;
	s1 =	sshll.u32 s1, $0x11  }
0xbd: {  	s0 =	sor.u32 s1, s0  }
0xbe: {  	s0 =	sadd.s32 $0x8F2B, s0  }
0xbf: {  	[sflag:s0] =	ssyncadd.remote.s32 $0x1  }
0xc0: {  	_ =	sfence.sel $0xFFFF  }
0xc1: {  	[dreg:$0x0] =	wrdreg $0xFFFFFFFF;
	(pc) =	sbr.abs _section_cstart, $3  }
0xc2: {  	[dreg:$0x1] =	wrdreg $0xFFFFFFFF  }
0xc3: {  	_ =	task.clear_ibuf [dreg:s7], $0x2FFFF;
	_ =	strace $0x9FFFFFFF  }
0xc4: {  	(tm) =	ssettm $0x7FFFFFFF  }
0xc5: {  	_ =	shalt  }
tec
execute0_lowered:
.L_overlay_start_1:
0x0: {  	(tag) =	ssettag $0x1  }
0x1: {  	s2 =	rddreg [dreg:$0x0]  }
0x2: {  	s3 =	rddreg [dreg:$0x1]  }
0x3: {  	s0 =	srdreg.scid;
	s21 =	rddreg [dreg:$0x2]  }
0x4: {  	s22 =	rddreg [dreg:$0x3];
	s15 =	stileid.u32;
	s28 =	simm.s32 $0x50  }
0x5: {  	s31 =	simm.s32 $0x7F00;
	s29 =	simm.s32 $0x9;
	s1 =	smul.u32 $0x270, s15  }
0x6: {  	s4 =	sand.u32 $0x1, s0;
	s6 =	sadd.s32 $0x34800, s2;
	s10 =	smul.u32 $0x13800, s15  }
0x7: {  	s14 =	sshll.u32 s15, $0x1;
	s30 =	smov.u32 s21;
	s7 =	smul.u32 $0x2800, s4  }
0x8: {  	s0 =	ssub.s32 $0x2, s4;
	s9 =	smul.u32 $0x140000, s4;
	s4 =	sor.u32 s4, s14  }
0x9: {  	s5 =	sshrl.u32 s0, $0x1;
	s8 =	sshll.u32 s1, $0x7;
	s4 =	smul.u32 $0x2710, s4  }
0xa: {  	s0 =	ssub.s32 s0, s5;
	s5 =	sadd.s32 $0x2800, s8;
	s11 =	sadd.s32 $0x5000, s8  }
0xb: {  	s13 =	sadd.s32 $0x7800, s8;
	s18 =	sadd.s32 $0xA000, s8;
	s19 =	sadd.s32 $0xC800, s8  }
0xc: {  	s20 =	sadd.s32 $0xF000, s8;
	s10 =	sadd.s32 s10, s9;
	s8 =	sadd.s32 $0x11800, s8  }
0xd: {  	s10 =	sshrl.u32 s10, $0x3;
	s12 =	sadd.s32 s9, s5;
	s17 =	sadd.s32 s9, s11  }
0xe: {  	s24 =	sadd.s32 s9, s13;
	s26 =	sadd.s32 s9, s18;
	s14 =	sadd.s32 s9, s19  }
0xf: {  	s19 =	sadd.s32 s19, s21;
	s0 =	smax.u32 s0, $0x1;
	s10 =	sadd.s32 s6, s10  }
0x10: {  	s16 =	sshrl.u32 s12, $0x3;
	s23 =	sshrl.u32 s17, $0x3;
	s25 =	sshrl.u32 s24, $0x3  }
0x11: {  	s12 =	sshrl.u32 s26, $0x3;
	[dreg:$0x5] =	wrdreg s10;
	s10 =	sadd.s32 s6, s16  }
0x12: {  	s17 =	sadd.s32 s9, s20;
	[dreg:$0x6] =	wrdreg s10;
	s10 =	sadd.s32 s6, s23  }
0x13: {  	s9 =	sadd.s32 s9, s8;
	[dreg:$0x7] =	wrdreg s10;
	s10 =	sadd.s32 s6, s25  }
0x14: {  	s16 =	sshrl.u32 s14, $0x3;
	[dreg:$0x8] =	wrdreg s10;
	s10 =	sadd.s32 s6, s12  }
0x15: {  	s23 =	sshrl.u32 s17, $0x3;
	[dreg:$0x9] =	wrdreg s10;
	s10 =	sadd.s32 s6, s16  }
0x16: {  	s9 =	sshrl.u32 s9, $0x3;
	[dreg:$0xa] =	wrdreg s10;
	s10 =	sadd.s32 s6, s23  }
0x17: {  	s25 =	smul.u32 $0x4E000, s15;
	s6 =	sadd.s32 s6, s9;
	[dreg:$0xb] =	wrdreg s10  }
0x18: {  	s24 =	sadd.s32 s1, s7;
	s23 =	simm.s32 $0x0;
	[dreg:$0xc] =	wrdreg s6  }
0x19: {  	s26 =	sshrl.u32 s25, $0x2;
	s25 =	sadd.s32 s5, s21;
	[smem:$0x7FF] =	sst s23  }
0x1a: {  	s5 =	sadd.s32 s13, s21;
	_ =	strace $0x80000047;
	[dreg:$0x10] =	wrdreg s25  }
0x1b: {  	s1 =	sadd.s32 s1, s22;
	s10 =	sadd.s32 s20, s21;
	[dreg:$0x12] =	wrdreg s5  }
0x1c: {  	s14 =	sadd.s32 $0xB200, s2;
	s17 =	sadd.s32 $0x1400, s2;
	[dreg:$0x15] =	wrdreg s10  }
0x1d: {  	s15 =	sadd.s32 $0x33200, s2;
	s9 =	sshrl.u32 s4, $0x3;
	[dreg:$0x19] =	wrdreg s1  }
0x1e: {  	s16 =	sadd.s32 $0x33800, s2;
	s12 =	sadd.s32 $0xA, s9;
	[smem:$0x7FD] =	sst s0  }
0x1f: {  	s6 =	sshrl.u32 s24, $0x3;
	s24 =	sadd.s32 s17, s12;
	[dreg:$0x14] =	wrdreg s19  }
0x20: {  	s13 =	sadd.s32 $0x14, s9;
	s7 =	sadd.s32 s3, s12;
	[dreg:$0xd] =	wrdreg s24  }
0x21: {  	s6 =	sadd.s32 s6, s2;
	s2 =	sadd.s32 s26, s21;
	[dreg:$0xe] =	wrdreg s7  }
0x22: {  	s26 =	sadd.s32 s11, s21;
	s11 =	sadd.s32 s17, s9;
	[dreg:$0xf] =	wrdreg s2  }
0x23: {  	s12 =	sadd.s32 s3, s9;
	s20 =	sadd.s32 s17, s13;
	[dreg:$0x11] =	wrdreg s26  }
0x24: {  	s25 =	sadd.s32 $0x190, s4;
	s10 =	simm.s32 $0x7C80;
	[dreg:$0x16] =	wrdreg s11  }
0x25: {  	s1 =	simm.s32 $0x1;
	s9 =	simm.s32 $0x7;
	[dreg:$0x17] =	wrdreg s12  }
0x26: {  	s7 =	sadd.s32 s18, s21;
	s18 =	sadd.s32 s8, s21;
	[dreg:$0x1a] =	wrdreg s20  }
0x27: {  	s12 =	smov.u32 s22;
	s21 =	sadd.s32 s3, s13;
	[dreg:$0x1e] =	wrdreg s25  }
0x28: {  	s22 =	sadd.s32 $0xF0, s4;
	s24 =	sadd.s32 $0x140, s4;
	[dreg:$0x13] =	wrdreg s7  }
0x29: {  	s26 =	sadd.s32 $0x33E00, s6;
	s11 =	simm.s32 $0x7E00;
	[dreg:$0x18] =	wrdreg s18  }
0x2a: {  	s13 =	simm.s32 $0x7D00;
	s4 =	simm.s32 $0x7F80;
	[dreg:$0x1b] =	wrdreg s21  }
0x2b: {  	s6 =	simm.s32 $0xA;
	s2 =	simm.s32 $0x2;
	[dreg:$0x1c] =	wrdreg s22  }
0x2c: {  	s8 =	simm.s32 $0x3;
	s20 =	simm.s32 $0x7B80;
	[dreg:$0x1d] =	wrdreg s24  }
0x2d: {  	s25 =	simm.s32 $0x5;
	s3 =	simm.s32 $0x0;
	[dreg:$0x1f] =	wrdreg s26  }
0x2e: {  	s18 =	simm.s32 $0x7E80;
	s22 =	simm.s32 $0x8;
	s26 =	simm.s32 $0x7B00  }
0x2f: {  	v0 =	vimm.f32 $0.0e+00;
	s21 =	simm.s32 $0x4;
	s24 =	simm.s32 $0x7C00;
	s7 =	simm.s32 $0x6  }
.LBB2_1:
0x30: {  	[smem:$0x7FC] =	sst s3  }
0x31: {  	s0 =	rddreg [dreg:$0x16]  }
0x32: {  	[tilespmem:s10], [sflag:$0x7] =	stream.linear.gather [hbm4b:s0+s23], $0x50, $0x38;
	[tilespmem:$0x1BCF8] =	vst v63  }
0x33: {  	s5 =	rddreg [dreg:$0x17]  }
0x34: {  	[tilespmem:s11], [sflag:$0x7] =	stream.linear.gather [hbm4b:s5+s23], $0x50, $0x38;
	[tilespmem:$0x1BCF8] =	vst v63  }
0x35: {  	s3 =	rddreg [dreg:$0xd]  }
0x36: {  	[tilespmem:s13], [sflag:$0x8] =	stream.linear.gather [hbm4b:s3+s23], $0x50, $0x38;
	[tilespmem:$0x1BCF8] =	vst v63  }
0x37: {  	s5 =	rddreg [dreg:$0xe]  }
0x38: {  	[tilespmem:s18], [sflag:$0x8] =	stream.linear.gather [hbm4b:s5+s23], $0x50, $0x38;
	[tilespmem:$0x1BCF8] =	vst v63  }
0x39: {  	[tilespmem:$0x7F80] =	vst v0  }
0x3a: {  	[tilespmem:$0x7F90] =	vst v0  }
0x3b: {  	[tilespmem:$0x7FA0] =	vst v0  }
0x3c: {  	[tilespmem:$0x7FB0] =	vst v0  }
0x3d: {  	[tilespmem:$0x7FC0] =	vst v0  }
0x3e: {  	[tilespmem:$0x7FD0] =	vst v0  }
0x3f: {  	[tilespmem:$0x7FE0] =	vst v0  }
0x40: {  	[tilespmem:$0x7FF0] =	vst v0  }
0x41: {  	[tilespmem:$0x8000] =	vst v0  }
0x42: {  	[tilespmem:$0x8010] =	vst v0  }
0x43: {  	[tilespmem:$0x8020] =	vst v0  }
0x44: {  	[tilespmem:$0x8030] =	vst v0  }
0x45: {  	[tilespmem:$0x8040] =	vst v0  }
0x46: {  	[tilespmem:$0x8050] =	vst v0  }
0x47: {  	[tilespmem:$0x8060] =	vst v0  }
0x48: {  	[tilespmem:$0x8070] =	vst v0  }
0x49: {  	[tilespmem:$0x8080] =	vst v0  }
0x4a: {  	[tilespmem:$0x8090] =	vst v0  }
0x4b: {  	[tilespmem:$0x80A0] =	vst v0  }
0x4c: {  	[tilespmem:$0x80B0] =	vst v0  }
0x4d: {  	[tilespmem:$0x80C0] =	vst v0  }
0x4e: {  	[tilespmem:$0x80D0] =	vst v0  }
0x4f: {  	[tilespmem:$0x80E0] =	vst v0  }
0x50: {  	[tilespmem:$0x80F0] =	vst v0  }
0x51: {  	[tilespmem:$0x8100] =	vst v0  }
0x52: {  	[tilespmem:$0x8110] =	vst v0  }
0x53: {  	[tilespmem:$0x8120] =	vst v0  }
0x54: {  	[tilespmem:$0x8130] =	vst v0  }
0x55: {  	[tilespmem:$0x8140] =	vst v0  }
0x56: {  	[tilespmem:$0x8150] =	vst v0  }
0x57: {  	[tilespmem:$0x8160] =	vst v0  }
0x58: {  	[tilespmem:$0x8170] =	vst v0  }
0x59: {  	[tilespmem:$0x8180] =	vst v0  }
0x5a: {  	[tilespmem:$0x8190] =	vst v0  }
0x5b: {  	[tilespmem:$0x81A0] =	vst v0  }
0x5c: {  	[tilespmem:$0x81B0] =	vst v0  }
0x5d: {  	[tilespmem:$0x81C0] =	vst v0  }
0x5e: {  	[tilespmem:$0x81D0] =	vst v0  }
0x5f: {  	[tilespmem:$0x81E0] =	vst v0  }
0x60: {  	s0 =	simm.s32 $0x0;
	s5 =	simm.s32 $0x200;
	[tilespmem:$0x81F0] =	vst v0  }
.LBB2_2:
0x61: {  	p0 =	sne.s32 s5, $0x9E00;
	[tilespmem:s0+$0x5070] =	vst v0  }
0x62: {  	[tilespmem:s0+$0x5000] =	vst v0  }
0x63: {  	[tilespmem:s0+$0x5010] =	vst v0  }
.Ltmp0:
0x64: {  	[tilespmem:s0+$0x5020] =	vst v0;
	(pc) =	sbr.rel @p0 .LBB2_2-.Ltmp0, $4  }
0x65: {  	[tilespmem:s0+$0x5030] =	vst v0  }
0x66: {  	[tilespmem:s0+$0x5040] =	vst v0  }
0x67: {  	[tilespmem:s0+$0x5050] =	vst v0  }
0x68: {  	[tilespmem:s0+$0x5060] =	vst v0;
	s0 =	sshra.s32 s5, $0x2;
	s5 =	sadd.s32 $0x200, s5  }
0x69: {  	[tilespmem:s0+$0x5070] =	vst v0  }
0x6a: {  	[tilespmem:s0+$0x5000] =	vst v0  }
0x6b: {  	[tilespmem:s0+$0x5010] =	vst v0  }
0x6c: {  	[tilespmem:s0+$0x5020] =	vst v0  }
0x6d: {  	[tilespmem:s0+$0x5030] =	vst v0  }
0x6e: {  	[tilespmem:s0+$0x5040] =	vst v0  }
0x6f: {  	[tilespmem:s0+$0x5050] =	vst v0  }
0x70: {  	[tilespmem:s0+$0x5060] =	vst v0;
	s5 =	rddreg [dreg:$0xf];
	s3 =	simm.s32 $0x5000  }
0x71: {  	[spmem:s5] =	stream.linear.scatter [tilespmem:s3], [sflag:$0x1], $0x2800, $0x38;
	[tilespmem:$0x1BCF8] =	vst v63  }
0x72: {  	s23 =	rddreg [dreg:$0x10]  }
0x73: {  	[spmem:s23] =	stream.linear.scatter [tilespmem:s3], [sflag:$0x2], $0x2800, $0x38;
	[tilespmem:$0x1BCF8] =	vst v63  }
0x74: {  	s5 =	rddreg [dreg:$0x11]  }
0x75: {  	[spmem:s5] =	stream.linear.scatter [tilespmem:s3], [sflag:$0x3], $0x2800, $0x38;
	[tilespmem:$0x1BCF8] =	vst v63  }
0x76: {  	s23 =	rddreg [dreg:$0x12]  }
0x77: {  	[spmem:s23] =	stream.linear.scatter [tilespmem:s3], [sflag:$0x1], $0x2800, $0x38;
	[tilespmem:$0x1BCF8] =	vst v63  }
0x78: {  	s5 =	rddreg [dreg:$0x13]  }
0x79: {  	[spmem:s5] =	stream.linear.scatter [tilespmem:s3], [sflag:$0x2], $0x2800, $0x38;
	[tilespmem:$0x1BCF8] =	vst v63  }
0x7a: {  	_ = 	snop  }
0x7b: {  	[spmem:s19] =	stream.linear.scatter [tilespmem:s3], [sflag:$0x3], $0x2800, $0x38;
	[tilespmem:$0x1BCF8] =	vst v63  }
0x7c: {  	s23 =	rddreg [dreg:$0x15]  }
0x7d: {  	[spmem:s23] =	stream.linear.scatter [tilespmem:s3], [sflag:$0x1], $0x2800, $0x38;
	[tilespmem:$0x1BCF8] =	vst v63  }
0x7e: {  	s5 =	rddreg [dreg:$0x18]  }
0x7f: {  	[spmem:s5] =	stream.linear.scatter [tilespmem:s3], [sflag:$0x2], $0x2800, $0x38;
	[tilespmem:$0x1BCF8] =	vst v63  }
0x80: {  	s19 =	rddreg [dreg:$0x19]  }
0x81: {  	[spmem:s19] =	stream.linear.scatter [tilespmem:s4], [sflag:$0xA], $0x280, $0x38;
	[tilespmem:$0x1BCF8] =	vst v63  }
0x82: {  	_ =	swait.ge [sflag:s6], $0x280  }
0x83: {  	[sflag:s6] =	ssyncset.done $0x0  }
0x84: {  	[sflag:s6] =	ssyncadd.s32 $0xFFFFFD80  }
0x85: {  	_ =	swait.ge [sflag:s1], $0x2800  }
0x86: {  	[sflag:s1] =	ssyncset.done $0x0  }
0x87: {  	[sflag:s1] =	ssyncadd.s32 $0xFFFFD800  }
0x88: {  	_ =	swait.ge [sflag:s2], $0x2800  }
0x89: {  	[sflag:s2] =	ssyncset.done $0x0  }
0x8a: {  	[sflag:s2] =	ssyncadd.s32 $0xFFFFD800  }
0x8b: {  	_ =	swait.ge [sflag:s8], $0x2800  }
0x8c: {  	[sflag:s8] =	ssyncset.done $0x0  }
0x8d: {  	[sflag:s8] =	ssyncadd.s32 $0xFFFFD800  }
0x8e: {  	_ =	swait.ge [sflag:s1], $0x2800  }
0x8f: {  	[sflag:s1] =	ssyncset.done $0x0  }
0x90: {  	[sflag:s1] =	ssyncadd.s32 $0xFFFFD800  }
0x91: {  	_ =	swait.ge [sflag:s2], $0x2800  }
0x92: {  	[sflag:s2] =	ssyncset.done $0x0  }
0x93: {  	[sflag:s2] =	ssyncadd.s32 $0xFFFFD800  }
0x94: {  	_ =	swait.ge [sflag:s8], $0x2800  }
0x95: {  	[sflag:s8] =	ssyncset.done $0x0  }
0x96: {  	[sflag:s8] =	ssyncadd.s32 $0xFFFFD800  }
0x97: {  	_ =	swait.ge [sflag:s1], $0x2800  }
0x98: {  	[sflag:s1] =	ssyncset.done $0x0  }
0x99: {  	[sflag:s1] =	ssyncadd.s32 $0xFFFFD800  }
0x9a: {  	_ =	swait.ge [sflag:s2], $0x2800  }
0x9b: {  	[sflag:s2] =	ssyncset.done $0x0  }
0x9c: {  	[sflag:s2] =	ssyncadd.s32 $0xFFFFD800  }
0x9d: {  	[bflag:$0x0] =	sbarrier.arrive $0xFFFF  }
0x9e: {  	_ =	swait.ge [sflag:s9], $0x50  }
0x9f: {  	[sflag:s9] =	ssyncset.done $0x0  }
0xa0: {  	[sflag:s9] =	ssyncadd.s32 $0xFFFFFFB0  }
0xa1: {  	_ =	swait.ge [sflag:s9], $0x50  }
0xa2: {  	[sflag:s9] =	ssyncset.done $0x0  }
0xa3: {  	s0 =	simm.s32 $0x0;
	[sflag:s9] =	ssyncadd.s32 $0xFFFFFFB0  }
0xa4: {  	[tilespmem:s0], [sflag:$0x1] =	stream.indirect.gather [hbm4b:s14+s28], $0x80, s10, s28, $0xb8;
	[tilespmem:$0x1BCF8] =	vst v63  }
0xa5: {  	s23 =	simm.s32 $0x7800  }
0xa6: {  	[tilespmem:s23], [sflag:$0x7] =	stream.indirect.gather [hbm4b:s15+s28], $0x1, s10, s28, $0xb8;
	[tilespmem:$0x1BCF8] =	vst v63  }
0xa7: {  	s4 =	simm.s32 $0x7980  }
0xa8: {  	[tilespmem:s4], [sflag:$0x7] =	stream.indirect.gather [hbm4b:s16+s28], $0x1, s11, s28, $0xb8;
	[tilespmem:$0x1BCF8] =	vst v63  }
0xa9: {  	_ =	swait.ge [sflag:s22], $0x50  }
0xaa: {  	[sflag:s22] =	ssyncset.done $0x0  }
0xab: {  	[sflag:s22] =	ssyncadd.s32 $0xFFFFFFB0  }
0xac: {  	_ =	swait.ge [sflag:s22], $0x50  }
0xad: {  	[sflag:s22] =	ssyncset.done $0x0  }
0xae: {  	s5 =	simm.s32 $0x2800;
	[sflag:s22] =	ssyncadd.s32 $0xFFFFFFB0  }
0xaf: {  	[tilespmem:s5], [sflag:$0x2] =	stream.indirect.gather [hbm4b:s14+s28], $0x80, s13, s28, $0xb8;
	[tilespmem:$0x1BCF8] =	vst v63  }
0xb0: {  	s6 =	simm.s32 $0x7880  }
0xb1: {  	[tilespmem:s6], [sflag:$0x8] =	stream.indirect.gather [hbm4b:s15+s28], $0x1, s13, s28, $0xb8;
	[tilespmem:$0x1BCF8] =	vst v63  }
0xb2: {  	s19 =	simm.s32 $0x7A00  }
0xb3: {  	[tilespmem:s19], [sflag:$0x8] =	stream.indirect.gather [hbm4b:s16+s28], $0x1, s18, s28, $0xb8;
	[tilespmem:$0x1BCF8] =	vst v63  }
0xb4: {  	_ =	swait.ge [sflag:s9], $0x50  }
0xb5: {  	[sflag:s9] =	ssyncset.done $0x0  }
0xb6: {  	[sflag:s9] =	ssyncadd.s32 $0xFFFFFFB0  }
0xb7: {  	_ =	swait.ge [sflag:s9], $0x50  }
0xb8: {  	[sflag:s9] =	ssyncset.done $0x0  }
0xb9: {  	[sflag:s9] =	ssyncadd.s32 $0xFFFFFFB0  }
0xba: {  	v1 =	vld [tilespmem:$0x7800]  }
0xbb: {  	v2 =	vld [tilespmem:$0x7980]  }
0xbc: {  	v3 =	vld [tilespmem:$0x7810]  }
0xbd: {  	v4 =	vld [tilespmem:$0x7990]  }
0xbe: {  	v5 =	vld [tilespmem:$0x7820]  }
0xbf: {  	v6 =	vld [tilespmem:$0x79A0]  }
0xc0: {  	v7 =	vld [tilespmem:$0x79B0];
	v1 =	vadd.f32 v2, v1  }
0xc1: {  	v9 =	vld [tilespmem:$0x7840]  }
0xc2: {  	v2 =	vld [tilespmem:$0x7830];
	v8 =	vmul.f32 $9.999999770e-03, v1  }
0xc3: {  	v10 =	vld [tilespmem:$0x79C0];
	vm0 =	vge.f32 v1, $0.0e+00  }
0xc4: {  	v3 =	vadd.f32 v4, v3;
	v1 =	vsel vm0, v1, v8  }
0xc5: {  	v1 =	vmul.f32 $1.442695020e+00, v1  }
0xc6: {  	v5 =	vadd.f32 v6, v5;
	v4 =	vmul.f32 $9.999999770e-03, v3  }
0xc7: {  	vm12 =	vge.f32 v3, $0.0e+00;
	(erf) = vpow2.f32 v1;
	v1 =	vadd.f32 v7, v2  }
0xc8: {  	v2 =	vsel vm12, v3, v4;
	v3 =	vmul.f32 $9.999999770e-03, v5;
	v4 =	vadd.f32 v10, v9  }
0xc9: {  	vm13 =	vge.f32 v5, $0.0e+00;
	v2 =	vmul.f32 $1.442695020e+00, v2;
	v6 =	vmul.f32 $9.999999770e-03, v1  }
0xca: {  	v3 =	vsel vm13, v5, v3;
	vm14 =	vge.f32 v1, $0.0e+00;
	v5 =	vmul.f32 $9.999999770e-03, v4  }
0xcb: {  	vm15 =	vge.f32 v4, $0.0e+00;
	v3 =	vmul.f32 $1.442695020e+00, v3;
	v1 =	vsel vm14, v1, v6  }
0xcc: {  	(erf) = vpow2.f32 v2;
	v2 =	vsel vm15, v4, v5;
	v1 =	vmul.f32 $1.442695020e+00, v1  }
0xcd: {  	(erf) = vpow2.f32 v3;
	v2 =	vmul.f32 $1.442695020e+00, v2  }
0xce: {  	(erf) = vpow2.f32 v1  }
0xcf: {  	(erf) = vpow2.f32 v2;
	_ =	sdelay $0x4  }
0xd0: {  	v1 =	vpop (erf)  }
0xd1: {  	s23 =	simm.s32 $0x2;
	[tilespmem:$0x7B00] =	vst v1;
	v1 =	vmov s0;
	v2 =	vpop (erf)  }
0xd2: {  	v1 =	vand.u32 $0xFFFFFFFC, v1;
	[tilespmem:$0x7B10] =	vst v2;
	v2 =	vmov s23;
	v3 =	vpop (erf)  }
0xd3: {  	v1 =	vbroadcast v1, $0x0;
	v2 =	vand.u32 $0xFFFFFFFE, v2;
	[tilespmem:$0x7B20] =	vst v3;
	v4 =	vpop (erf)  }
0xd4: {  	v2 =	vbroadcast v2, $0x0;
	[tilespmem:$0x7B30] =	vst v4;
	v3 =	vpop (erf)  }
0xd5: {  	[tilespmem:$0x7B40] =	vst v3  }
0xd6: {  	_ =	swait.ge [sflag:s1], $0x2800  }
0xd7: {  	[sflag:s1] =	ssyncset.done $0x0  }
0xd8: {  	[sflag:s1] =	ssyncadd.s32 $0xFFFFD800  }
0xd9: {  	v1 =	vld.idx.msk [tilespmem:v1+s26+$0x0], $0xffff  }
0xda: {  	s5 =	simm.s32 $0x100;
	v2 =	vld.idx.msk [tilespmem:v2+s26+$0x0], $0xffff  }
0xdb: {  	s3 =	simm.s32 $0x1;
	v4 =	vld [tilespmem:s5+$0x70]  }
0xdc: {  	v3 =	vmov s3;
	v5 =	vld [tilespmem:s5+$0xFFFFFF00]  }
0xdd: {  	v3 =	vand.u32 $0xFFFFFFFD, v3;
	v6 =	vld [tilespmem:s5+$0xFFFFFF10]  }
0xde: {  	v3 =	vbroadcast v3, $0x0;
	v7 =	vld [tilespmem:s5+$0xFFFFFF20]  }
0xdf: {  	v8 =	vld [tilespmem:s5+$0xFFFFFF30]  }
0xe0: {  	v9 =	vld [tilespmem:s5+$0xFFFFFF40]  }
0xe1: {  	v10 =	vld [tilespmem:s5+$0xFFFFFF50]  }
0xe2: {  	v11 =	vld [tilespmem:s5+$0xFFFFFF60];
	v5 =	vmul.f32 v5, v1  }
0xe3: {  	v13 =	vld [tilespmem:s5+$0x40];
	v4 =	vmul.f32 v4, v2  }
0xe4: {  	v3 =	vld.idx.msk [tilespmem:v3+s26+$0x0], $0xffff;
	[tilespmem:s5+$0xFFFFFF00] =	vst v5;
	v5 =	vmul.f32 v6, v1  }
0xe5: {  	v6 =	vld [tilespmem:s5+$0xFFFFFF70];
	[tilespmem:s5+$0x70] =	vst v4;
	v4 =	vmul.f32 v7, v1  }
0xe6: {  	v7 =	vld [tilespmem:s5+$0xFFFFFF80];
	[tilespmem:s5+$0xFFFFFF10] =	vst v5;
	v5 =	vmul.f32 v8, v1  }
0xe7: {  	v8 =	vld [tilespmem:s5+$0xFFFFFF90];
	[tilespmem:s5+$0xFFFFFF20] =	vst v4;
	v4 =	vmul.f32 v9, v1  }
0xe8: {  	v9 =	vld [tilespmem:s5+$0xFFFFFFA0];
	[tilespmem:s5+$0xFFFFFF30] =	vst v5;
	v5 =	vmul.f32 v10, v1  }
0xe9: {  	v10 =	vld [tilespmem:s5+$0xFFFFFFB0];
	[tilespmem:s5+$0xFFFFFF40] =	vst v4;
	v4 =	vmul.f32 v11, v1  }
0xea: {  	v11 =	vld [tilespmem:s5+$0xFFFFFFC0];
	v6 =	vmul.f32 v6, v1;
	[tilespmem:s5+$0xFFFFFF50] =	vst v5  }
0xeb: {  	v5 =	vmul.f32 v7, v3;
	v7 =	vld [tilespmem:s5+$0xFFFFFFD0];
	[tilespmem:s5+$0xFFFFFF60] =	vst v4  }
0xec: {  	s4 =	simm.s32 $0x3;
	v4 =	vld [tilespmem:s5+$0xFFFFFFE0];
	v8 =	vmul.f32 v8, v3;
	[tilespmem:s5+$0xFFFFFF70] =	vst v6  }
0xed: {  	v12 =	vmov s4;
	v6 =	vld [tilespmem:s5+$0xFFFFFFF0];
	[tilespmem:s5+$0xFFFFFF80] =	vst v5;
	v5 =	vmul.f32 v9, v3  }
0xee: {  	v9 =	vld [tilespmem:s5+$0x0];
	[tilespmem:s5+$0xFFFFFF90] =	vst v8;
	v8 =	vmul.f32 v10, v3  }
0xef: {  	v10 =	vld [tilespmem:s5+$0x10];
	[tilespmem:s5+$0xFFFFFFA0] =	vst v5;
	v5 =	vmul.f32 v11, v3  }
0xf0: {  	[tilespmem:s5+$0xFFFFFFB0] =	vst v8;
	v7 =	vmul.f32 v7, v3;
	v8 =	vld [tilespmem:s5+$0x20]  }
0xf1: {  	v11 =	vld [tilespmem:s5+$0x30];
	v4 =	vmul.f32 v4, v3;
	[tilespmem:s5+$0xFFFFFFC0] =	vst v5  }
0xf2: {  	v1 =	vld.idx.msk [tilespmem:v12+s26+$0x0], $0xffff;
	v3 =	vmul.f32 v6, v3;
	[tilespmem:s5+$0xFFFFFFD0] =	vst v7  }
0xf3: {  	[tilespmem:s5+$0xFFFFFFE0] =	vst v4;
	v5 =	vmul.f32 v9, v2;
	v4 =	vld [tilespmem:s5+$0x50]  }
0xf4: {  	s6 =	simm.s32 $0x4;
	[tilespmem:s5+$0xFFFFFFF0] =	vst v3;
	v6 =	vmul.f32 v10, v2;
	v3 =	vld [tilespmem:s5+$0x60]  }
0xf5: {  	s19 =	simm.s32 $0x7;
	v7 =	vmov s6;
	[tilespmem:s5+$0x0] =	vst v5;
	v9 =	vmul.f32 v8, v2;
	v8 =	vld [tilespmem:s5+$0x80]  }
0xf6: {  	s23 =	simm.s32 $0x5;
	v12 =	vand.u32 $0xFFFFFFFC, v7;
	v7 =	vld [tilespmem:s5+$0x90];
	v5 =	vmov s19;
	v10 =	vmul.f32 v11, v2;
	[tilespmem:s5+$0x10] =	vst v6  }
0xf7: {  	s0 =	simm.s32 $0x6;
	s6 =	simm.s32 $0x100;
	s19 =	simm.s32 $0x8;
	v11 =	vmul.f32 v13, v2;
	v6 =	vbroadcast v12, $0x0;
	v12 =	vmov s23;
	[tilespmem:s5+$0x20] =	vst v9;
	v9 =	vld [tilespmem:s5+$0xA0]  }
.LBB2_4:
0xf8: {  	p0 =	slt.u32 s19, $0x4C;
	v12 =	vand.u32 $0xFFFFFFFD, v12;
	v13 =	vmov s0;
	[tilespmem:s5+$0x30] =	vst v10;
	v4 =	vmul.f32 v4, v2;
	v10 =	vld [tilespmem:s5+$0xB0]  }
0xf9: {  	v12 =	vbroadcast v12, $0x0;
	v13 =	vand.u32 $0xFFFFFFFE, v13;
	[tilespmem:s5+$0x40] =	vst v11;
	v2 =	vmul.f32 v3, v2;
	v3 =	vld [tilespmem:s5+$0xC0]  }
0xfa: {  	v11 =	vbroadcast v13, $0x0;
	[tilespmem:s5+$0x50] =	vst v4;
	v4 =	vmul.f32 v8, v1;
	v8 =	vld [tilespmem:s5+$0xD0]  }
0xfb: {  	[tilespmem:s5+$0x60] =	vst v2;
	v2 =	vmul.f32 v7, v1;
	v7 =	vld [tilespmem:s5+$0xE0]  }
0xfc: {  	[tilespmem:s5+$0x80] =	vst v4;
	v4 =	vmul.f32 v9, v1;
	v9 =	vld [tilespmem:s5+$0xF0]  }
0xfd: {  	v5 =	vld.idx.msk [tilespmem:v5+s26+$0x0], $0xffff;
	[tilespmem:s5+$0x90] =	vst v2;
	v2 =	vmul.f32 v10, v1  }
0xfe: {  	v6 =	vld.idx.msk [tilespmem:v6+s26+$0x0], $0xffff;
	[tilespmem:s5+$0xA0] =	vst v4;
	v3 =	vmul.f32 v3, v1  }
0xff: {  	v4 =	vld.idx.msk [tilespmem:v12+s26+$0x0], $0xffff;
	[tilespmem:s5+$0xB0] =	vst v2;
	v8 =	vmul.f32 v8, v1  }
0x100: {  	s5 =	sadd.s32 $0x200, s5;
	v2 =	vld.idx.msk [tilespmem:v11+s26+$0x0], $0xffff;
	[tilespmem:s6+$0xC0] =	vst v3;
	v3 =	vmul.f32 v7, v1  }
0x101: {  	v7 =	vld [tilespmem:s5+$0x70];
	[tilespmem:s6+$0xD0] =	vst v8;
	v9 =	vmul.f32 v9, v1  }
0x102: {  	v8 =	vld [tilespmem:s5+$0xFFFFFF00];
	[tilespmem:s6+$0xE0] =	vst v3  }
0x103: {  	v1 =	vmov v5;
	v3 =	vld [tilespmem:s5+$0xFFFFFF10];
	[tilespmem:s6+$0xF0] =	vst v9;
	s6 =	smov.u32 s5  }
0x104: {  	v5 =	vld [tilespmem:s5+$0xFFFFFF20]  }
0x105: {  	v9 =	vld [tilespmem:s5+$0xFFFFFF30]  }
0x106: {  	v10 =	vld [tilespmem:s5+$0xFFFFFF40];
	v7 =	vmul.f32 v7, v2  }
0x107: {  	v8 =	vmul.f32 v8, v6;
	v11 =	vld [tilespmem:s5+$0xFFFFFF50]  }
0x108: {  	v3 =	vmul.f32 v3, v6;
	v12 =	vld [tilespmem:s5+$0xFFFFFF60];
	[tilespmem:s5+$0x70] =	vst v7  }
0x109: {  	[tilespmem:s5+$0xFFFFFF00] =	vst v8;
	v5 =	vmul.f32 v5, v6;
	v7 =	vld [tilespmem:s5+$0xFFFFFF70]  }
0x10a: {  	[tilespmem:s5+$0xFFFFFF10] =	vst v3;
	v3 =	vmul.f32 v9, v6;
	v8 =	vld [tilespmem:s5+$0xFFFFFF80]  }
0x10b: {  	[tilespmem:s5+$0xFFFFFF20] =	vst v5;
	v5 =	vmul.f32 v10, v6;
	v9 =	vld [tilespmem:s5+$0xFFFFFF90]  }
0x10c: {  	[tilespmem:s5+$0xFFFFFF30] =	vst v3;
	v3 =	vmul.f32 v11, v6;
	v10 =	vld [tilespmem:s5+$0xFFFFFFA0]  }
0x10d: {  	[tilespmem:s5+$0xFFFFFF40] =	vst v5;
	v5 =	vmul.f32 v12, v6;
	v11 =	vld [tilespmem:s5+$0xFFFFFFB0]  }
0x10e: {  	[tilespmem:s5+$0xFFFFFF50] =	vst v3;
	v3 =	vmul.f32 v7, v6;
	v6 =	vld [tilespmem:s5+$0xFFFFFFC0]  }
0x10f: {  	[tilespmem:s5+$0xFFFFFF60] =	vst v5;
	v5 =	vmul.f32 v8, v4;
	v7 =	vld [tilespmem:s5+$0xFFFFFFD0]  }
0x110: {  	[tilespmem:s5+$0xFFFFFF70] =	vst v3;
	v3 =	vmul.f32 v9, v4;
	v8 =	vld [tilespmem:s5+$0xFFFFFFE0]  }
0x111: {  	[tilespmem:s5+$0xFFFFFF80] =	vst v5;
	v5 =	vmul.f32 v10, v4;
	v9 =	vld [tilespmem:s5+$0xFFFFFFF0]  }
0x112: {  	[tilespmem:s5+$0xFFFFFF90] =	vst v3;
	v3 =	vmul.f32 v11, v4;
	v10 =	vld [tilespmem:s5+$0x0]  }
0x113: {  	[tilespmem:s5+$0xFFFFFFA0] =	vst v5;
	v5 =	vmul.f32 v6, v4;
	v6 =	vld [tilespmem:s5+$0x10]  }
0x114: {  	[tilespmem:s5+$0xFFFFFFB0] =	vst v3;
	v3 =	vmul.f32 v7, v4;
	v7 =	vld [tilespmem:s5+$0x20]  }
0x115: {  	[tilespmem:s5+$0xFFFFFFC0] =	vst v5;
	v5 =	vmul.f32 v8, v4;
	v11 =	vld [tilespmem:s5+$0x30]  }
0x116: {  	[tilespmem:s5+$0xFFFFFFD0] =	vst v3;
	v3 =	vmul.f32 v9, v4;
	v9 =	vld [tilespmem:s5+$0x40]  }
.Ltmp1:
0x117: {  	[tilespmem:s5+$0xFFFFFFE0] =	vst v5;
	v5 =	vmul.f32 v10, v2;
	v4 =	vld [tilespmem:s5+$0x50];
	(pc) =	sbr.rel @p0 .LBB2_4-.Ltmp1, $4  }
0x118: {  	[tilespmem:s5+$0xFFFFFFF0] =	vst v3;
	v6 =	vmul.f32 v6, v2;
	v3 =	vld [tilespmem:s5+$0x60]  }
0x119: {  	s0 =	sadd.s32 $0x3, s19;
	v10 =	vmov s19;
	[tilespmem:s5+$0x0] =	vst v5;
	v13 =	vmul.f32 v7, v2;
	v8 =	vld [tilespmem:s5+$0x80]  }
0x11a: {  	s4 =	sadd.s32 $0x1, s19;
	v12 =	vand.u32 $0xFFFFFFFC, v10;
	v5 =	vmov s0;
	[tilespmem:s5+$0x10] =	vst v6;
	v10 =	vmul.f32 v11, v2;
	v7 =	vld [tilespmem:s5+$0x90]  }
0x11b: {  	s0 =	sadd.s32 $0x2, s19;
	s19 =	sadd.s32 $0x4, s19;
	v6 =	vbroadcast v12, $0x0;
	v12 =	vmov s4;
	[tilespmem:s5+$0x20] =	vst v13;
	v11 =	vmul.f32 v9, v2;
	v9 =	vld [tilespmem:s5+$0xA0]  }
0x11c: {  	v13 =	vld [tilespmem:s5+$0xB0]  }
0x11d: {  	v15 =	vld [tilespmem:s5+$0xC0]  }
0x11e: {  	v16 =	vld [tilespmem:s5+$0xD0]  }
0x11f: {  	v17 =	vld [tilespmem:s5+$0xE0]  }
0x120: {  	v29 =	vld [tilespmem:s5+$0xF0];
	[tilespmem:s5+$0x30] =	vst v10;
	v4 =	vmul.f32 v4, v2  }
0x121: {  	v5 =	vld.idx.msk [tilespmem:v5+s26+$0x0], $0xffff;
	[tilespmem:s5+$0x40] =	vst v11;
	v2 =	vmul.f32 v3, v2  }
0x122: {  	s4 =	sadd.s32 $0x200, s5;
	v3 =	vld.idx.msk [tilespmem:v6+s26+$0x0], $0xffff;
	v8 =	vmul.f32 v8, v1;
	[tilespmem:s5+$0x50] =	vst v4  }
0x123: {  	v14 =	vmov s0;
	v34 =	vld [tilespmem:s4+$0x70];
	v30 =	vmul.f32 v7, v1;
	[tilespmem:s5+$0x60] =	vst v2  }
0x124: {  	v14 =	vand.u32 $0xFFFFFFFE, v14;
	v35 =	vld [tilespmem:s4+$0xFFFFFF00];
	[tilespmem:s5+$0x80] =	vst v8;
	v2 =	vmul.f32 v9, v1  }
0x125: {  	v37 =	vld [tilespmem:s4+$0xFFFFFF10];
	v14 =	vbroadcast v14, $0x0;
	[tilespmem:s5+$0x90] =	vst v30;
	v33 =	vmul.f32 v13, v1  }
0x126: {  	v38 =	vld [tilespmem:s4+$0xFFFFFF20];
	[tilespmem:s5+$0xA0] =	vst v2;
	v2 =	vmul.f32 v15, v1  }
0x127: {  	v12 =	vand.u32 $0xFFFFFFFD, v12;
	v39 =	vld [tilespmem:s4+$0xFFFFFF30];
	v36 =	vmul.f32 v16, v1;
	[tilespmem:s5+$0xB0] =	vst v33  }
0x128: {  	v12 =	vbroadcast v12, $0x0;
	v41 =	vld [tilespmem:s4+$0xFFFFFF50];
	[tilespmem:s6+$0xC0] =	vst v2;
	v2 =	vmul.f32 v17, v1  }
0x129: {  	v43 =	vld [tilespmem:s4+$0xFFFFFF60];
	[tilespmem:s6+$0xD0] =	vst v36;
	v1 =	vmul.f32 v29, v1  }
0x12a: {  	v42 =	vmul.f32 v37, v3;
	[tilespmem:s6+$0xE0] =	vst v2;
	v2 =	vld [tilespmem:s4+$0xFFFFFF40]  }
0x12b: {  	v32 =	vld.idx.msk [tilespmem:v14+s26+$0x0], $0xffff;
	[tilespmem:s6+$0xF0] =	vst v1;
	v1 =	vmul.f32 v35, v3  }
0x12c: {  	v44 =	vld [tilespmem:s4+$0xFFFFFF70];
	v4 =	vmul.f32 v39, v3;
	[tilespmem:s4+$0xFFFFFF10] =	vst v42  }
0x12d: {  	v45 =	vld [tilespmem:s4+$0xFFFFFF80];
	[tilespmem:s4+$0xFFFFFF00] =	vst v1;
	v1 =	vmul.f32 v38, v3  }
0x12e: {  	v46 =	vmul.f32 v41, v3;
	v31 =	vld.idx.msk [tilespmem:v12+s26+$0x0], $0xffff;
	[tilespmem:s4+$0xFFFFFF30] =	vst v4  }
0x12f: {  	[tilespmem:s4+$0xFFFFFF20] =	vst v1;
	v1 =	vmul.f32 v2, v3;
	v2 =	vld [tilespmem:s4+$0xFFFFFF90]  }
0x130: {  	v47 =	vld [tilespmem:s4+$0xFFFFFFA0];
	[tilespmem:s4+$0xFFFFFF50] =	vst v46;
	v40 =	vmul.f32 v34, v32  }
0x131: {  	v48 =	vld [tilespmem:s4+$0xFFFFFFB0];
	[tilespmem:s4+$0xFFFFFF40] =	vst v1;
	v1 =	vmul.f32 v43, v3  }
0x132: {  	v49 =	vld [tilespmem:s4+$0xFFFFFFC0];
	[tilespmem:s4+$0x70] =	vst v40;
	v3 =	vmul.f32 v44, v3  }
0x133: {  	v50 =	vld [tilespmem:s4+$0xFFFFFFD0];
	[tilespmem:s4+$0xFFFFFF60] =	vst v1;
	v1 =	vmul.f32 v45, v31  }
0x134: {  	[tilespmem:s4+$0xFFFFFF70] =	vst v3;
	v3 =	vld [tilespmem:s4+$0xFFFFFFE0];
	v2 =	vmul.f32 v2, v31  }
0x135: {  	v51 =	vld [tilespmem:s4+$0xFFFFFFF0];
	[tilespmem:s4+$0xFFFFFF80] =	vst v1;
	v1 =	vmul.f32 v47, v31  }
0x136: {  	v52 =	vld [tilespmem:s4+$0x0];
	[tilespmem:s4+$0xFFFFFF90] =	vst v2;
	v2 =	vmul.f32 v48, v31  }
0x137: {  	v53 =	vld [tilespmem:s4+$0x10];
	[tilespmem:s4+$0xFFFFFFA0] =	vst v1;
	v1 =	vmul.f32 v49, v31  }
0x138: {  	v54 =	vld [tilespmem:s4+$0x20];
	[tilespmem:s4+$0xFFFFFFB0] =	vst v2;
	v2 =	vmul.f32 v50, v31  }
0x139: {  	[tilespmem:s4+$0xFFFFFFC0] =	vst v1;
	v1 =	vmul.f32 v3, v31;
	v3 =	vld [tilespmem:s4+$0x30]  }
0x13a: {  	v55 =	vld [tilespmem:s4+$0x40];
	[tilespmem:s4+$0xFFFFFFD0] =	vst v2;
	v2 =	vmul.f32 v51, v31  }
0x13b: {  	v56 =	vld [tilespmem:s4+$0x50];
	[tilespmem:s4+$0xFFFFFFE0] =	vst v1;
	v1 =	vmul.f32 v52, v32  }
0x13c: {  	v57 =	vld [tilespmem:s4+$0x60];
	[tilespmem:s4+$0xFFFFFFF0] =	vst v2;
	v2 =	vmul.f32 v53, v32  }
0x13d: {  	v58 =	vld [tilespmem:s4+$0x80];
	[tilespmem:s4+$0x0] =	vst v1;
	v1 =	vmul.f32 v54, v32  }
0x13e: {  	[tilespmem:s4+$0x10] =	vst v2;
	v2 =	vmul.f32 v3, v32;
	v3 =	vld [tilespmem:s4+$0x90]  }
0x13f: {  	v59 =	vld [tilespmem:s4+$0xA0];
	[tilespmem:s4+$0x20] =	vst v1;
	v1 =	vmul.f32 v55, v32  }
0x140: {  	v60 =	vld [tilespmem:s4+$0xB0];
	[tilespmem:s4+$0x30] =	vst v2;
	v2 =	vmul.f32 v56, v32  }
0x141: {  	v61 =	vld [tilespmem:s4+$0xC0];
	[tilespmem:s4+$0x40] =	vst v1;
	v1 =	vmul.f32 v57, v32  }
0x142: {  	v62 =	vld [tilespmem:s4+$0xD0];
	[tilespmem:s4+$0x50] =	vst v2;
	v2 =	vmul.f32 v58, v5  }
0x143: {  	[tilespmem:s4+$0x60] =	vst v1;
	v1 =	vmul.f32 v3, v5;
	v3 =	vld [tilespmem:s4+$0xE0]  }
0x144: {  	v63 =	vld [tilespmem:s4+$0xF0];
	[tilespmem:s4+$0x80] =	vst v2;
	v2 =	vmul.f32 v59, v5  }
0x145: {  	[tilespmem:s4+$0x90] =	vst v1;
	v1 =	vmul.f32 v60, v5  }
0x146: {  	[tilespmem:s4+$0xA0] =	vst v2;
	v2 =	vmul.f32 v61, v5  }
0x147: {  	[tilespmem:s4+$0xB0] =	vst v1;
	v1 =	vmul.f32 v62, v5  }
0x148: {  	[tilespmem:s4+$0xC0] =	vst v2;
	v2 =	vmul.f32 v3, v5  }
0x149: {  	[tilespmem:s4+$0xD0] =	vst v1;
	v1 =	vmul.f32 v63, v5  }
0x14a: {  	[tilespmem:s4+$0xE0] =	vst v2  }
0x14b: {  	[tilespmem:s4+$0xF0] =	vst v1;
	s4 =	simm.s32 $0x0  }
0x14c: {  	[spmem:s30] =	stream.indirect.scatter.add.f32 [tilespmem:s4], [sflag:$0x4], $0x80, s11, s28, $0xb8;
	[tilespmem:$0x1BCF8] =	vst v63  }
0x14d: {  	_ = 	snop  }
0x14e: {  	[spmem:s12] =	stream.indirect.scatter.add.f32 [tilespmem:s26], [sflag:$0x4], $0x1, s11, s28, $0xb8;
	[tilespmem:$0x1BCF8] =	vst v63  }
0x14f: {  	s3 =	simm.s32 $0x7D80;
	s0 =	rddreg [dreg:$0x1a]  }
0x150: {  	[tilespmem:s3], [sflag:$0x9] =	stream.linear.gather [hbm4b:s0+s4], $0x50, $0x38;
	[tilespmem:$0x1BCF8] =	vst v63  }
0x151: {  	s5 =	rddreg [dreg:$0x1b]  }
0x152: {  	[tilespmem:s31], [sflag:$0x9] =	stream.linear.gather [hbm4b:s5+s4], $0x50, $0x38;
	[tilespmem:$0x1BCF8] =	vst v63  }
0x153: {  	_ =	swait.ge [sflag:s29], $0x50  }
0x154: {  	[sflag:s29] =	ssyncset.done $0x0  }
0x155: {  	[sflag:s29] =	ssyncadd.s32 $0xFFFFFFB0  }
0x156: {  	_ =	swait.ge [sflag:s29], $0x50  }
0x157: {  	[sflag:s29] =	ssyncset.done $0x0  }
0x158: {  	s6 =	simm.s32 $0x5000;
	[sflag:s29] =	ssyncadd.s32 $0xFFFFFFB0  }
0x159: {  	[tilespmem:s6], [sflag:$0x3] =	stream.indirect.gather [hbm4b:s14+s28], $0x80, s3, s28, $0xb8;
	[tilespmem:$0x1BCF8] =	vst v63  }
0x15a: {  	s19 =	simm.s32 $0x7900  }
0x15b: {  	[tilespmem:s19], [sflag:$0x9] =	stream.indirect.gather [hbm4b:s15+s28], $0x1, s3, s28, $0xb8;
	[tilespmem:$0x1BCF8] =	vst v63  }
0x15c: {  	s23 =	simm.s32 $0x7A80;
	s5 =	simm.s32 $0x0  }
0x15d: {  	[tilespmem:s23], [sflag:$0x9] =	stream.indirect.gather [hbm4b:s16+s28], $0x1, s31, s28, $0xb8;
	[tilespmem:$0x1BCF8] =	vst v63  }
.LBB2_6:
0x15e: {  	_ =	swait.ge [sflag:s22], $0x50  }
0x15f: {  	[sflag:s22] =	ssyncset.done $0x0  }
0x160: {  	[sflag:s22] =	ssyncadd.s32 $0xFFFFFFB0  }
0x161: {  	_ =	swait.ge [sflag:s22], $0x50  }
0x162: {  	[sflag:s22] =	ssyncset.done $0x0  }
0x163: {  	[sflag:s22] =	ssyncadd.s32 $0xFFFFFFB0  }
0x164: {  	v1 =	vld [tilespmem:$0x7880]  }
0x165: {  	v2 =	vld [tilespmem:$0x7A00]  }
0x166: {  	v3 =	vld [tilespmem:$0x7890]  }
0x167: {  	v4 =	vld [tilespmem:$0x7A10]  }
0x168: {  	v5 =	vld [tilespmem:$0x78A0]  }
0x169: {  	v6 =	vld [tilespmem:$0x7A20]  }
0x16a: {  	v7 =	vld [tilespmem:$0x7A30];
	v1 =	vadd.f32 v2, v1  }
0x16b: {  	v9 =	vld [tilespmem:$0x78C0]  }
0x16c: {  	v2 =	vld [tilespmem:$0x78B0];
	v8 =	vmul.f32 $9.999999770e-03, v1  }
0x16d: {  	v10 =	vld [tilespmem:$0x7A40];
	vm0 =	vge.f32 v1, $0.0e+00  }
0x16e: {  	v3 =	vadd.f32 v4, v3;
	v1 =	vsel vm0, v1, v8  }
0x16f: {  	v1 =	vmul.f32 $1.442695020e+00, v1  }
0x170: {  	v5 =	vadd.f32 v6, v5;
	v4 =	vmul.f32 $9.999999770e-03, v3  }
0x171: {  	vm12 =	vge.f32 v3, $0.0e+00;
	(erf) = vpow2.f32 v1;
	v1 =	vadd.f32 v7, v2  }
0x172: {  	v2 =	vsel vm12, v3, v4;
	v3 =	vmul.f32 $9.999999770e-03, v5;
	v4 =	vadd.f32 v10, v9  }
0x173: {  	vm13 =	vge.f32 v5, $0.0e+00;
	v2 =	vmul.f32 $1.442695020e+00, v2;
	v6 =	vmul.f32 $9.999999770e-03, v1  }
0x174: {  	v3 =	vsel vm13, v5, v3;
	vm14 =	vge.f32 v1, $0.0e+00;
	v5 =	vmul.f32 $9.999999770e-03, v4  }
0x175: {  	vm15 =	vge.f32 v4, $0.0e+00;
	v3 =	vmul.f32 $1.442695020e+00, v3;
	v1 =	vsel vm14, v1, v6  }
0x176: {  	(erf) = vpow2.f32 v2;
	v2 =	vsel vm15, v4, v5;
	v1 =	vmul.f32 $1.442695020e+00, v1  }
0x177: {  	(erf) = vpow2.f32 v3;
	v2 =	vmul.f32 $1.442695020e+00, v2  }
0x178: {  	(erf) = vpow2.f32 v1  }
0x179: {  	(erf) = vpow2.f32 v2;
	_ =	sdelay $0x4  }
0x17a: {  	s0 =	simm.s32 $0x0;
	v1 =	vpop (erf)  }
0x17b: {  	s23 =	simm.s32 $0x2;
	[tilespmem:$0x7B80] =	vst v1;
	v1 =	vmov s0;
	v2 =	vpop (erf)  }
0x17c: {  	v1 =	vand.u32 $0xFFFFFFFC, v1;
	[tilespmem:$0x7B90] =	vst v2;
	v2 =	vmov s23;
	v3 =	vpop (erf)  }
0x17d: {  	v1 =	vbroadcast v1, $0x0;
	v2 =	vand.u32 $0xFFFFFFFE, v2;
	[tilespmem:$0x7BA0] =	vst v3;
	v4 =	vpop (erf)  }
0x17e: {  	v2 =	vbroadcast v2, $0x0;
	[tilespmem:$0x7BB0] =	vst v4;
	v3 =	vpop (erf)  }
0x17f: {  	[tilespmem:$0x7BC0] =	vst v3  }
0x180: {  	_ =	swait.ge [sflag:s2], $0x2800  }
0x181: {  	[sflag:s2] =	ssyncset.done $0x0  }
0x182: {  	[sflag:s2] =	ssyncadd.s32 $0xFFFFD800  }
0x183: {  	v1 =	vld.idx.msk [tilespmem:v1+s20+$0x0], $0xffff  }
0x184: {  	s6 =	simm.s32 $0x2900;
	v2 =	vld.idx.msk [tilespmem:v2+s20+$0x0], $0xffff  }
0x185: {  	s3 =	simm.s32 $0x1;
	v4 =	vld [tilespmem:s6+$0x70]  }
0x186: {  	v3 =	vmov s3;
	v5 =	vld [tilespmem:s6+$0xFFFFFF00]  }
0x187: {  	v3 =	vand.u32 $0xFFFFFFFD, v3;
	v6 =	vld [tilespmem:s6+$0xFFFFFF10]  }
0x188: {  	v3 =	vbroadcast v3, $0x0;
	v7 =	vld [tilespmem:s6+$0xFFFFFF20]  }
0x189: {  	v8 =	vld [tilespmem:s6+$0xFFFFFF30]  }
0x18a: {  	v9 =	vld [tilespmem:s6+$0xFFFFFF40]  }
0x18b: {  	v10 =	vld [tilespmem:s6+$0xFFFFFF50]  }
0x18c: {  	v11 =	vld [tilespmem:s6+$0xFFFFFF60];
	v5 =	vmul.f32 v5, v1  }
0x18d: {  	v13 =	vld [tilespmem:s6+$0x40];
	v4 =	vmul.f32 v4, v2  }
0x18e: {  	v3 =	vld.idx.msk [tilespmem:v3+s20+$0x0], $0xffff;
	[tilespmem:s6+$0xFFFFFF00] =	vst v5;
	v5 =	vmul.f32 v6, v1  }
0x18f: {  	v6 =	vld [tilespmem:s6+$0xFFFFFF70];
	[tilespmem:s6+$0x70] =	vst v4;
	v4 =	vmul.f32 v7, v1  }
0x190: {  	v7 =	vld [tilespmem:s6+$0xFFFFFF80];
	[tilespmem:s6+$0xFFFFFF10] =	vst v5;
	v5 =	vmul.f32 v8, v1  }
0x191: {  	v8 =	vld [tilespmem:s6+$0xFFFFFF90];
	[tilespmem:s6+$0xFFFFFF20] =	vst v4;
	v4 =	vmul.f32 v9, v1  }
0x192: {  	v9 =	vld [tilespmem:s6+$0xFFFFFFA0];
	[tilespmem:s6+$0xFFFFFF30] =	vst v5;
	v5 =	vmul.f32 v10, v1  }
0x193: {  	v10 =	vld [tilespmem:s6+$0xFFFFFFB0];
	[tilespmem:s6+$0xFFFFFF40] =	vst v4;
	v4 =	vmul.f32 v11, v1  }
0x194: {  	v11 =	vld [tilespmem:s6+$0xFFFFFFC0];
	v6 =	vmul.f32 v6, v1;
	[tilespmem:s6+$0xFFFFFF50] =	vst v5  }
0x195: {  	v5 =	vmul.f32 v7, v3;
	v7 =	vld [tilespmem:s6+$0xFFFFFFD0];
	[tilespmem:s6+$0xFFFFFF60] =	vst v4  }
0x196: {  	s4 =	simm.s32 $0x3;
	v4 =	vld [tilespmem:s6+$0xFFFFFFE0];
	v8 =	vmul.f32 v8, v3;
	[tilespmem:s6+$0xFFFFFF70] =	vst v6  }
0x197: {  	v12 =	vmov s4;
	v6 =	vld [tilespmem:s6+$0xFFFFFFF0];
	[tilespmem:s6+$0xFFFFFF80] =	vst v5;
	v5 =	vmul.f32 v9, v3  }
0x198: {  	v9 =	vld [tilespmem:s6+$0x0];
	[tilespmem:s6+$0xFFFFFF90] =	vst v8;
	v8 =	vmul.f32 v10, v3  }
0x199: {  	v10 =	vld [tilespmem:s6+$0x10];
	[tilespmem:s6+$0xFFFFFFA0] =	vst v5;
	v5 =	vmul.f32 v11, v3  }
0x19a: {  	[tilespmem:s6+$0xFFFFFFB0] =	vst v8;
	v7 =	vmul.f32 v7, v3;
	v8 =	vld [tilespmem:s6+$0x20]  }
0x19b: {  	v11 =	vld [tilespmem:s6+$0x30];
	v4 =	vmul.f32 v4, v3;
	[tilespmem:s6+$0xFFFFFFC0] =	vst v5  }
0x19c: {  	v1 =	vld.idx.msk [tilespmem:v12+s20+$0x0], $0xffff;
	v3 =	vmul.f32 v6, v3;
	[tilespmem:s6+$0xFFFFFFD0] =	vst v7  }
0x19d: {  	[tilespmem:s6+$0xFFFFFFE0] =	vst v4;
	v5 =	vmul.f32 v9, v2;
	v4 =	vld [tilespmem:s6+$0x50]  }
0x19e: {  	s19 =	simm.s32 $0x4;
	[tilespmem:s6+$0xFFFFFFF0] =	vst v3;
	v6 =	vmul.f32 v10, v2;
	v3 =	vld [tilespmem:s6+$0x60]  }
0x19f: {  	s23 =	simm.s32 $0x7;
	v7 =	vmov s19;
	[tilespmem:s6+$0x0] =	vst v5;
	v9 =	vmul.f32 v8, v2;
	v8 =	vld [tilespmem:s6+$0x80]  }
0x1a0: {  	s4 =	simm.s32 $0x5;
	v12 =	vand.u32 $0xFFFFFFFC, v7;
	v7 =	vld [tilespmem:s6+$0x90];
	v5 =	vmov s23;
	v10 =	vmul.f32 v11, v2;
	[tilespmem:s6+$0x10] =	vst v6  }
0x1a1: {  	s0 =	simm.s32 $0x6;
	s19 =	simm.s32 $0x8;
	v11 =	vmul.f32 v13, v2;
	s23 =	simm.s32 $0x2900;
	v6 =	vbroadcast v12, $0x0;
	v12 =	vmov s4;
	[tilespmem:s6+$0x20] =	vst v9;
	v9 =	vld [tilespmem:s6+$0xA0]  }
.LBB2_7:
0x1a2: {  	p0 =	slt.u32 s19, $0x4C;
	v12 =	vand.u32 $0xFFFFFFFD, v12;
	v13 =	vmov s0;
	[tilespmem:s6+$0x30] =	vst v10;
	v4 =	vmul.f32 v4, v2;
	v10 =	vld [tilespmem:s6+$0xB0]  }
0x1a3: {  	v12 =	vbroadcast v12, $0x0;
	v13 =	vand.u32 $0xFFFFFFFE, v13;
	[tilespmem:s6+$0x40] =	vst v11;
	v2 =	vmul.f32 v3, v2;
	v3 =	vld [tilespmem:s6+$0xC0]  }
0x1a4: {  	v11 =	vbroadcast v13, $0x0;
	[tilespmem:s6+$0x50] =	vst v4;
	v4 =	vmul.f32 v8, v1;
	v8 =	vld [tilespmem:s6+$0xD0]  }
0x1a5: {  	[tilespmem:s6+$0x60] =	vst v2;
	v2 =	vmul.f32 v7, v1;
	v7 =	vld [tilespmem:s6+$0xE0]  }
0x1a6: {  	[tilespmem:s6+$0x80] =	vst v4;
	v4 =	vmul.f32 v9, v1;
	v9 =	vld [tilespmem:s6+$0xF0]  }
0x1a7: {  	v5 =	vld.idx.msk [tilespmem:v5+s20+$0x0], $0xffff;
	[tilespmem:s6+$0x90] =	vst v2;
	v2 =	vmul.f32 v10, v1  }
0x1a8: {  	v6 =	vld.idx.msk [tilespmem:v6+s20+$0x0], $0xffff;
	[tilespmem:s6+$0xA0] =	vst v4;
	v3 =	vmul.f32 v3, v1  }
0x1a9: {  	v4 =	vld.idx.msk [tilespmem:v12+s20+$0x0], $0xffff;
	[tilespmem:s6+$0xB0] =	vst v2;
	v8 =	vmul.f32 v8, v1  }
0x1aa: {  	s6 =	sadd.s32 $0x200, s6;
	v2 =	vld.idx.msk [tilespmem:v11+s20+$0x0], $0xffff;
	[tilespmem:s23+$0xC0] =	vst v3;
	v3 =	vmul.f32 v7, v1  }
0x1ab: {  	v7 =	vld [tilespmem:s6+$0x70];
	[tilespmem:s23+$0xD0] =	vst v8;
	v9 =	vmul.f32 v9, v1  }
0x1ac: {  	v8 =	vld [tilespmem:s6+$0xFFFFFF00];
	[tilespmem:s23+$0xE0] =	vst v3  }
0x1ad: {  	v1 =	vmov v5;
	v3 =	vld [tilespmem:s6+$0xFFFFFF10];
	[tilespmem:s23+$0xF0] =	vst v9;
	s23 =	smov.u32 s6  }
0x1ae: {  	v5 =	vld [tilespmem:s6+$0xFFFFFF20]  }
0x1af: {  	v9 =	vld [tilespmem:s6+$0xFFFFFF30]  }
0x1b0: {  	v10 =	vld [tilespmem:s6+$0xFFFFFF40];
	v7 =	vmul.f32 v7, v2  }
0x1b1: {  	v8 =	vmul.f32 v8, v6;
	v11 =	vld [tilespmem:s6+$0xFFFFFF50]  }
0x1b2: {  	v3 =	vmul.f32 v3, v6;
	v12 =	vld [tilespmem:s6+$0xFFFFFF60];
	[tilespmem:s6+$0x70] =	vst v7  }
0x1b3: {  	[tilespmem:s6+$0xFFFFFF00] =	vst v8;
	v5 =	vmul.f32 v5, v6;
	v7 =	vld [tilespmem:s6+$0xFFFFFF70]  }
0x1b4: {  	[tilespmem:s6+$0xFFFFFF10] =	vst v3;
	v3 =	vmul.f32 v9, v6;
	v8 =	vld [tilespmem:s6+$0xFFFFFF80]  }
0x1b5: {  	[tilespmem:s6+$0xFFFFFF20] =	vst v5;
	v5 =	vmul.f32 v10, v6;
	v9 =	vld [tilespmem:s6+$0xFFFFFF90]  }
0x1b6: {  	[tilespmem:s6+$0xFFFFFF30] =	vst v3;
	v3 =	vmul.f32 v11, v6;
	v10 =	vld [tilespmem:s6+$0xFFFFFFA0]  }
0x1b7: {  	[tilespmem:s6+$0xFFFFFF40] =	vst v5;
	v5 =	vmul.f32 v12, v6;
	v11 =	vld [tilespmem:s6+$0xFFFFFFB0]  }
0x1b8: {  	[tilespmem:s6+$0xFFFFFF50] =	vst v3;
	v3 =	vmul.f32 v7, v6;
	v6 =	vld [tilespmem:s6+$0xFFFFFFC0]  }
0x1b9: {  	[tilespmem:s6+$0xFFFFFF60] =	vst v5;
	v5 =	vmul.f32 v8, v4;
	v7 =	vld [tilespmem:s6+$0xFFFFFFD0]  }
0x1ba: {  	[tilespmem:s6+$0xFFFFFF70] =	vst v3;
	v3 =	vmul.f32 v9, v4;
	v8 =	vld [tilespmem:s6+$0xFFFFFFE0]  }
0x1bb: {  	[tilespmem:s6+$0xFFFFFF80] =	vst v5;
	v5 =	vmul.f32 v10, v4;
	v9 =	vld [tilespmem:s6+$0xFFFFFFF0]  }
0x1bc: {  	[tilespmem:s6+$0xFFFFFF90] =	vst v3;
	v3 =	vmul.f32 v11, v4;
	v10 =	vld [tilespmem:s6+$0x0]  }
0x1bd: {  	[tilespmem:s6+$0xFFFFFFA0] =	vst v5;
	v5 =	vmul.f32 v6, v4;
	v6 =	vld [tilespmem:s6+$0x10]  }
0x1be: {  	[tilespmem:s6+$0xFFFFFFB0] =	vst v3;
	v3 =	vmul.f32 v7, v4;
	v7 =	vld [tilespmem:s6+$0x20]  }
0x1bf: {  	[tilespmem:s6+$0xFFFFFFC0] =	vst v5;
	v5 =	vmul.f32 v8, v4;
	v11 =	vld [tilespmem:s6+$0x30]  }
0x1c0: {  	[tilespmem:s6+$0xFFFFFFD0] =	vst v3;
	v3 =	vmul.f32 v9, v4;
	v9 =	vld [tilespmem:s6+$0x40]  }
.Ltmp2:
0x1c1: {  	[tilespmem:s6+$0xFFFFFFE0] =	vst v5;
	v5 =	vmul.f32 v10, v2;
	v4 =	vld [tilespmem:s6+$0x50];
	(pc) =	sbr.rel @p0 .LBB2_7-.Ltmp2, $4  }
0x1c2: {  	[tilespmem:s6+$0xFFFFFFF0] =	vst v3;
	v6 =	vmul.f32 v6, v2;
	v3 =	vld [tilespmem:s6+$0x60]  }
0x1c3: {  	s0 =	sadd.s32 $0x3, s19;
	v10 =	vmov s19;
	[tilespmem:s6+$0x0] =	vst v5;
	v13 =	vmul.f32 v7, v2;
	v8 =	vld [tilespmem:s6+$0x80]  }
0x1c4: {  	s4 =	sadd.s32 $0x1, s19;
	v12 =	vand.u32 $0xFFFFFFFC, v10;
	v5 =	vmov s0;
	[tilespmem:s6+$0x10] =	vst v6;
	v10 =	vmul.f32 v11, v2;
	v7 =	vld [tilespmem:s6+$0x90]  }
0x1c5: {  	s0 =	sadd.s32 $0x2, s19;
	s19 =	sadd.s32 $0x4, s19;
	v6 =	vbroadcast v12, $0x0;
	v12 =	vmov s4;
	[tilespmem:s6+$0x20] =	vst v13;
	v11 =	vmul.f32 v9, v2;
	v9 =	vld [tilespmem:s6+$0xA0]  }
0x1c6: {  	v13 =	vld [tilespmem:s6+$0xB0]  }
0x1c7: {  	v15 =	vld [tilespmem:s6+$0xC0]  }
0x1c8: {  	v14 =	vmov s0;
	v16 =	vld [tilespmem:s6+$0xD0]  }
0x1c9: {  	v17 =	vld [tilespmem:s6+$0xE0];
	[tilespmem:s6+$0x30] =	vst v10;
	v4 =	vmul.f32 v4, v2;
	v14 =	vand.u32 $0xFFFFFFFE, v14  }
0x1ca: {  	v12 =	vand.u32 $0xFFFFFFFD, v12;
	v5 =	vld.idx.msk [tilespmem:v5+s20+$0x0], $0xffff;
	[tilespmem:s6+$0x40] =	vst v11;
	v2 =	vmul.f32 v3, v2;
	v14 =	vbroadcast v14, $0x0  }
0x1cb: {  	s19 =	sadd.s32 $0x200, s6;
	v12 =	vbroadcast v12, $0x0;
	v3 =	vld.idx.msk [tilespmem:v6+s20+$0x0], $0xffff;
	v8 =	vmul.f32 v8, v1;
	[tilespmem:s6+$0x50] =	vst v4  }
0x1cc: {  	v10 =	vld [tilespmem:s19+$0xFFFFFF00];
	v4 =	vmul.f32 v7, v1;
	[tilespmem:s6+$0x60] =	vst v2  }
0x1cd: {  	[tilespmem:s6+$0x80] =	vst v8;
	v8 =	vld [tilespmem:s6+$0xF0];
	v2 =	vmul.f32 v9, v1  }
0x1ce: {  	v11 =	vld [tilespmem:s19+$0xFFFFFF10];
	[tilespmem:s6+$0x90] =	vst v4;
	v4 =	vmul.f32 v13, v1  }
0x1cf: {  	v9 =	vld [tilespmem:s19+$0x70];
	[tilespmem:s6+$0xA0] =	vst v2;
	v2 =	vmul.f32 v15, v1  }
0x1d0: {  	[tilespmem:s6+$0xB0] =	vst v4;
	v4 =	vmul.f32 v16, v1;
	v7 =	vld.idx.msk [tilespmem:v14+s20+$0x0], $0xffff  }
0x1d1: {  	v6 =	vld.idx.msk [tilespmem:v12+s20+$0x0], $0xffff;
	[tilespmem:s23+$0xC0] =	vst v2;
	v2 =	vmul.f32 v17, v1  }
0x1d2: {  	v12 =	vld [tilespmem:s19+$0xFFFFFF20];
	[tilespmem:s23+$0xD0] =	vst v4;
	v1 =	vmul.f32 v8, v1  }
0x1d3: {  	v4 =	vld [tilespmem:s19+$0xFFFFFF30];
	[tilespmem:s23+$0xE0] =	vst v2  }
0x1d4: {  	v2 =	vld [tilespmem:s19+$0xFFFFFF40];
	[tilespmem:s23+$0xF0] =	vst v1;
	v1 =	vmul.f32 v10, v3  }
0x1d5: {  	v8 =	vmul.f32 v9, v7;
	v9 =	vld [tilespmem:s19+$0xFFFFFF50]  }
0x1d6: {  	v10 =	vmul.f32 v11, v3;
	v11 =	vld [tilespmem:s19+$0xFFFFFF60];
	[tilespmem:s19+$0xFFFFFF00] =	vst v1  }
0x1d7: {  	v1 =	vmul.f32 v12, v3;
	[tilespmem:s19+$0x70] =	vst v8;
	v8 =	vld [tilespmem:s19+$0xFFFFFF70]  }
0x1d8: {  	[tilespmem:s19+$0xFFFFFF10] =	vst v10;
	v10 =	vld [tilespmem:s19+$0xFFFFFF80];
	v4 =	vmul.f32 v4, v3  }
0x1d9: {  	[tilespmem:s19+$0xFFFFFF20] =	vst v1;
	v1 =	vmul.f32 v2, v3;
	v2 =	vld [tilespmem:s19+$0xFFFFFF90]  }
0x1da: {  	[tilespmem:s19+$0xFFFFFF30] =	vst v4;
	v4 =	vmul.f32 v9, v3;
	v9 =	vld [tilespmem:s19+$0xFFFFFFA0]  }
0x1db: {  	[tilespmem:s19+$0xFFFFFF40] =	vst v1;
	v1 =	vmul.f32 v11, v3;
	v11 =	vld [tilespmem:s19+$0xFFFFFFB0]  }
0x1dc: {  	[tilespmem:s19+$0xFFFFFF50] =	vst v4;
	v3 =	vmul.f32 v8, v3;
	v4 =	vld [tilespmem:s19+$0xFFFFFFC0]  }
0x1dd: {  	[tilespmem:s19+$0xFFFFFF60] =	vst v1;
	v1 =	vmul.f32 v10, v6;
	v8 =	vld [tilespmem:s19+$0xFFFFFFD0]  }
0x1de: {  	v2 =	vmul.f32 v2, v6;
	[tilespmem:s19+$0xFFFFFF70] =	vst v3;
	v3 =	vld [tilespmem:s19+$0xFFFFFFE0]  }
0x1df: {  	[tilespmem:s19+$0xFFFFFF80] =	vst v1;
	v1 =	vmul.f32 v9, v6;
	v9 =	vld [tilespmem:s19+$0xFFFFFFF0]  }
0x1e0: {  	v10 =	vld [tilespmem:s19+$0x0];
	[tilespmem:s19+$0xFFFFFF90] =	vst v2;
	v2 =	vmul.f32 v11, v6  }
0x1e1: {  	[tilespmem:s19+$0xFFFFFFA0] =	vst v1;
	v1 =	vmul.f32 v4, v6;
	v4 =	vld [tilespmem:s19+$0x10]  }
0x1e2: {  	[tilespmem:s19+$0xFFFFFFB0] =	vst v2;
	v2 =	vmul.f32 v8, v6;
	v8 =	vld [tilespmem:s19+$0x20]  }
0x1e3: {  	[tilespmem:s19+$0xFFFFFFC0] =	vst v1;
	v1 =	vmul.f32 v3, v6;
	v3 =	vld [tilespmem:s19+$0x30]  }
0x1e4: {  	[tilespmem:s19+$0xFFFFFFD0] =	vst v2;
	v2 =	vmul.f32 v9, v6;
	v6 =	vld [tilespmem:s19+$0x40]  }
0x1e5: {  	v9 =	vld [tilespmem:s19+$0x50];
	[tilespmem:s19+$0xFFFFFFE0] =	vst v1;
	v1 =	vmul.f32 v10, v7  }
0x1e6: {  	[tilespmem:s19+$0xFFFFFFF0] =	vst v2;
	v2 =	vmul.f32 v4, v7;
	v4 =	vld [tilespmem:s19+$0x60]  }
0x1e7: {  	[tilespmem:s19+$0x0] =	vst v1;
	v1 =	vmul.f32 v8, v7;
	v8 =	vld [tilespmem:s19+$0x80]  }
0x1e8: {  	[tilespmem:s19+$0x10] =	vst v2;
	v2 =	vmul.f32 v3, v7;
	v3 =	vld [tilespmem:s19+$0x90]  }
0x1e9: {  	[tilespmem:s19+$0x20] =	vst v1;
	v1 =	vmul.f32 v6, v7;
	v6 =	vld [tilespmem:s19+$0xA0]  }
0x1ea: {  	[tilespmem:s19+$0x30] =	vst v2;
	v2 =	vmul.f32 v9, v7;
	v9 =	vld [tilespmem:s19+$0xB0]  }
0x1eb: {  	[tilespmem:s19+$0x40] =	vst v1;
	v1 =	vmul.f32 v4, v7;
	v4 =	vld [tilespmem:s19+$0xC0]  }
0x1ec: {  	v7 =	vld [tilespmem:s19+$0xD0];
	[tilespmem:s19+$0x50] =	vst v2;
	v2 =	vmul.f32 v8, v5  }
0x1ed: {  	[tilespmem:s19+$0x60] =	vst v1;
	v1 =	vmul.f32 v3, v5;
	v3 =	vld [tilespmem:s19+$0xE0]  }
0x1ee: {  	[tilespmem:s19+$0x80] =	vst v2;
	v2 =	vmul.f32 v6, v5;
	v6 =	vld [tilespmem:s19+$0xF0]  }
0x1ef: {  	[tilespmem:s19+$0x90] =	vst v1;
	v1 =	vmul.f32 v9, v5  }
0x1f0: {  	[tilespmem:s19+$0xA0] =	vst v2;
	v2 =	vmul.f32 v4, v5  }
0x1f1: {  	[tilespmem:s19+$0xB0] =	vst v1;
	v1 =	vmul.f32 v7, v5  }
0x1f2: {  	[tilespmem:s19+$0xC0] =	vst v2;
	v2 =	vmul.f32 v3, v5  }
0x1f3: {  	[tilespmem:s19+$0xD0] =	vst v1;
	v1 =	vmul.f32 v6, v5  }
0x1f4: {  	[tilespmem:s19+$0xE0] =	vst v2  }
0x1f5: {  	s23 =	simm.s32 $0x2800;
	[tilespmem:s19+$0xF0] =	vst v1  }
0x1f6: {  	[spmem:s30] =	stream.indirect.scatter.add.f32 [tilespmem:s23], [sflag:$0x5], $0x80, s18, s28, $0xb8;
	[tilespmem:$0x1BCF8] =	vst v63  }
0x1f7: {  	_ = 	snop  }
0x1f8: {  	[spmem:s12] =	stream.indirect.scatter.add.f32 [tilespmem:s20], [sflag:$0x5], $0x1, s18, s28, $0xb8;
	[tilespmem:$0x1BCF8] =	vst v63  }
0x1f9: {  	_ =	swait.ge [sflag:s21], $0x2800  }
0x1fa: {  	[sflag:s21] =	ssyncset.done $0x0  }
0x1fb: {  	[sflag:s21] =	ssyncadd.s32 $0xFFFFD800  }
0x1fc: {  	s6 =	smul.u32 $0xF0, s5;
	_ =	swait.ge [sflag:s21], $0x50  }
0x1fd: {  	s3 =	rddreg [dreg:$0x1c]  }
0x1fe: {  	[sflag:s21] =	ssyncset.done $0x0;
	s0 =	sadd.s32 s6, s3  }
0x1ff: {  	[sflag:s21] =	ssyncadd.s32 $0xFFFFFFB0;
	s0 =	sshrl.u32 s0, $0x3  }
0x200: {  	s19 =	simm.s32 $0x0;
	s3 =	rddreg [dreg:$0x1];
	s4 =	sadd.s32 s17, s0  }
0x201: {  	[tilespmem:s10], [sflag:$0x7] =	stream.linear.gather [hbm4b:s4+s19], $0x50, $0x38;
	[tilespmem:$0x1BCF8] =	vst v63  }
0x202: {  	s0 =	sadd.s32 s3, s0  }
0x203: {  	[tilespmem:s11], [sflag:$0x7] =	stream.linear.gather [hbm4b:s0+s19], $0x50, $0x38;
	[tilespmem:$0x1BCF8] =	vst v63  }
0x204: {  	_ =	swait.ge [sflag:s9], $0x50  }
0x205: {  	[sflag:s9] =	ssyncset.done $0x0  }
0x206: {  	[sflag:s9] =	ssyncadd.s32 $0xFFFFFFB0  }
0x207: {  	_ =	swait.ge [sflag:s9], $0x50  }
0x208: {  	[sflag:s9] =	ssyncset.done $0x0  }
0x209: {  	[sflag:s9] =	ssyncadd.s32 $0xFFFFFFB0  }
0x20a: {  	[tilespmem:s19], [sflag:$0x1] =	stream.indirect.gather [hbm4b:s14+s28], $0x80, s10, s28, $0xb8;
	[tilespmem:$0x1BCF8] =	vst v63  }
0x20b: {  	s4 =	simm.s32 $0x7800  }
0x20c: {  	[tilespmem:s4], [sflag:$0x7] =	stream.indirect.gather [hbm4b:s15+s28], $0x1, s10, s28, $0xb8;
	[tilespmem:$0x1BCF8] =	vst v63  }
0x20d: {  	s23 =	simm.s32 $0x7980  }
0x20e: {  	[tilespmem:s23], [sflag:$0x7] =	stream.indirect.gather [hbm4b:s16+s28], $0x1, s11, s28, $0xb8;
	[tilespmem:$0x1BCF8] =	vst v63  }
0x20f: {  	_ =	swait.ge [sflag:s29], $0x50  }
0x210: {  	[sflag:s29] =	ssyncset.done $0x0  }
0x211: {  	[sflag:s29] =	ssyncadd.s32 $0xFFFFFFB0  }
0x212: {  	_ =	swait.ge [sflag:s29], $0x50  }
0x213: {  	[sflag:s29] =	ssyncset.done $0x0  }
0x214: {  	[sflag:s29] =	ssyncadd.s32 $0xFFFFFFB0  }
0x215: {  	v1 =	vld [tilespmem:$0x7900]  }
0x216: {  	v2 =	vld [tilespmem:$0x7A80]  }
0x217: {  	v3 =	vld [tilespmem:$0x7910]  }
0x218: {  	v4 =	vld [tilespmem:$0x7A90]  }
0x219: {  	v5 =	vld [tilespmem:$0x7920]  }
0x21a: {  	v6 =	vld [tilespmem:$0x7AA0]  }
0x21b: {  	v7 =	vld [tilespmem:$0x7AB0];
	v1 =	vadd.f32 v2, v1  }
0x21c: {  	v9 =	vld [tilespmem:$0x7940]  }
0x21d: {  	v2 =	vld [tilespmem:$0x7930];
	v8 =	vmul.f32 $9.999999770e-03, v1  }
0x21e: {  	v10 =	vld [tilespmem:$0x7AC0];
	vm0 =	vge.f32 v1, $0.0e+00  }
0x21f: {  	v3 =	vadd.f32 v4, v3;
	v1 =	vsel vm0, v1, v8  }
0x220: {  	v1 =	vmul.f32 $1.442695020e+00, v1  }
0x221: {  	v5 =	vadd.f32 v6, v5;
	v4 =	vmul.f32 $9.999999770e-03, v3  }
0x222: {  	vm12 =	vge.f32 v3, $0.0e+00;
	(erf) = vpow2.f32 v1;
	v1 =	vadd.f32 v7, v2  }
0x223: {  	v2 =	vsel vm12, v3, v4;
	v3 =	vmul.f32 $9.999999770e-03, v5;
	v4 =	vadd.f32 v10, v9  }
0x224: {  	vm13 =	vge.f32 v5, $0.0e+00;
	v2 =	vmul.f32 $1.442695020e+00, v2;
	v6 =	vmul.f32 $9.999999770e-03, v1  }
0x225: {  	v3 =	vsel vm13, v5, v3;
	vm14 =	vge.f32 v1, $0.0e+00;
	v5 =	vmul.f32 $9.999999770e-03, v4  }
0x226: {  	vm15 =	vge.f32 v4, $0.0e+00;
	v3 =	vmul.f32 $1.442695020e+00, v3;
	v1 =	vsel vm14, v1, v6  }
0x227: {  	(erf) = vpow2.f32 v2;
	v2 =	vsel vm15, v4, v5;
	v1 =	vmul.f32 $1.442695020e+00, v1  }
0x228: {  	(erf) = vpow2.f32 v3;
	v2 =	vmul.f32 $1.442695020e+00, v2  }
0x229: {  	(erf) = vpow2.f32 v1  }
0x22a: {  	(erf) = vpow2.f32 v2;
	_ =	sdelay $0x4  }
0x22b: {  	v1 =	vpop (erf)  }
0x22c: {  	s3 =	simm.s32 $0x2;
	[tilespmem:$0x7C00] =	vst v1;
	v1 =	vmov s19;
	v2 =	vpop (erf)  }
0x22d: {  	v1 =	vand.u32 $0xFFFFFFFC, v1;
	[tilespmem:$0x7C10] =	vst v2;
	v2 =	vmov s3;
	v3 =	vpop (erf)  }
0x22e: {  	v1 =	vbroadcast v1, $0x0;
	v2 =	vand.u32 $0xFFFFFFFE, v2;
	[tilespmem:$0x7C20] =	vst v3;
	v4 =	vpop (erf)  }
0x22f: {  	v2 =	vbroadcast v2, $0x0;
	[tilespmem:$0x7C30] =	vst v4;
	v3 =	vpop (erf)  }
0x230: {  	[tilespmem:$0x7C40] =	vst v3  }
0x231: {  	_ =	swait.ge [sflag:s8], $0x2800  }
0x232: {  	[sflag:s8] =	ssyncset.done $0x0  }
0x233: {  	[sflag:s8] =	ssyncadd.s32 $0xFFFFD800  }
0x234: {  	v1 =	vld.idx.msk [tilespmem:v1+s24+$0x0], $0xffff  }
0x235: {  	s23 =	simm.s32 $0x5100;
	v2 =	vld.idx.msk [tilespmem:v2+s24+$0x0], $0xffff  }
0x236: {  	s4 =	simm.s32 $0x1;
	v4 =	vld [tilespmem:s23+$0x70]  }
0x237: {  	v3 =	vmov s4;
	v5 =	vld [tilespmem:s23+$0xFFFFFF00]  }
0x238: {  	v3 =	vand.u32 $0xFFFFFFFD, v3;
	v6 =	vld [tilespmem:s23+$0xFFFFFF10]  }
0x239: {  	v3 =	vbroadcast v3, $0x0;
	v7 =	vld [tilespmem:s23+$0xFFFFFF20]  }
0x23a: {  	v8 =	vld [tilespmem:s23+$0xFFFFFF30]  }
0x23b: {  	v9 =	vld [tilespmem:s23+$0xFFFFFF40]  }
0x23c: {  	v10 =	vld [tilespmem:s23+$0xFFFFFF50]  }
0x23d: {  	v11 =	vld [tilespmem:s23+$0xFFFFFF60];
	v5 =	vmul.f32 v5, v1  }
0x23e: {  	v13 =	vld [tilespmem:s23+$0x40];
	v4 =	vmul.f32 v4, v2  }
0x23f: {  	v3 =	vld.idx.msk [tilespmem:v3+s24+$0x0], $0xffff;
	[tilespmem:s23+$0xFFFFFF00] =	vst v5;
	v5 =	vmul.f32 v6, v1  }
0x240: {  	v6 =	vld [tilespmem:s23+$0xFFFFFF70];
	[tilespmem:s23+$0x70] =	vst v4;
	v4 =	vmul.f32 v7, v1  }
0x241: {  	v7 =	vld [tilespmem:s23+$0xFFFFFF80];
	[tilespmem:s23+$0xFFFFFF10] =	vst v5;
	v5 =	vmul.f32 v8, v1  }
0x242: {  	v8 =	vld [tilespmem:s23+$0xFFFFFF90];
	[tilespmem:s23+$0xFFFFFF20] =	vst v4;
	v4 =	vmul.f32 v9, v1  }
0x243: {  	v9 =	vld [tilespmem:s23+$0xFFFFFFA0];
	[tilespmem:s23+$0xFFFFFF30] =	vst v5;
	v5 =	vmul.f32 v10, v1  }
0x244: {  	v10 =	vld [tilespmem:s23+$0xFFFFFFB0];
	[tilespmem:s23+$0xFFFFFF40] =	vst v4;
	v4 =	vmul.f32 v11, v1  }
0x245: {  	v11 =	vld [tilespmem:s23+$0xFFFFFFC0];
	v6 =	vmul.f32 v6, v1;
	[tilespmem:s23+$0xFFFFFF50] =	vst v5  }
0x246: {  	v5 =	vmul.f32 v7, v3;
	v7 =	vld [tilespmem:s23+$0xFFFFFFD0];
	[tilespmem:s23+$0xFFFFFF60] =	vst v4  }
0x247: {  	s19 =	simm.s32 $0x3;
	v4 =	vld [tilespmem:s23+$0xFFFFFFE0];
	v8 =	vmul.f32 v8, v3;
	[tilespmem:s23+$0xFFFFFF70] =	vst v6  }
0x248: {  	v12 =	vmov s19;
	v6 =	vld [tilespmem:s23+$0xFFFFFFF0];
	[tilespmem:s23+$0xFFFFFF80] =	vst v5;
	v5 =	vmul.f32 v9, v3  }
0x249: {  	v9 =	vld [tilespmem:s23+$0x0];
	[tilespmem:s23+$0xFFFFFF90] =	vst v8;
	v8 =	vmul.f32 v10, v3  }
0x24a: {  	v10 =	vld [tilespmem:s23+$0x10];
	[tilespmem:s23+$0xFFFFFFA0] =	vst v5;
	v5 =	vmul.f32 v11, v3  }
0x24b: {  	[tilespmem:s23+$0xFFFFFFB0] =	vst v8;
	v7 =	vmul.f32 v7, v3;
	v8 =	vld [tilespmem:s23+$0x20]  }
0x24c: {  	v11 =	vld [tilespmem:s23+$0x30];
	v4 =	vmul.f32 v4, v3;
	[tilespmem:s23+$0xFFFFFFC0] =	vst v5  }
0x24d: {  	v1 =	vld.idx.msk [tilespmem:v12+s24+$0x0], $0xffff;
	v3 =	vmul.f32 v6, v3;
	[tilespmem:s23+$0xFFFFFFD0] =	vst v7  }
0x24e: {  	[tilespmem:s23+$0xFFFFFFE0] =	vst v4;
	v5 =	vmul.f32 v9, v2;
	v4 =	vld [tilespmem:s23+$0x50]  }
0x24f: {  	s3 =	simm.s32 $0x4;
	[tilespmem:s23+$0xFFFFFFF0] =	vst v3;
	v6 =	vmul.f32 v10, v2;
	v3 =	vld [tilespmem:s23+$0x60]  }
0x250: {  	s4 =	simm.s32 $0x7;
	v7 =	vmov s3;
	[tilespmem:s23+$0x0] =	vst v5;
	v9 =	vmul.f32 v8, v2;
	v8 =	vld [tilespmem:s23+$0x80]  }
0x251: {  	s19 =	simm.s32 $0x5;
	v12 =	vand.u32 $0xFFFFFFFC, v7;
	v7 =	vld [tilespmem:s23+$0x90];
	v5 =	vmov s4;
	v10 =	vmul.f32 v11, v2;
	[tilespmem:s23+$0x10] =	vst v6  }
0x252: {  	s0 =	simm.s32 $0x8;
	s4 =	simm.s32 $0x6;
	v11 =	vmul.f32 v13, v2;
	v6 =	vbroadcast v12, $0x0;
	v12 =	vmov s19;
	s19 =	simm.s32 $0x5100;
	[tilespmem:s23+$0x20] =	vst v9;
	v9 =	vld [tilespmem:s23+$0xA0]  }
.LBB2_9:
0x253: {  	p0 =	slt.u32 s0, $0x4C;
	v12 =	vand.u32 $0xFFFFFFFD, v12;
	v13 =	vmov s4;
	[tilespmem:s23+$0x30] =	vst v10;
	v4 =	vmul.f32 v4, v2;
	v10 =	vld [tilespmem:s23+$0xB0]  }
0x254: {  	v12 =	vbroadcast v12, $0x0;
	v13 =	vand.u32 $0xFFFFFFFE, v13;
	[tilespmem:s23+$0x40] =	vst v11;
	v2 =	vmul.f32 v3, v2;
	v3 =	vld [tilespmem:s23+$0xC0]  }
0x255: {  	v11 =	vbroadcast v13, $0x0;
	[tilespmem:s23+$0x50] =	vst v4;
	v4 =	vmul.f32 v8, v1;
	v8 =	vld [tilespmem:s23+$0xD0]  }
0x256: {  	[tilespmem:s23+$0x60] =	vst v2;
	v2 =	vmul.f32 v7, v1;
	v7 =	vld [tilespmem:s23+$0xE0]  }
0x257: {  	[tilespmem:s23+$0x80] =	vst v4;
	v4 =	vmul.f32 v9, v1;
	v9 =	vld [tilespmem:s23+$0xF0]  }
0x258: {  	v5 =	vld.idx.msk [tilespmem:v5+s24+$0x0], $0xffff;
	[tilespmem:s23+$0x90] =	vst v2;
	v2 =	vmul.f32 v10, v1  }
0x259: {  	v6 =	vld.idx.msk [tilespmem:v6+s24+$0x0], $0xffff;
	[tilespmem:s23+$0xA0] =	vst v4;
	v3 =	vmul.f32 v3, v1  }
0x25a: {  	v4 =	vld.idx.msk [tilespmem:v12+s24+$0x0], $0xffff;
	[tilespmem:s23+$0xB0] =	vst v2;
	v8 =	vmul.f32 v8, v1  }
0x25b: {  	s23 =	sadd.s32 $0x200, s23;
	v2 =	vld.idx.msk [tilespmem:v11+s24+$0x0], $0xffff;
	[tilespmem:s19+$0xC0] =	vst v3;
	v3 =	vmul.f32 v7, v1  }
0x25c: {  	v7 =	vld [tilespmem:s23+$0x70];
	[tilespmem:s19+$0xD0] =	vst v8;
	v9 =	vmul.f32 v9, v1  }
0x25d: {  	v8 =	vld [tilespmem:s23+$0xFFFFFF00];
	[tilespmem:s19+$0xE0] =	vst v3  }
0x25e: {  	v1 =	vmov v5;
	v3 =	vld [tilespmem:s23+$0xFFFFFF10];
	[tilespmem:s19+$0xF0] =	vst v9;
	s19 =	smov.u32 s23  }
0x25f: {  	v5 =	vld [tilespmem:s23+$0xFFFFFF20]  }
0x260: {  	v9 =	vld [tilespmem:s23+$0xFFFFFF30]  }
0x261: {  	v10 =	vld [tilespmem:s23+$0xFFFFFF40];
	v7 =	vmul.f32 v7, v2  }
0x262: {  	v8 =	vmul.f32 v8, v6;
	v11 =	vld [tilespmem:s23+$0xFFFFFF50]  }
0x263: {  	v3 =	vmul.f32 v3, v6;
	v12 =	vld [tilespmem:s23+$0xFFFFFF60];
	[tilespmem:s23+$0x70] =	vst v7  }
0x264: {  	[tilespmem:s23+$0xFFFFFF00] =	vst v8;
	v5 =	vmul.f32 v5, v6;
	v7 =	vld [tilespmem:s23+$0xFFFFFF70]  }
0x265: {  	[tilespmem:s23+$0xFFFFFF10] =	vst v3;
	v3 =	vmul.f32 v9, v6;
	v8 =	vld [tilespmem:s23+$0xFFFFFF80]  }
0x266: {  	[tilespmem:s23+$0xFFFFFF20] =	vst v5;
	v5 =	vmul.f32 v10, v6;
	v9 =	vld [tilespmem:s23+$0xFFFFFF90]  }
0x267: {  	[tilespmem:s23+$0xFFFFFF30] =	vst v3;
	v3 =	vmul.f32 v11, v6;
	v10 =	vld [tilespmem:s23+$0xFFFFFFA0]  }
0x268: {  	[tilespmem:s23+$0xFFFFFF40] =	vst v5;
	v5 =	vmul.f32 v12, v6;
	v11 =	vld [tilespmem:s23+$0xFFFFFFB0]  }
0x269: {  	[tilespmem:s23+$0xFFFFFF50] =	vst v3;
	v3 =	vmul.f32 v7, v6;
	v6 =	vld [tilespmem:s23+$0xFFFFFFC0]  }
0x26a: {  	[tilespmem:s23+$0xFFFFFF60] =	vst v5;
	v5 =	vmul.f32 v8, v4;
	v7 =	vld [tilespmem:s23+$0xFFFFFFD0]  }
0x26b: {  	[tilespmem:s23+$0xFFFFFF70] =	vst v3;
	v3 =	vmul.f32 v9, v4;
	v8 =	vld [tilespmem:s23+$0xFFFFFFE0]  }
0x26c: {  	[tilespmem:s23+$0xFFFFFF80] =	vst v5;
	v5 =	vmul.f32 v10, v4;
	v9 =	vld [tilespmem:s23+$0xFFFFFFF0]  }
0x26d: {  	[tilespmem:s23+$0xFFFFFF90] =	vst v3;
	v3 =	vmul.f32 v11, v4;
	v10 =	vld [tilespmem:s23+$0x0]  }
0x26e: {  	[tilespmem:s23+$0xFFFFFFA0] =	vst v5;
	v5 =	vmul.f32 v6, v4;
	v6 =	vld [tilespmem:s23+$0x10]  }
0x26f: {  	[tilespmem:s23+$0xFFFFFFB0] =	vst v3;
	v3 =	vmul.f32 v7, v4;
	v7 =	vld [tilespmem:s23+$0x20]  }
0x270: {  	[tilespmem:s23+$0xFFFFFFC0] =	vst v5;
	v5 =	vmul.f32 v8, v4;
	v11 =	vld [tilespmem:s23+$0x30]  }
0x271: {  	[tilespmem:s23+$0xFFFFFFD0] =	vst v3;
	v3 =	vmul.f32 v9, v4;
	v9 =	vld [tilespmem:s23+$0x40]  }
.Ltmp3:
0x272: {  	[tilespmem:s23+$0xFFFFFFE0] =	vst v5;
	v5 =	vmul.f32 v10, v2;
	v4 =	vld [tilespmem:s23+$0x50];
	(pc) =	sbr.rel @p0 .LBB2_9-.Ltmp3, $4  }
0x273: {  	[tilespmem:s23+$0xFFFFFFF0] =	vst v3;
	v6 =	vmul.f32 v6, v2;
	v3 =	vld [tilespmem:s23+$0x60]  }
0x274: {  	s4 =	sadd.s32 $0x3, s0;
	v10 =	vmov s0;
	[tilespmem:s23+$0x0] =	vst v5;
	v13 =	vmul.f32 v7, v2;
	v8 =	vld [tilespmem:s23+$0x80]  }
0x275: {  	s3 =	sadd.s32 $0x1, s0;
	v12 =	vand.u32 $0xFFFFFFFC, v10;
	v5 =	vmov s4;
	[tilespmem:s23+$0x10] =	vst v6;
	v10 =	vmul.f32 v11, v2;
	v7 =	vld [tilespmem:s23+$0x90]  }
0x276: {  	s4 =	sadd.s32 $0x2, s0;
	s0 =	sadd.s32 $0x4, s0;
	v6 =	vbroadcast v12, $0x0;
	v12 =	vmov s3;
	[tilespmem:s23+$0x20] =	vst v13;
	v11 =	vmul.f32 v9, v2;
	v9 =	vld [tilespmem:s23+$0xA0]  }
0x277: {  	v13 =	vld [tilespmem:s23+$0xB0]  }
0x278: {  	v15 =	vld [tilespmem:s23+$0xC0]  }
0x279: {  	v14 =	vmov s4;
	v16 =	vld [tilespmem:s23+$0xD0]  }
0x27a: {  	v17 =	vld [tilespmem:s23+$0xE0];
	[tilespmem:s23+$0x30] =	vst v10;
	v4 =	vmul.f32 v4, v2;
	v14 =	vand.u32 $0xFFFFFFFE, v14  }
0x27b: {  	v12 =	vand.u32 $0xFFFFFFFD, v12;
	v5 =	vld.idx.msk [tilespmem:v5+s24+$0x0], $0xffff;
	[tilespmem:s23+$0x40] =	vst v11;
	v2 =	vmul.f32 v3, v2;
	v14 =	vbroadcast v14, $0x0  }
0x27c: {  	s0 =	sadd.s32 $0x200, s23;
	v12 =	vbroadcast v12, $0x0;
	v3 =	vld.idx.msk [tilespmem:v6+s24+$0x0], $0xffff;
	v8 =	vmul.f32 v8, v1;
	[tilespmem:s23+$0x50] =	vst v4  }
0x27d: {  	v10 =	vld [tilespmem:s0+$0xFFFFFF00];
	v4 =	vmul.f32 v7, v1;
	[tilespmem:s23+$0x60] =	vst v2  }
0x27e: {  	[tilespmem:s23+$0x80] =	vst v8;
	v8 =	vld [tilespmem:s23+$0xF0];
	v2 =	vmul.f32 v9, v1  }
0x27f: {  	v11 =	vld [tilespmem:s0+$0xFFFFFF10];
	[tilespmem:s23+$0x90] =	vst v4;
	v4 =	vmul.f32 v13, v1  }
0x280: {  	v9 =	vld [tilespmem:s0+$0x70];
	[tilespmem:s23+$0xA0] =	vst v2;
	v2 =	vmul.f32 v15, v1  }
0x281: {  	[tilespmem:s23+$0xB0] =	vst v4;
	v4 =	vmul.f32 v16, v1;
	v7 =	vld.idx.msk [tilespmem:v14+s24+$0x0], $0xffff  }
0x282: {  	v6 =	vld.idx.msk [tilespmem:v12+s24+$0x0], $0xffff;
	[tilespmem:s19+$0xC0] =	vst v2;
	v2 =	vmul.f32 v17, v1  }
0x283: {  	v12 =	vld [tilespmem:s0+$0xFFFFFF20];
	[tilespmem:s19+$0xD0] =	vst v4;
	v1 =	vmul.f32 v8, v1  }
0x284: {  	v4 =	vld [tilespmem:s0+$0xFFFFFF30];
	[tilespmem:s19+$0xE0] =	vst v2  }
0x285: {  	v2 =	vld [tilespmem:s0+$0xFFFFFF40];
	[tilespmem:s19+$0xF0] =	vst v1;
	v1 =	vmul.f32 v10, v3  }
0x286: {  	v8 =	vmul.f32 v9, v7;
	v9 =	vld [tilespmem:s0+$0xFFFFFF50]  }
0x287: {  	v10 =	vmul.f32 v11, v3;
	v11 =	vld [tilespmem:s0+$0xFFFFFF60];
	[tilespmem:s0+$0xFFFFFF00] =	vst v1  }
0x288: {  	v1 =	vmul.f32 v12, v3;
	[tilespmem:s0+$0x70] =	vst v8;
	v8 =	vld [tilespmem:s0+$0xFFFFFF70]  }
0x289: {  	[tilespmem:s0+$0xFFFFFF10] =	vst v10;
	v10 =	vld [tilespmem:s0+$0xFFFFFF80];
	v4 =	vmul.f32 v4, v3  }
0x28a: {  	[tilespmem:s0+$0xFFFFFF20] =	vst v1;
	v1 =	vmul.f32 v2, v3;
	v2 =	vld [tilespmem:s0+$0xFFFFFF90]  }
0x28b: {  	[tilespmem:s0+$0xFFFFFF30] =	vst v4;
	v4 =	vmul.f32 v9, v3;
	v9 =	vld [tilespmem:s0+$0xFFFFFFA0]  }
0x28c: {  	[tilespmem:s0+$0xFFFFFF40] =	vst v1;
	v1 =	vmul.f32 v11, v3;
	v11 =	vld [tilespmem:s0+$0xFFFFFFB0]  }
0x28d: {  	[tilespmem:s0+$0xFFFFFF50] =	vst v4;
	v3 =	vmul.f32 v8, v3;
	v4 =	vld [tilespmem:s0+$0xFFFFFFC0]  }
0x28e: {  	[tilespmem:s0+$0xFFFFFF60] =	vst v1;
	v1 =	vmul.f32 v10, v6;
	v8 =	vld [tilespmem:s0+$0xFFFFFFD0]  }
0x28f: {  	v2 =	vmul.f32 v2, v6;
	[tilespmem:s0+$0xFFFFFF70] =	vst v3;
	v3 =	vld [tilespmem:s0+$0xFFFFFFE0]  }
0x290: {  	[tilespmem:s0+$0xFFFFFF80] =	vst v1;
	v1 =	vmul.f32 v9, v6;
	v9 =	vld [tilespmem:s0+$0xFFFFFFF0]  }
0x291: {  	v10 =	vld [tilespmem:s0+$0x0];
	[tilespmem:s0+$0xFFFFFF90] =	vst v2;
	v2 =	vmul.f32 v11, v6  }
0x292: {  	[tilespmem:s0+$0xFFFFFFA0] =	vst v1;
	v1 =	vmul.f32 v4, v6;
	v4 =	vld [tilespmem:s0+$0x10]  }
0x293: {  	[tilespmem:s0+$0xFFFFFFB0] =	vst v2;
	v2 =	vmul.f32 v8, v6;
	v8 =	vld [tilespmem:s0+$0x20]  }
0x294: {  	[tilespmem:s0+$0xFFFFFFC0] =	vst v1;
	v1 =	vmul.f32 v3, v6;
	v3 =	vld [tilespmem:s0+$0x30]  }
0x295: {  	[tilespmem:s0+$0xFFFFFFD0] =	vst v2;
	v2 =	vmul.f32 v9, v6;
	v6 =	vld [tilespmem:s0+$0x40]  }
0x296: {  	v9 =	vld [tilespmem:s0+$0x50];
	[tilespmem:s0+$0xFFFFFFE0] =	vst v1;
	v1 =	vmul.f32 v10, v7  }
0x297: {  	[tilespmem:s0+$0xFFFFFFF0] =	vst v2;
	v2 =	vmul.f32 v4, v7;
	v4 =	vld [tilespmem:s0+$0x60]  }
0x298: {  	[tilespmem:s0+$0x0] =	vst v1;
	v1 =	vmul.f32 v8, v7;
	v8 =	vld [tilespmem:s0+$0x80]  }
0x299: {  	[tilespmem:s0+$0x10] =	vst v2;
	v2 =	vmul.f32 v3, v7;
	v3 =	vld [tilespmem:s0+$0x90]  }
0x29a: {  	[tilespmem:s0+$0x20] =	vst v1;
	v1 =	vmul.f32 v6, v7;
	v6 =	vld [tilespmem:s0+$0xA0]  }
0x29b: {  	[tilespmem:s0+$0x30] =	vst v2;
	v2 =	vmul.f32 v9, v7;
	v9 =	vld [tilespmem:s0+$0xB0]  }
0x29c: {  	[tilespmem:s0+$0x40] =	vst v1;
	v1 =	vmul.f32 v4, v7;
	v4 =	vld [tilespmem:s0+$0xC0]  }
0x29d: {  	v7 =	vld [tilespmem:s0+$0xD0];
	[tilespmem:s0+$0x50] =	vst v2;
	v2 =	vmul.f32 v8, v5  }
0x29e: {  	[tilespmem:s0+$0x60] =	vst v1;
	v1 =	vmul.f32 v3, v5;
	v3 =	vld [tilespmem:s0+$0xE0]  }
0x29f: {  	[tilespmem:s0+$0x80] =	vst v2;
	v2 =	vmul.f32 v6, v5;
	v6 =	vld [tilespmem:s0+$0xF0]  }
0x2a0: {  	[tilespmem:s0+$0x90] =	vst v1;
	v1 =	vmul.f32 v9, v5  }
0x2a1: {  	[tilespmem:s0+$0xA0] =	vst v2;
	v2 =	vmul.f32 v4, v5  }
0x2a2: {  	[tilespmem:s0+$0xB0] =	vst v1;
	v1 =	vmul.f32 v7, v5  }
0x2a3: {  	[tilespmem:s0+$0xC0] =	vst v2;
	v2 =	vmul.f32 v3, v5  }
0x2a4: {  	[tilespmem:s0+$0xD0] =	vst v1;
	v1 =	vmul.f32 v6, v5  }
0x2a5: {  	[tilespmem:s0+$0xE0] =	vst v2  }
0x2a6: {  	s4 =	simm.s32 $0x5000;
	[tilespmem:s0+$0xF0] =	vst v1  }
0x2a7: {  	[spmem:s30] =	stream.indirect.scatter.add.f32 [tilespmem:s4], [sflag:$0x6], $0x80, s31, s28, $0xb8;
	[tilespmem:$0x1BCF8] =	vst v63  }
0x2a8: {  	_ = 	snop  }
0x2a9: {  	[spmem:s12] =	stream.indirect.scatter.add.f32 [tilespmem:s24], [sflag:$0x6], $0x1, s31, s28, $0xb8;
	[tilespmem:$0x1BCF8] =	vst v63  }
0x2aa: {  	_ =	swait.ge [sflag:s25], $0x2800  }
0x2ab: {  	[sflag:s25] =	ssyncset.done $0x0  }
0x2ac: {  	[sflag:s25] =	ssyncadd.s32 $0xFFFFD800  }
0x2ad: {  	_ =	swait.ge [sflag:s25], $0x50  }
0x2ae: {  	s19 =	rddreg [dreg:$0x1d]  }
0x2af: {  	[sflag:s25] =	ssyncset.done $0x0;
	s0 =	sadd.s32 s6, s19  }
0x2b0: {  	[sflag:s25] =	ssyncadd.s32 $0xFFFFFFB0;
	s0 =	sshrl.u32 s0, $0x3  }
0x2b1: {  	s4 =	simm.s32 $0x0;
	s23 =	rddreg [dreg:$0x1];
	s3 =	sadd.s32 s17, s0  }
0x2b2: {  	[tilespmem:s13], [sflag:$0x8] =	stream.linear.gather [hbm4b:s3+s4], $0x50, $0x38;
	[tilespmem:$0x1BCF8] =	vst v63  }
0x2b3: {  	s0 =	sadd.s32 s23, s0  }
0x2b4: {  	[tilespmem:s18], [sflag:$0x8] =	stream.linear.gather [hbm4b:s0+s4], $0x50, $0x38;
	[tilespmem:$0x1BCF8] =	vst v63  }
0x2b5: {  	_ =	swait.ge [sflag:s22], $0x50  }
0x2b6: {  	[sflag:s22] =	ssyncset.done $0x0  }
0x2b7: {  	[sflag:s22] =	ssyncadd.s32 $0xFFFFFFB0  }
0x2b8: {  	_ =	swait.ge [sflag:s22], $0x50  }
0x2b9: {  	[sflag:s22] =	ssyncset.done $0x0  }
0x2ba: {  	s3 =	simm.s32 $0x2800;
	[sflag:s22] =	ssyncadd.s32 $0xFFFFFFB0  }
0x2bb: {  	[tilespmem:s3], [sflag:$0x2] =	stream.indirect.gather [hbm4b:s14+s28], $0x80, s13, s28, $0xb8;
	[tilespmem:$0x1BCF8] =	vst v63  }
0x2bc: {  	s19 =	simm.s32 $0x7880  }
0x2bd: {  	[tilespmem:s19], [sflag:$0x8] =	stream.indirect.gather [hbm4b:s15+s28], $0x1, s13, s28, $0xb8;
	[tilespmem:$0x1BCF8] =	vst v63  }
0x2be: {  	s23 =	simm.s32 $0x7A00  }
0x2bf: {  	[tilespmem:s23], [sflag:$0x8] =	stream.indirect.gather [hbm4b:s16+s28], $0x1, s18, s28, $0xb8;
	[tilespmem:$0x1BCF8] =	vst v63  }
0x2c0: {  	_ =	swait.ge [sflag:s9], $0x50  }
0x2c1: {  	[sflag:s9] =	ssyncset.done $0x0  }
0x2c2: {  	[sflag:s9] =	ssyncadd.s32 $0xFFFFFFB0  }
0x2c3: {  	_ =	swait.ge [sflag:s9], $0x50  }
0x2c4: {  	[sflag:s9] =	ssyncset.done $0x0  }
0x2c5: {  	[sflag:s9] =	ssyncadd.s32 $0xFFFFFFB0  }
0x2c6: {  	v1 =	vld [tilespmem:$0x7800]  }
0x2c7: {  	v2 =	vld [tilespmem:$0x7980]  }
0x2c8: {  	v3 =	vld [tilespmem:$0x7810]  }
0x2c9: {  	v4 =	vld [tilespmem:$0x7990]  }
0x2ca: {  	v5 =	vld [tilespmem:$0x7820]  }
0x2cb: {  	v6 =	vld [tilespmem:$0x79A0]  }
0x2cc: {  	v7 =	vld [tilespmem:$0x79B0];
	v1 =	vadd.f32 v2, v1  }
0x2cd: {  	v9 =	vld [tilespmem:$0x7840]  }
0x2ce: {  	v2 =	vld [tilespmem:$0x7830];
	v8 =	vmul.f32 $9.999999770e-03, v1  }
0x2cf: {  	v10 =	vld [tilespmem:$0x79C0];
	vm0 =	vge.f32 v1, $0.0e+00  }
0x2d0: {  	v3 =	vadd.f32 v4, v3;
	v1 =	vsel vm0, v1, v8  }
0x2d1: {  	v1 =	vmul.f32 $1.442695020e+00, v1  }
0x2d2: {  	v5 =	vadd.f32 v6, v5;
	v4 =	vmul.f32 $9.999999770e-03, v3  }
0x2d3: {  	vm12 =	vge.f32 v3, $0.0e+00;
	(erf) = vpow2.f32 v1;
	v1 =	vadd.f32 v7, v2  }
0x2d4: {  	v2 =	vsel vm12, v3, v4;
	v3 =	vmul.f32 $9.999999770e-03, v5;
	v4 =	vadd.f32 v10, v9  }
0x2d5: {  	vm13 =	vge.f32 v5, $0.0e+00;
	v2 =	vmul.f32 $1.442695020e+00, v2;
	v6 =	vmul.f32 $9.999999770e-03, v1  }
0x2d6: {  	v3 =	vsel vm13, v5, v3;
	vm14 =	vge.f32 v1, $0.0e+00;
	v5 =	vmul.f32 $9.999999770e-03, v4  }
0x2d7: {  	vm15 =	vge.f32 v4, $0.0e+00;
	v3 =	vmul.f32 $1.442695020e+00, v3;
	v1 =	vsel vm14, v1, v6  }
0x2d8: {  	(erf) = vpow2.f32 v2;
	v2 =	vsel vm15, v4, v5;
	v1 =	vmul.f32 $1.442695020e+00, v1  }
0x2d9: {  	(erf) = vpow2.f32 v3;
	v2 =	vmul.f32 $1.442695020e+00, v2  }
0x2da: {  	(erf) = vpow2.f32 v1  }
0x2db: {  	(erf) = vpow2.f32 v2;
	_ =	sdelay $0x4  }
0x2dc: {  	v1 =	vpop (erf)  }
0x2dd: {  	s3 =	simm.s32 $0x2;
	[tilespmem:$0x7B00] =	vst v1;
	v1 =	vmov s4;
	v2 =	vpop (erf)  }
0x2de: {  	v1 =	vand.u32 $0xFFFFFFFC, v1;
	[tilespmem:$0x7B10] =	vst v2;
	v2 =	vmov s3;
	v3 =	vpop (erf)  }
0x2df: {  	v1 =	vbroadcast v1, $0x0;
	v2 =	vand.u32 $0xFFFFFFFE, v2;
	[tilespmem:$0x7B20] =	vst v3;
	v4 =	vpop (erf)  }
0x2e0: {  	v2 =	vbroadcast v2, $0x0;
	[tilespmem:$0x7B30] =	vst v4;
	v3 =	vpop (erf)  }
0x2e1: {  	[tilespmem:$0x7B40] =	vst v3  }
0x2e2: {  	_ =	swait.ge [sflag:s1], $0x2800  }
0x2e3: {  	[sflag:s1] =	ssyncset.done $0x0  }
0x2e4: {  	[sflag:s1] =	ssyncadd.s32 $0xFFFFD800  }
0x2e5: {  	v1 =	vld.idx.msk [tilespmem:v1+s26+$0x0], $0xffff  }
0x2e6: {  	s23 =	simm.s32 $0x100;
	v2 =	vld.idx.msk [tilespmem:v2+s26+$0x0], $0xffff  }
0x2e7: {  	s4 =	simm.s32 $0x1;
	v4 =	vld [tilespmem:s23+$0x70]  }
0x2e8: {  	v3 =	vmov s4;
	v5 =	vld [tilespmem:s23+$0xFFFFFF00]  }
0x2e9: {  	v3 =	vand.u32 $0xFFFFFFFD, v3;
	v6 =	vld [tilespmem:s23+$0xFFFFFF10]  }
0x2ea: {  	v3 =	vbroadcast v3, $0x0;
	v7 =	vld [tilespmem:s23+$0xFFFFFF20]  }
0x2eb: {  	v8 =	vld [tilespmem:s23+$0xFFFFFF30]  }
0x2ec: {  	v9 =	vld [tilespmem:s23+$0xFFFFFF40]  }
0x2ed: {  	v10 =	vld [tilespmem:s23+$0xFFFFFF50]  }
0x2ee: {  	v11 =	vld [tilespmem:s23+$0xFFFFFF60];
	v5 =	vmul.f32 v5, v1  }
0x2ef: {  	v13 =	vld [tilespmem:s23+$0x40];
	v4 =	vmul.f32 v4, v2  }
0x2f0: {  	v3 =	vld.idx.msk [tilespmem:v3+s26+$0x0], $0xffff;
	[tilespmem:s23+$0xFFFFFF00] =	vst v5;
	v5 =	vmul.f32 v6, v1  }
0x2f1: {  	v6 =	vld [tilespmem:s23+$0xFFFFFF70];
	[tilespmem:s23+$0x70] =	vst v4;
	v4 =	vmul.f32 v7, v1  }
0x2f2: {  	v7 =	vld [tilespmem:s23+$0xFFFFFF80];
	[tilespmem:s23+$0xFFFFFF10] =	vst v5;
	v5 =	vmul.f32 v8, v1  }
0x2f3: {  	v8 =	vld [tilespmem:s23+$0xFFFFFF90];
	[tilespmem:s23+$0xFFFFFF20] =	vst v4;
	v4 =	vmul.f32 v9, v1  }
0x2f4: {  	v9 =	vld [tilespmem:s23+$0xFFFFFFA0];
	[tilespmem:s23+$0xFFFFFF30] =	vst v5;
	v5 =	vmul.f32 v10, v1  }
0x2f5: {  	v10 =	vld [tilespmem:s23+$0xFFFFFFB0];
	[tilespmem:s23+$0xFFFFFF40] =	vst v4;
	v4 =	vmul.f32 v11, v1  }
0x2f6: {  	v11 =	vld [tilespmem:s23+$0xFFFFFFC0];
	v6 =	vmul.f32 v6, v1;
	[tilespmem:s23+$0xFFFFFF50] =	vst v5  }
0x2f7: {  	v5 =	vmul.f32 v7, v3;
	v7 =	vld [tilespmem:s23+$0xFFFFFFD0];
	[tilespmem:s23+$0xFFFFFF60] =	vst v4  }
0x2f8: {  	s19 =	simm.s32 $0x3;
	v4 =	vld [tilespmem:s23+$0xFFFFFFE0];
	v8 =	vmul.f32 v8, v3;
	[tilespmem:s23+$0xFFFFFF70] =	vst v6  }
0x2f9: {  	v12 =	vmov s19;
	v6 =	vld [tilespmem:s23+$0xFFFFFFF0];
	[tilespmem:s23+$0xFFFFFF80] =	vst v5;
	v5 =	vmul.f32 v9, v3  }
0x2fa: {  	v9 =	vld [tilespmem:s23+$0x0];
	[tilespmem:s23+$0xFFFFFF90] =	vst v8;
	v8 =	vmul.f32 v10, v3  }
0x2fb: {  	v10 =	vld [tilespmem:s23+$0x10];
	[tilespmem:s23+$0xFFFFFFA0] =	vst v5;
	v5 =	vmul.f32 v11, v3  }
0x2fc: {  	[tilespmem:s23+$0xFFFFFFB0] =	vst v8;
	v7 =	vmul.f32 v7, v3;
	v8 =	vld [tilespmem:s23+$0x20]  }
0x2fd: {  	v11 =	vld [tilespmem:s23+$0x30];
	v4 =	vmul.f32 v4, v3;
	[tilespmem:s23+$0xFFFFFFC0] =	vst v5  }
0x2fe: {  	v1 =	vld.idx.msk [tilespmem:v12+s26+$0x0], $0xffff;
	v3 =	vmul.f32 v6, v3;
	[tilespmem:s23+$0xFFFFFFD0] =	vst v7  }
0x2ff: {  	[tilespmem:s23+$0xFFFFFFE0] =	vst v4;
	v5 =	vmul.f32 v9, v2;
	v4 =	vld [tilespmem:s23+$0x50]  }
0x300: {  	s3 =	simm.s32 $0x4;
	[tilespmem:s23+$0xFFFFFFF0] =	vst v3;
	v6 =	vmul.f32 v10, v2;
	v3 =	vld [tilespmem:s23+$0x60]  }
0x301: {  	s4 =	simm.s32 $0x7;
	v7 =	vmov s3;
	[tilespmem:s23+$0x0] =	vst v5;
	v9 =	vmul.f32 v8, v2;
	v8 =	vld [tilespmem:s23+$0x80]  }
0x302: {  	s19 =	simm.s32 $0x5;
	v12 =	vand.u32 $0xFFFFFFFC, v7;
	v7 =	vld [tilespmem:s23+$0x90];
	v5 =	vmov s4;
	v10 =	vmul.f32 v11, v2;
	[tilespmem:s23+$0x10] =	vst v6  }
0x303: {  	s0 =	simm.s32 $0x8;
	s4 =	simm.s32 $0x6;
	v11 =	vmul.f32 v13, v2;
	v6 =	vbroadcast v12, $0x0;
	v12 =	vmov s19;
	s19 =	simm.s32 $0x100;
	[tilespmem:s23+$0x20] =	vst v9;
	v9 =	vld [tilespmem:s23+$0xA0]  }
.LBB2_11:
0x304: {  	p0 =	slt.u32 s0, $0x4C;
	v12 =	vand.u32 $0xFFFFFFFD, v12;
	v13 =	vmov s4;
	[tilespmem:s23+$0x30] =	vst v10;
	v4 =	vmul.f32 v4, v2;
	v10 =	vld [tilespmem:s23+$0xB0]  }
0x305: {  	v12 =	vbroadcast v12, $0x0;
	v13 =	vand.u32 $0xFFFFFFFE, v13;
	[tilespmem:s23+$0x40] =	vst v11;
	v2 =	vmul.f32 v3, v2;
	v3 =	vld [tilespmem:s23+$0xC0]  }
0x306: {  	v11 =	vbroadcast v13, $0x0;
	[tilespmem:s23+$0x50] =	vst v4;
	v4 =	vmul.f32 v8, v1;
	v8 =	vld [tilespmem:s23+$0xD0]  }
0x307: {  	[tilespmem:s23+$0x60] =	vst v2;
	v2 =	vmul.f32 v7, v1;
	v7 =	vld [tilespmem:s23+$0xE0]  }
0x308: {  	[tilespmem:s23+$0x80] =	vst v4;
	v4 =	vmul.f32 v9, v1;
	v9 =	vld [tilespmem:s23+$0xF0]  }
0x309: {  	v5 =	vld.idx.msk [tilespmem:v5+s26+$0x0], $0xffff;
	[tilespmem:s23+$0x90] =	vst v2;
	v2 =	vmul.f32 v10, v1  }
0x30a: {  	v6 =	vld.idx.msk [tilespmem:v6+s26+$0x0], $0xffff;
	[tilespmem:s23+$0xA0] =	vst v4;
	v3 =	vmul.f32 v3, v1  }
0x30b: {  	v4 =	vld.idx.msk [tilespmem:v12+s26+$0x0], $0xffff;
	[tilespmem:s23+$0xB0] =	vst v2;
	v8 =	vmul.f32 v8, v1  }
0x30c: {  	s23 =	sadd.s32 $0x200, s23;
	v2 =	vld.idx.msk [tilespmem:v11+s26+$0x0], $0xffff;
	[tilespmem:s19+$0xC0] =	vst v3;
	v3 =	vmul.f32 v7, v1  }
0x30d: {  	v7 =	vld [tilespmem:s23+$0x70];
	[tilespmem:s19+$0xD0] =	vst v8;
	v9 =	vmul.f32 v9, v1  }
0x30e: {  	v8 =	vld [tilespmem:s23+$0xFFFFFF00];
	[tilespmem:s19+$0xE0] =	vst v3  }
0x30f: {  	v1 =	vmov v5;
	v3 =	vld [tilespmem:s23+$0xFFFFFF10];
	[tilespmem:s19+$0xF0] =	vst v9;
	s19 =	smov.u32 s23  }
0x310: {  	v5 =	vld [tilespmem:s23+$0xFFFFFF20]  }
0x311: {  	v9 =	vld [tilespmem:s23+$0xFFFFFF30]  }
0x312: {  	v10 =	vld [tilespmem:s23+$0xFFFFFF40];
	v7 =	vmul.f32 v7, v2  }
0x313: {  	v8 =	vmul.f32 v8, v6;
	v11 =	vld [tilespmem:s23+$0xFFFFFF50]  }
0x314: {  	v3 =	vmul.f32 v3, v6;
	v12 =	vld [tilespmem:s23+$0xFFFFFF60];
	[tilespmem:s23+$0x70] =	vst v7  }
0x315: {  	[tilespmem:s23+$0xFFFFFF00] =	vst v8;
	v5 =	vmul.f32 v5, v6;
	v7 =	vld [tilespmem:s23+$0xFFFFFF70]  }
0x316: {  	[tilespmem:s23+$0xFFFFFF10] =	vst v3;
	v3 =	vmul.f32 v9, v6;
	v8 =	vld [tilespmem:s23+$0xFFFFFF80]  }
0x317: {  	[tilespmem:s23+$0xFFFFFF20] =	vst v5;
	v5 =	vmul.f32 v10, v6;
	v9 =	vld [tilespmem:s23+$0xFFFFFF90]  }
0x318: {  	[tilespmem:s23+$0xFFFFFF30] =	vst v3;
	v3 =	vmul.f32 v11, v6;
	v10 =	vld [tilespmem:s23+$0xFFFFFFA0]  }
0x319: {  	[tilespmem:s23+$0xFFFFFF40] =	vst v5;
	v5 =	vmul.f32 v12, v6;
	v11 =	vld [tilespmem:s23+$0xFFFFFFB0]  }
0x31a: {  	[tilespmem:s23+$0xFFFFFF50] =	vst v3;
	v3 =	vmul.f32 v7, v6;
	v6 =	vld [tilespmem:s23+$0xFFFFFFC0]  }
0x31b: {  	[tilespmem:s23+$0xFFFFFF60] =	vst v5;
	v5 =	vmul.f32 v8, v4;
	v7 =	vld [tilespmem:s23+$0xFFFFFFD0]  }
0x31c: {  	[tilespmem:s23+$0xFFFFFF70] =	vst v3;
	v3 =	vmul.f32 v9, v4;
	v8 =	vld [tilespmem:s23+$0xFFFFFFE0]  }
0x31d: {  	[tilespmem:s23+$0xFFFFFF80] =	vst v5;
	v5 =	vmul.f32 v10, v4;
	v9 =	vld [tilespmem:s23+$0xFFFFFFF0]  }
0x31e: {  	[tilespmem:s23+$0xFFFFFF90] =	vst v3;
	v3 =	vmul.f32 v11, v4;
	v10 =	vld [tilespmem:s23+$0x0]  }
0x31f: {  	[tilespmem:s23+$0xFFFFFFA0] =	vst v5;
	v5 =	vmul.f32 v6, v4;
	v6 =	vld [tilespmem:s23+$0x10]  }
0x320: {  	[tilespmem:s23+$0xFFFFFFB0] =	vst v3;
	v3 =	vmul.f32 v7, v4;
	v7 =	vld [tilespmem:s23+$0x20]  }
0x321: {  	[tilespmem:s23+$0xFFFFFFC0] =	vst v5;
	v5 =	vmul.f32 v8, v4;
	v11 =	vld [tilespmem:s23+$0x30]  }
0x322: {  	[tilespmem:s23+$0xFFFFFFD0] =	vst v3;
	v3 =	vmul.f32 v9, v4;
	v9 =	vld [tilespmem:s23+$0x40]  }
.Ltmp4:
0x323: {  	[tilespmem:s23+$0xFFFFFFE0] =	vst v5;
	v5 =	vmul.f32 v10, v2;
	v4 =	vld [tilespmem:s23+$0x50];
	(pc) =	sbr.rel @p0 .LBB2_11-.Ltmp4, $4  }
0x324: {  	[tilespmem:s23+$0xFFFFFFF0] =	vst v3;
	v6 =	vmul.f32 v6, v2;
	v3 =	vld [tilespmem:s23+$0x60]  }
0x325: {  	s3 =	sadd.s32 $0x3, s0;
	v10 =	vmov s0;
	[tilespmem:s23+$0x0] =	vst v5;
	v13 =	vmul.f32 v7, v2;
	v8 =	vld [tilespmem:s23+$0x80]  }
0x326: {  	s4 =	sadd.s32 $0x1, s0;
	v12 =	vand.u32 $0xFFFFFFFC, v10;
	v5 =	vmov s3;
	[tilespmem:s23+$0x10] =	vst v6;
	v10 =	vmul.f32 v11, v2;
	v7 =	vld [tilespmem:s23+$0x90]  }
0x327: {  	v6 =	vbroadcast v12, $0x0;
	v12 =	vmov s4;
	s4 =	sadd.s32 $0x2, s0;
	s0 =	sadd.s32 $0x4, s0;
	[tilespmem:s23+$0x20] =	vst v13;
	v11 =	vmul.f32 v9, v2;
	v9 =	vld [tilespmem:s23+$0xA0]  }
0x328: {  	v13 =	vld [tilespmem:s23+$0xB0]  }
0x329: {  	v15 =	vld [tilespmem:s23+$0xC0]  }
0x32a: {  	v16 =	vld [tilespmem:s23+$0xD0]  }
0x32b: {  	v17 =	vld [tilespmem:s23+$0xE0]  }
0x32c: {  	v29 =	vld [tilespmem:s23+$0xF0];
	[tilespmem:s23+$0x30] =	vst v10;
	v4 =	vmul.f32 v4, v2  }
0x32d: {  	v5 =	vld.idx.msk [tilespmem:v5+s26+$0x0], $0xffff;
	[tilespmem:s23+$0x40] =	vst v11;
	v2 =	vmul.f32 v3, v2  }
0x32e: {  	s0 =	sadd.s32 $0x200, s23;
	v3 =	vld.idx.msk [tilespmem:v6+s26+$0x0], $0xffff;
	v8 =	vmul.f32 v8, v1;
	[tilespmem:s23+$0x50] =	vst v4  }
0x32f: {  	v14 =	vmov s4;
	v34 =	vld [tilespmem:s0+$0x70];
	v30 =	vmul.f32 v7, v1;
	[tilespmem:s23+$0x60] =	vst v2  }
0x330: {  	v14 =	vand.u32 $0xFFFFFFFE, v14;
	v35 =	vld [tilespmem:s0+$0xFFFFFF00];
	[tilespmem:s23+$0x80] =	vst v8;
	v2 =	vmul.f32 v9, v1  }
0x331: {  	v37 =	vld [tilespmem:s0+$0xFFFFFF10];
	v14 =	vbroadcast v14, $0x0;
	[tilespmem:s23+$0x90] =	vst v30;
	v33 =	vmul.f32 v13, v1  }
0x332: {  	v38 =	vld [tilespmem:s0+$0xFFFFFF20];
	[tilespmem:s23+$0xA0] =	vst v2;
	v2 =	vmul.f32 v15, v1  }
0x333: {  	v12 =	vand.u32 $0xFFFFFFFD, v12;
	v39 =	vld [tilespmem:s0+$0xFFFFFF30];
	v36 =	vmul.f32 v16, v1;
	[tilespmem:s23+$0xB0] =	vst v33  }
0x334: {  	v12 =	vbroadcast v12, $0x0;
	v41 =	vld [tilespmem:s0+$0xFFFFFF50];
	[tilespmem:s19+$0xC0] =	vst v2;
	v2 =	vmul.f32 v17, v1  }
0x335: {  	v43 =	vld [tilespmem:s0+$0xFFFFFF60];
	[tilespmem:s19+$0xD0] =	vst v36;
	v1 =	vmul.f32 v29, v1  }
0x336: {  	v42 =	vmul.f32 v37, v3;
	[tilespmem:s19+$0xE0] =	vst v2;
	v2 =	vld [tilespmem:s0+$0xFFFFFF40]  }
0x337: {  	v32 =	vld.idx.msk [tilespmem:v14+s26+$0x0], $0xffff;
	[tilespmem:s19+$0xF0] =	vst v1;
	v1 =	vmul.f32 v35, v3  }
0x338: {  	v44 =	vld [tilespmem:s0+$0xFFFFFF70];
	v4 =	vmul.f32 v39, v3;
	[tilespmem:s0+$0xFFFFFF10] =	vst v42  }
0x339: {  	v45 =	vld [tilespmem:s0+$0xFFFFFF80];
	[tilespmem:s0+$0xFFFFFF00] =	vst v1;
	v1 =	vmul.f32 v38, v3  }
0x33a: {  	v46 =	vmul.f32 v41, v3;
	v31 =	vld.idx.msk [tilespmem:v12+s26+$0x0], $0xffff;
	[tilespmem:s0+$0xFFFFFF30] =	vst v4  }
0x33b: {  	[tilespmem:s0+$0xFFFFFF20] =	vst v1;
	v1 =	vmul.f32 v2, v3;
	v2 =	vld [tilespmem:s0+$0xFFFFFF90]  }
0x33c: {  	v47 =	vld [tilespmem:s0+$0xFFFFFFA0];
	[tilespmem:s0+$0xFFFFFF50] =	vst v46;
	v40 =	vmul.f32 v34, v32  }
0x33d: {  	v48 =	vld [tilespmem:s0+$0xFFFFFFB0];
	[tilespmem:s0+$0xFFFFFF40] =	vst v1;
	v1 =	vmul.f32 v43, v3  }
0x33e: {  	v49 =	vld [tilespmem:s0+$0xFFFFFFC0];
	[tilespmem:s0+$0x70] =	vst v40;
	v3 =	vmul.f32 v44, v3  }
0x33f: {  	v50 =	vld [tilespmem:s0+$0xFFFFFFD0];
	[tilespmem:s0+$0xFFFFFF60] =	vst v1;
	v1 =	vmul.f32 v45, v31  }
0x340: {  	[tilespmem:s0+$0xFFFFFF70] =	vst v3;
	v3 =	vld [tilespmem:s0+$0xFFFFFFE0];
	v2 =	vmul.f32 v2, v31  }
0x341: {  	v51 =	vld [tilespmem:s0+$0xFFFFFFF0];
	[tilespmem:s0+$0xFFFFFF80] =	vst v1;
	v1 =	vmul.f32 v47, v31  }
0x342: {  	v52 =	vld [tilespmem:s0+$0x0];
	[tilespmem:s0+$0xFFFFFF90] =	vst v2;
	v2 =	vmul.f32 v48, v31  }
0x343: {  	v53 =	vld [tilespmem:s0+$0x10];
	[tilespmem:s0+$0xFFFFFFA0] =	vst v1;
	v1 =	vmul.f32 v49, v31  }
0x344: {  	v54 =	vld [tilespmem:s0+$0x20];
	[tilespmem:s0+$0xFFFFFFB0] =	vst v2;
	v2 =	vmul.f32 v50, v31  }
0x345: {  	[tilespmem:s0+$0xFFFFFFC0] =	vst v1;
	v1 =	vmul.f32 v3, v31;
	v3 =	vld [tilespmem:s0+$0x30]  }
0x346: {  	v55 =	vld [tilespmem:s0+$0x40];
	[tilespmem:s0+$0xFFFFFFD0] =	vst v2;
	v2 =	vmul.f32 v51, v31  }
0x347: {  	v56 =	vld [tilespmem:s0+$0x50];
	[tilespmem:s0+$0xFFFFFFE0] =	vst v1;
	v1 =	vmul.f32 v52, v32  }
0x348: {  	v57 =	vld [tilespmem:s0+$0x60];
	[tilespmem:s0+$0xFFFFFFF0] =	vst v2;
	v2 =	vmul.f32 v53, v32  }
0x349: {  	v58 =	vld [tilespmem:s0+$0x80];
	[tilespmem:s0+$0x0] =	vst v1;
	v1 =	vmul.f32 v54, v32  }
0x34a: {  	[tilespmem:s0+$0x10] =	vst v2;
	v2 =	vmul.f32 v3, v32;
	v3 =	vld [tilespmem:s0+$0x90]  }
0x34b: {  	v59 =	vld [tilespmem:s0+$0xA0];
	[tilespmem:s0+$0x20] =	vst v1;
	v1 =	vmul.f32 v55, v32  }
0x34c: {  	v60 =	vld [tilespmem:s0+$0xB0];
	[tilespmem:s0+$0x30] =	vst v2;
	v2 =	vmul.f32 v56, v32  }
0x34d: {  	v61 =	vld [tilespmem:s0+$0xC0];
	[tilespmem:s0+$0x40] =	vst v1;
	v1 =	vmul.f32 v57, v32  }
0x34e: {  	v62 =	vld [tilespmem:s0+$0xD0];
	[tilespmem:s0+$0x50] =	vst v2;
	v2 =	vmul.f32 v58, v5  }
0x34f: {  	[tilespmem:s0+$0x60] =	vst v1;
	v1 =	vmul.f32 v3, v5;
	v3 =	vld [tilespmem:s0+$0xE0]  }
0x350: {  	v63 =	vld [tilespmem:s0+$0xF0];
	[tilespmem:s0+$0x80] =	vst v2;
	v2 =	vmul.f32 v59, v5  }
0x351: {  	[tilespmem:s0+$0x90] =	vst v1;
	v1 =	vmul.f32 v60, v5  }
0x352: {  	[tilespmem:s0+$0xA0] =	vst v2;
	v2 =	vmul.f32 v61, v5  }
0x353: {  	[tilespmem:s0+$0xB0] =	vst v1;
	v1 =	vmul.f32 v62, v5  }
0x354: {  	[tilespmem:s0+$0xC0] =	vst v2;
	v2 =	vmul.f32 v3, v5  }
0x355: {  	[tilespmem:s0+$0xD0] =	vst v1;
	v1 =	vmul.f32 v63, v5  }
0x356: {  	[tilespmem:s0+$0xE0] =	vst v2  }
0x357: {  	s23 =	simm.s32 $0x0;
	[tilespmem:s0+$0xF0] =	vst v1  }
0x358: {  	[spmem:s30] =	stream.indirect.scatter.add.f32 [tilespmem:s23], [sflag:$0x4], $0x80, s11, s28, $0xb8;
	[tilespmem:$0x1BCF8] =	vst v63  }
0x359: {  	_ = 	snop  }
0x35a: {  	[spmem:s12] =	stream.indirect.scatter.add.f32 [tilespmem:s26], [sflag:$0x4], $0x1, s11, s28, $0xb8;
	[tilespmem:$0x1BCF8] =	vst v63  }
0x35b: {  	p0 =	seq.s32 s5, $0x28;
	_ =	swait.ge [sflag:s7], $0x2800  }
.Ltmp5:
0x35c: {  	[sflag:s7] =	ssyncset.done $0x0;
	(pc) =	sbr.rel @p0 .LBB2_14-.Ltmp5, $4  }
0x35d: {  	[sflag:s7] =	ssyncadd.s32 $0xFFFFD800  }
0x35e: {  	_ =	swait.ge [sflag:s7], $0x50  }
0x35f: {  	[sflag:s7] =	ssyncset.done $0x0  }
0x360: {  	[sflag:s7] =	ssyncadd.s32 $0xFFFFFFB0  }
0x361: {  	s0 =	rddreg [dreg:$0x1e]  }
0x362: {  	s0 =	sadd.s32 s6, s0  }
0x363: {  	s0 =	sshrl.u32 s0, $0x3  }
0x364: {  	s4 =	simm.s32 $0x7D80;
	s19 =	rddreg [dreg:$0x1];
	s3 =	sadd.s32 s17, s0  }
0x365: {  	[tilespmem:s4], [sflag:$0x9] =	stream.linear.gather [hbm4b:s3+s23], $0x50, $0x38;
	[tilespmem:$0x1BCF8] =	vst v63  }
0x366: {  	s0 =	sadd.s32 s19, s0  }
0x367: {  	[tilespmem:s31], [sflag:$0x9] =	stream.linear.gather [hbm4b:s0+s23], $0x50, $0x38;
	[tilespmem:$0x1BCF8] =	vst v63  }
0x368: {  	_ =	swait.ge [sflag:s29], $0x50  }
0x369: {  	[sflag:s29] =	ssyncset.done $0x0  }
0x36a: {  	[sflag:s29] =	ssyncadd.s32 $0xFFFFFFB0  }
0x36b: {  	_ =	swait.ge [sflag:s29], $0x50  }
0x36c: {  	[sflag:s29] =	ssyncset.done $0x0  }
0x36d: {  	s6 =	simm.s32 $0x5000;
	[sflag:s29] =	ssyncadd.s32 $0xFFFFFFB0  }
0x36e: {  	[tilespmem:s6], [sflag:$0x3] =	stream.indirect.gather [hbm4b:s14+s28], $0x80, s4, s28, $0xb8;
	[tilespmem:$0x1BCF8] =	vst v63  }
.Ltmp6:
0x36f: {  	_ = 	snop;
	(pc) =	sbr.rel .LBB2_6-.Ltmp6, $4  }
0x370: {  	s19 =	simm.s32 $0x7900  }
0x371: {  	[tilespmem:s19], [sflag:$0x9] =	stream.indirect.gather [hbm4b:s15+s28], $0x1, s4, s28, $0xb8;
	[tilespmem:$0x1BCF8] =	vst v63  }
0x372: {  	s5 =	sadd.s32 $0x1, s5;
	s23 =	simm.s32 $0x7A80  }
0x373: {  	[tilespmem:s23], [sflag:$0x9] =	stream.indirect.gather [hbm4b:s16+s28], $0x1, s31, s28, $0xb8;
	[tilespmem:$0x1BCF8] =	vst v63  }
.LBB2_14:
0x374: {  	_ =	swait.ge [sflag:s22], $0x50  }
0x375: {  	[sflag:s22] =	ssyncset.done $0x0  }
0x376: {  	[sflag:s22] =	ssyncadd.s32 $0xFFFFFFB0  }
0x377: {  	_ =	swait.ge [sflag:s22], $0x50  }
0x378: {  	[sflag:s22] =	ssyncset.done $0x0  }
0x379: {  	[sflag:s22] =	ssyncadd.s32 $0xFFFFFFB0  }
0x37a: {  	v1 =	vld [tilespmem:$0x7880]  }
0x37b: {  	v2 =	vld [tilespmem:$0x7A00]  }
0x37c: {  	v3 =	vld [tilespmem:$0x7890]  }
0x37d: {  	v4 =	vld [tilespmem:$0x7A10]  }
0x37e: {  	v5 =	vld [tilespmem:$0x78A0]  }
0x37f: {  	v6 =	vld [tilespmem:$0x7A20]  }
0x380: {  	v7 =	vld [tilespmem:$0x7A30];
	v1 =	vadd.f32 v2, v1  }
0x381: {  	v9 =	vld [tilespmem:$0x78C0]  }
0x382: {  	v2 =	vld [tilespmem:$0x78B0];
	v8 =	vmul.f32 $9.999999770e-03, v1  }
0x383: {  	v10 =	vld [tilespmem:$0x7A40];
	vm0 =	vge.f32 v1, $0.0e+00  }
0x384: {  	v3 =	vadd.f32 v4, v3;
	v1 =	vsel vm0, v1, v8  }
0x385: {  	v1 =	vmul.f32 $1.442695020e+00, v1  }
0x386: {  	v5 =	vadd.f32 v6, v5;
	v4 =	vmul.f32 $9.999999770e-03, v3  }
0x387: {  	vm12 =	vge.f32 v3, $0.0e+00;
	(erf) = vpow2.f32 v1;
	v1 =	vadd.f32 v7, v2  }
0x388: {  	v2 =	vsel vm12, v3, v4;
	v3 =	vmul.f32 $9.999999770e-03, v5;
	v4 =	vadd.f32 v10, v9  }
0x389: {  	vm13 =	vge.f32 v5, $0.0e+00;
	v2 =	vmul.f32 $1.442695020e+00, v2;
	v6 =	vmul.f32 $9.999999770e-03, v1  }
0x38a: {  	v3 =	vsel vm13, v5, v3;
	vm14 =	vge.f32 v1, $0.0e+00;
	v5 =	vmul.f32 $9.999999770e-03, v4  }
0x38b: {  	vm15 =	vge.f32 v4, $0.0e+00;
	v3 =	vmul.f32 $1.442695020e+00, v3;
	v1 =	vsel vm14, v1, v6  }
0x38c: {  	(erf) = vpow2.f32 v2;
	v2 =	vsel vm15, v4, v5;
	v1 =	vmul.f32 $1.442695020e+00, v1  }
0x38d: {  	(erf) = vpow2.f32 v3;
	v2 =	vmul.f32 $1.442695020e+00, v2  }
0x38e: {  	(erf) = vpow2.f32 v1  }
0x38f: {  	(erf) = vpow2.f32 v2;
	_ =	sdelay $0x4  }
0x390: {  	s0 =	simm.s32 $0x0;
	v1 =	vpop (erf)  }
0x391: {  	s19 =	simm.s32 $0x2;
	[tilespmem:$0x7B80] =	vst v1;
	v1 =	vmov s0;
	v2 =	vpop (erf)  }
0x392: {  	v1 =	vand.u32 $0xFFFFFFFC, v1;
	[tilespmem:$0x7B90] =	vst v2;
	v2 =	vmov s19;
	v3 =	vpop (erf)  }
0x393: {  	v1 =	vbroadcast v1, $0x0;
	v2 =	vand.u32 $0xFFFFFFFE, v2;
	[tilespmem:$0x7BA0] =	vst v3;
	v4 =	vpop (erf)  }
0x394: {  	v2 =	vbroadcast v2, $0x0;
	[tilespmem:$0x7BB0] =	vst v4;
	v3 =	vpop (erf)  }
0x395: {  	[tilespmem:$0x7BC0] =	vst v3  }
0x396: {  	_ =	swait.ge [sflag:s2], $0x2800  }
0x397: {  	[sflag:s2] =	ssyncset.done $0x0  }
0x398: {  	[sflag:s2] =	ssyncadd.s32 $0xFFFFD800  }
0x399: {  	v1 =	vld.idx.msk [tilespmem:v1+s20+$0x0], $0xffff  }
0x39a: {  	s5 =	simm.s32 $0x2900;
	s3 =	simm.s32 $0x1;
	v2 =	vld.idx.msk [tilespmem:v2+s20+$0x0], $0xffff  }
0x39b: {  	v3 =	vmov s3;
	v4 =	vld [tilespmem:s5+$0x70]  }
0x39c: {  	v3 =	vand.u32 $0xFFFFFFFD, v3;
	v5 =	vld [tilespmem:s5+$0xFFFFFF00]  }
0x39d: {  	v3 =	vbroadcast v3, $0x0;
	v6 =	vld [tilespmem:s5+$0xFFFFFF10]  }
0x39e: {  	v7 =	vld [tilespmem:s5+$0xFFFFFF20]  }
0x39f: {  	v8 =	vld [tilespmem:s5+$0xFFFFFF30]  }
0x3a0: {  	v9 =	vld [tilespmem:s5+$0xFFFFFF40]  }
0x3a1: {  	v10 =	vld [tilespmem:s5+$0xFFFFFF50];
	v5 =	vmul.f32 v5, v1  }
0x3a2: {  	v11 =	vld [tilespmem:s5+$0xFFFFFF60];
	v4 =	vmul.f32 v4, v2  }
0x3a3: {  	v3 =	vld.idx.msk [tilespmem:v3+s20+$0x0], $0xffff;
	[tilespmem:s5+$0xFFFFFF00] =	vst v5;
	v5 =	vmul.f32 v6, v1  }
0x3a4: {  	v6 =	vld [tilespmem:s5+$0xFFFFFF70];
	[tilespmem:s5+$0x70] =	vst v4;
	v4 =	vmul.f32 v7, v1  }
0x3a5: {  	v7 =	vld [tilespmem:s5+$0xFFFFFF80];
	[tilespmem:s5+$0xFFFFFF10] =	vst v5;
	v5 =	vmul.f32 v8, v1  }
0x3a6: {  	v8 =	vld [tilespmem:s5+$0xFFFFFF90];
	[tilespmem:s5+$0xFFFFFF20] =	vst v4;
	v4 =	vmul.f32 v9, v1  }
0x3a7: {  	v9 =	vld [tilespmem:s5+$0xFFFFFFA0];
	[tilespmem:s5+$0xFFFFFF30] =	vst v5;
	v5 =	vmul.f32 v10, v1  }
0x3a8: {  	v10 =	vld [tilespmem:s5+$0xFFFFFFB0];
	[tilespmem:s5+$0xFFFFFF40] =	vst v4;
	v4 =	vmul.f32 v11, v1  }
0x3a9: {  	v11 =	vld [tilespmem:s5+$0xFFFFFFC0];
	v6 =	vmul.f32 v6, v1;
	[tilespmem:s5+$0xFFFFFF50] =	vst v5  }
0x3aa: {  	v5 =	vmul.f32 v7, v3;
	v7 =	vld [tilespmem:s5+$0xFFFFFFD0];
	[tilespmem:s5+$0xFFFFFF60] =	vst v4  }
0x3ab: {  	v4 =	vld [tilespmem:s5+$0xFFFFFFE0];
	v8 =	vmul.f32 v8, v3;
	[tilespmem:s5+$0xFFFFFF70] =	vst v6  }
0x3ac: {  	s4 =	simm.s32 $0x3;
	v6 =	vld [tilespmem:s5+$0xFFFFFFF0];
	[tilespmem:s5+$0xFFFFFF80] =	vst v5;
	v5 =	vmul.f32 v9, v3  }
0x3ad: {  	v12 =	vmov s4;
	v9 =	vld [tilespmem:s5+$0x0];
	[tilespmem:s5+$0xFFFFFF90] =	vst v8;
	v8 =	vmul.f32 v10, v3  }
0x3ae: {  	v10 =	vld [tilespmem:s5+$0x10];
	[tilespmem:s5+$0xFFFFFFA0] =	vst v5;
	v5 =	vmul.f32 v11, v3  }
0x3af: {  	[tilespmem:s5+$0xFFFFFFB0] =	vst v8;
	v7 =	vmul.f32 v7, v3;
	v8 =	vld [tilespmem:s5+$0x20]  }
0x3b0: {  	v13 =	vld [tilespmem:s5+$0x40];
	v4 =	vmul.f32 v4, v3;
	[tilespmem:s5+$0xFFFFFFC0] =	vst v5  }
0x3b1: {  	v11 =	vld [tilespmem:s5+$0x30];
	v3 =	vmul.f32 v6, v3;
	[tilespmem:s5+$0xFFFFFFD0] =	vst v7  }
0x3b2: {  	v1 =	vld.idx.msk [tilespmem:v12+s20+$0x0], $0xffff;
	[tilespmem:s5+$0xFFFFFFE0] =	vst v4;
	v5 =	vmul.f32 v9, v2  }
0x3b3: {  	v4 =	vld [tilespmem:s5+$0x50];
	[tilespmem:s5+$0xFFFFFFF0] =	vst v3;
	v6 =	vmul.f32 v10, v2  }
0x3b4: {  	s6 =	simm.s32 $0x4;
	v3 =	vld [tilespmem:s5+$0x60];
	[tilespmem:s5+$0x0] =	vst v5;
	v9 =	vmul.f32 v8, v2  }
0x3b5: {  	s19 =	simm.s32 $0x7;
	v7 =	vmov s6;
	v8 =	vld [tilespmem:s5+$0x80];
	[tilespmem:s5+$0x10] =	vst v6  }
0x3b6: {  	s4 =	simm.s32 $0x6;
	s3 =	simm.s32 $0x5;
	v12 =	vand.u32 $0xFFFFFFFC, v7;
	v7 =	vld [tilespmem:s5+$0x90];
	v5 =	vmov s19;
	v10 =	vmul.f32 v11, v2;
	[tilespmem:s5+$0x20] =	vst v9  }
0x3b7: {  	s0 =	simm.s32 $0x8;
	s6 =	simm.s32 $0x2900;
	v11 =	vmul.f32 v13, v2;
	v6 =	vbroadcast v12, $0x0;
	v12 =	vmov s3;
	v9 =	vld [tilespmem:s5+$0xA0];
	s19 =	rddreg [dreg:$0x14]  }
.LBB2_15:
0x3b8: {  	p0 =	slt.u32 s0, $0x4C;
	v12 =	vand.u32 $0xFFFFFFFD, v12;
	v13 =	vmov s4;
	[tilespmem:s5+$0x30] =	vst v10;
	v4 =	vmul.f32 v4, v2;
	v10 =	vld [tilespmem:s5+$0xB0]  }
0x3b9: {  	v12 =	vbroadcast v12, $0x0;
	v13 =	vand.u32 $0xFFFFFFFE, v13;
	[tilespmem:s5+$0x40] =	vst v11;
	v2 =	vmul.f32 v3, v2;
	v3 =	vld [tilespmem:s5+$0xC0]  }
0x3ba: {  	v11 =	vbroadcast v13, $0x0;
	[tilespmem:s5+$0x50] =	vst v4;
	v4 =	vmul.f32 v8, v1;
	v8 =	vld [tilespmem:s5+$0xD0]  }
0x3bb: {  	[tilespmem:s5+$0x60] =	vst v2;
	v2 =	vmul.f32 v7, v1;
	v7 =	vld [tilespmem:s5+$0xE0]  }
0x3bc: {  	[tilespmem:s5+$0x80] =	vst v4;
	v4 =	vmul.f32 v9, v1;
	v9 =	vld [tilespmem:s5+$0xF0]  }
0x3bd: {  	v5 =	vld.idx.msk [tilespmem:v5+s20+$0x0], $0xffff;
	[tilespmem:s5+$0x90] =	vst v2;
	v2 =	vmul.f32 v10, v1  }
0x3be: {  	v6 =	vld.idx.msk [tilespmem:v6+s20+$0x0], $0xffff;
	[tilespmem:s5+$0xA0] =	vst v4;
	v3 =	vmul.f32 v3, v1  }
0x3bf: {  	v4 =	vld.idx.msk [tilespmem:v12+s20+$0x0], $0xffff;
	[tilespmem:s5+$0xB0] =	vst v2;
	v8 =	vmul.f32 v8, v1  }
0x3c0: {  	s5 =	sadd.s32 $0x200, s5;
	v2 =	vld.idx.msk [tilespmem:v11+s20+$0x0], $0xffff;
	[tilespmem:s6+$0xC0] =	vst v3;
	v3 =	vmul.f32 v7, v1  }
0x3c1: {  	v7 =	vld [tilespmem:s5+$0x70];
	[tilespmem:s6+$0xD0] =	vst v8;
	v9 =	vmul.f32 v9, v1  }
0x3c2: {  	v8 =	vld [tilespmem:s5+$0xFFFFFF00];
	[tilespmem:s6+$0xE0] =	vst v3  }
0x3c3: {  	v1 =	vmov v5;
	v3 =	vld [tilespmem:s5+$0xFFFFFF10];
	[tilespmem:s6+$0xF0] =	vst v9;
	s6 =	smov.u32 s5  }
0x3c4: {  	v5 =	vld [tilespmem:s5+$0xFFFFFF20]  }
0x3c5: {  	v9 =	vld [tilespmem:s5+$0xFFFFFF30]  }
0x3c6: {  	v10 =	vld [tilespmem:s5+$0xFFFFFF40];
	v7 =	vmul.f32 v7, v2  }
0x3c7: {  	v8 =	vmul.f32 v8, v6;
	v11 =	vld [tilespmem:s5+$0xFFFFFF50]  }
0x3c8: {  	v3 =	vmul.f32 v3, v6;
	v12 =	vld [tilespmem:s5+$0xFFFFFF60];
	[tilespmem:s5+$0x70] =	vst v7  }
0x3c9: {  	[tilespmem:s5+$0xFFFFFF00] =	vst v8;
	v5 =	vmul.f32 v5, v6;
	v7 =	vld [tilespmem:s5+$0xFFFFFF70]  }
0x3ca: {  	[tilespmem:s5+$0xFFFFFF10] =	vst v3;
	v3 =	vmul.f32 v9, v6;
	v8 =	vld [tilespmem:s5+$0xFFFFFF80]  }
0x3cb: {  	[tilespmem:s5+$0xFFFFFF20] =	vst v5;
	v5 =	vmul.f32 v10, v6;
	v9 =	vld [tilespmem:s5+$0xFFFFFF90]  }
0x3cc: {  	[tilespmem:s5+$0xFFFFFF30] =	vst v3;
	v3 =	vmul.f32 v11, v6;
	v10 =	vld [tilespmem:s5+$0xFFFFFFA0]  }
0x3cd: {  	[tilespmem:s5+$0xFFFFFF40] =	vst v5;
	v5 =	vmul.f32 v12, v6;
	v11 =	vld [tilespmem:s5+$0xFFFFFFB0]  }
0x3ce: {  	[tilespmem:s5+$0xFFFFFF50] =	vst v3;
	v3 =	vmul.f32 v7, v6;
	v6 =	vld [tilespmem:s5+$0xFFFFFFC0]  }
0x3cf: {  	[tilespmem:s5+$0xFFFFFF60] =	vst v5;
	v5 =	vmul.f32 v8, v4;
	v7 =	vld [tilespmem:s5+$0xFFFFFFD0]  }
0x3d0: {  	[tilespmem:s5+$0xFFFFFF70] =	vst v3;
	v3 =	vmul.f32 v9, v4;
	v8 =	vld [tilespmem:s5+$0xFFFFFFE0]  }
0x3d1: {  	[tilespmem:s5+$0xFFFFFF80] =	vst v5;
	v5 =	vmul.f32 v10, v4;
	v9 =	vld [tilespmem:s5+$0xFFFFFFF0]  }
0x3d2: {  	[tilespmem:s5+$0xFFFFFF90] =	vst v3;
	v3 =	vmul.f32 v11, v4;
	v10 =	vld [tilespmem:s5+$0x0]  }
0x3d3: {  	[tilespmem:s5+$0xFFFFFFA0] =	vst v5;
	v5 =	vmul.f32 v6, v4;
	v6 =	vld [tilespmem:s5+$0x10]  }
0x3d4: {  	[tilespmem:s5+$0xFFFFFFB0] =	vst v3;
	v3 =	vmul.f32 v7, v4;
	v7 =	vld [tilespmem:s5+$0x20]  }
0x3d5: {  	[tilespmem:s5+$0xFFFFFFC0] =	vst v5;
	v5 =	vmul.f32 v8, v4;
	v11 =	vld [tilespmem:s5+$0x30]  }
0x3d6: {  	[tilespmem:s5+$0xFFFFFFD0] =	vst v3;
	v3 =	vmul.f32 v9, v4;
	v9 =	vld [tilespmem:s5+$0x40]  }
.Ltmp7:
0x3d7: {  	[tilespmem:s5+$0xFFFFFFE0] =	vst v5;
	v5 =	vmul.f32 v10, v2;
	v4 =	vld [tilespmem:s5+$0x50];
	(pc) =	sbr.rel @p0 .LBB2_15-.Ltmp7, $4  }
0x3d8: {  	[tilespmem:s5+$0xFFFFFFF0] =	vst v3;
	v6 =	vmul.f32 v6, v2;
	v3 =	vld [tilespmem:s5+$0x60]  }
0x3d9: {  	s3 =	sadd.s32 $0x3, s0;
	v10 =	vmov s0;
	[tilespmem:s5+$0x0] =	vst v5;
	v13 =	vmul.f32 v7, v2;
	v8 =	vld [tilespmem:s5+$0x80]  }
0x3da: {  	s4 =	sadd.s32 $0x1, s0;
	v12 =	vand.u32 $0xFFFFFFFC, v10;
	v5 =	vmov s3;
	[tilespmem:s5+$0x10] =	vst v6;
	v10 =	vmul.f32 v11, v2;
	v7 =	vld [tilespmem:s5+$0x90]  }
0x3db: {  	v6 =	vbroadcast v12, $0x0;
	v12 =	vmov s4;
	s4 =	sadd.s32 $0x2, s0;
	s0 =	sadd.s32 $0x4, s0;
	[tilespmem:s5+$0x20] =	vst v13;
	v11 =	vmul.f32 v9, v2;
	v9 =	vld [tilespmem:s5+$0xA0]  }
0x3dc: {  	v13 =	vld [tilespmem:s5+$0xB0]  }
0x3dd: {  	v15 =	vld [tilespmem:s5+$0xC0]  }
0x3de: {  	v16 =	vld [tilespmem:s5+$0xD0]  }
0x3df: {  	v17 =	vld [tilespmem:s5+$0xE0]  }
0x3e0: {  	v29 =	vld [tilespmem:s5+$0xF0];
	[tilespmem:s5+$0x30] =	vst v10;
	v4 =	vmul.f32 v4, v2  }
0x3e1: {  	v5 =	vld.idx.msk [tilespmem:v5+s20+$0x0], $0xffff;
	[tilespmem:s5+$0x40] =	vst v11;
	v2 =	vmul.f32 v3, v2  }
0x3e2: {  	s0 =	sadd.s32 $0x200, s5;
	v3 =	vld.idx.msk [tilespmem:v6+s20+$0x0], $0xffff;
	v8 =	vmul.f32 v8, v1;
	[tilespmem:s5+$0x50] =	vst v4  }
0x3e3: {  	v14 =	vmov s4;
	v34 =	vld [tilespmem:s0+$0x70];
	v30 =	vmul.f32 v7, v1;
	[tilespmem:s5+$0x60] =	vst v2  }
0x3e4: {  	v14 =	vand.u32 $0xFFFFFFFE, v14;
	v35 =	vld [tilespmem:s0+$0xFFFFFF00];
	[tilespmem:s5+$0x80] =	vst v8;
	v2 =	vmul.f32 v9, v1  }
0x3e5: {  	v37 =	vld [tilespmem:s0+$0xFFFFFF10];
	v14 =	vbroadcast v14, $0x0;
	[tilespmem:s5+$0x90] =	vst v30;
	v33 =	vmul.f32 v13, v1  }
0x3e6: {  	v38 =	vld [tilespmem:s0+$0xFFFFFF20];
	[tilespmem:s5+$0xA0] =	vst v2;
	v2 =	vmul.f32 v15, v1  }
0x3e7: {  	v12 =	vand.u32 $0xFFFFFFFD, v12;
	v39 =	vld [tilespmem:s0+$0xFFFFFF30];
	v36 =	vmul.f32 v16, v1;
	[tilespmem:s5+$0xB0] =	vst v33  }
0x3e8: {  	v12 =	vbroadcast v12, $0x0;
	v41 =	vld [tilespmem:s0+$0xFFFFFF50];
	[tilespmem:s6+$0xC0] =	vst v2;
	v2 =	vmul.f32 v17, v1  }
0x3e9: {  	v43 =	vld [tilespmem:s0+$0xFFFFFF60];
	[tilespmem:s6+$0xD0] =	vst v36;
	v1 =	vmul.f32 v29, v1  }
0x3ea: {  	v42 =	vmul.f32 v37, v3;
	[tilespmem:s6+$0xE0] =	vst v2;
	v2 =	vld [tilespmem:s0+$0xFFFFFF40]  }
0x3eb: {  	v32 =	vld.idx.msk [tilespmem:v14+s20+$0x0], $0xffff;
	[tilespmem:s6+$0xF0] =	vst v1;
	v1 =	vmul.f32 v35, v3  }
0x3ec: {  	v44 =	vld [tilespmem:s0+$0xFFFFFF70];
	v4 =	vmul.f32 v39, v3;
	[tilespmem:s0+$0xFFFFFF10] =	vst v42  }
0x3ed: {  	v45 =	vld [tilespmem:s0+$0xFFFFFF80];
	[tilespmem:s0+$0xFFFFFF00] =	vst v1;
	v1 =	vmul.f32 v38, v3  }
0x3ee: {  	v46 =	vmul.f32 v41, v3;
	v31 =	vld.idx.msk [tilespmem:v12+s20+$0x0], $0xffff;
	[tilespmem:s0+$0xFFFFFF30] =	vst v4  }
0x3ef: {  	[tilespmem:s0+$0xFFFFFF20] =	vst v1;
	v1 =	vmul.f32 v2, v3;
	v2 =	vld [tilespmem:s0+$0xFFFFFF90]  }
0x3f0: {  	v47 =	vld [tilespmem:s0+$0xFFFFFFA0];
	[tilespmem:s0+$0xFFFFFF50] =	vst v46;
	v40 =	vmul.f32 v34, v32  }
0x3f1: {  	v48 =	vld [tilespmem:s0+$0xFFFFFFB0];
	[tilespmem:s0+$0xFFFFFF40] =	vst v1;
	v1 =	vmul.f32 v43, v3  }
0x3f2: {  	v49 =	vld [tilespmem:s0+$0xFFFFFFC0];
	[tilespmem:s0+$0x70] =	vst v40;
	v3 =	vmul.f32 v44, v3  }
0x3f3: {  	v50 =	vld [tilespmem:s0+$0xFFFFFFD0];
	[tilespmem:s0+$0xFFFFFF60] =	vst v1;
	v1 =	vmul.f32 v45, v31  }
0x3f4: {  	[tilespmem:s0+$0xFFFFFF70] =	vst v3;
	v3 =	vld [tilespmem:s0+$0xFFFFFFE0];
	v2 =	vmul.f32 v2, v31  }
0x3f5: {  	v51 =	vld [tilespmem:s0+$0xFFFFFFF0];
	[tilespmem:s0+$0xFFFFFF80] =	vst v1;
	v1 =	vmul.f32 v47, v31  }
0x3f6: {  	v52 =	vld [tilespmem:s0+$0x0];
	[tilespmem:s0+$0xFFFFFF90] =	vst v2;
	v2 =	vmul.f32 v48, v31  }
0x3f7: {  	v53 =	vld [tilespmem:s0+$0x10];
	[tilespmem:s0+$0xFFFFFFA0] =	vst v1;
	v1 =	vmul.f32 v49, v31  }
0x3f8: {  	v54 =	vld [tilespmem:s0+$0x20];
	[tilespmem:s0+$0xFFFFFFB0] =	vst v2;
	v2 =	vmul.f32 v50, v31  }
0x3f9: {  	[tilespmem:s0+$0xFFFFFFC0] =	vst v1;
	v1 =	vmul.f32 v3, v31;
	v3 =	vld [tilespmem:s0+$0x30]  }
0x3fa: {  	v55 =	vld [tilespmem:s0+$0x40];
	[tilespmem:s0+$0xFFFFFFD0] =	vst v2;
	v2 =	vmul.f32 v51, v31  }
0x3fb: {  	v56 =	vld [tilespmem:s0+$0x50];
	[tilespmem:s0+$0xFFFFFFE0] =	vst v1;
	v1 =	vmul.f32 v52, v32  }
0x3fc: {  	v57 =	vld [tilespmem:s0+$0x60];
	[tilespmem:s0+$0xFFFFFFF0] =	vst v2;
	v2 =	vmul.f32 v53, v32  }
0x3fd: {  	v58 =	vld [tilespmem:s0+$0x80];
	[tilespmem:s0+$0x0] =	vst v1;
	v1 =	vmul.f32 v54, v32  }
0x3fe: {  	[tilespmem:s0+$0x10] =	vst v2;
	v2 =	vmul.f32 v3, v32;
	v3 =	vld [tilespmem:s0+$0x90]  }
0x3ff: {  	v59 =	vld [tilespmem:s0+$0xA0];
	[tilespmem:s0+$0x20] =	vst v1;
	v1 =	vmul.f32 v55, v32  }
0x400: {  	v60 =	vld [tilespmem:s0+$0xB0];
	[tilespmem:s0+$0x30] =	vst v2;
	v2 =	vmul.f32 v56, v32  }
0x401: {  	v61 =	vld [tilespmem:s0+$0xC0];
	[tilespmem:s0+$0x40] =	vst v1;
	v1 =	vmul.f32 v57, v32  }
0x402: {  	v62 =	vld [tilespmem:s0+$0xD0];
	[tilespmem:s0+$0x50] =	vst v2;
	v2 =	vmul.f32 v58, v5  }
0x403: {  	[tilespmem:s0+$0x60] =	vst v1;
	v1 =	vmul.f32 v3, v5;
	v3 =	vld [tilespmem:s0+$0xE0]  }
0x404: {  	v63 =	vld [tilespmem:s0+$0xF0];
	[tilespmem:s0+$0x80] =	vst v2;
	v2 =	vmul.f32 v59, v5  }
0x405: {  	[tilespmem:s0+$0x90] =	vst v1;
	v1 =	vmul.f32 v60, v5  }
0x406: {  	[tilespmem:s0+$0xA0] =	vst v2;
	v2 =	vmul.f32 v61, v5  }
0x407: {  	[tilespmem:s0+$0xB0] =	vst v1;
	v1 =	vmul.f32 v62, v5  }
0x408: {  	[tilespmem:s0+$0xC0] =	vst v2;
	v2 =	vmul.f32 v3, v5  }
0x409: {  	[tilespmem:s0+$0xD0] =	vst v1;
	v1 =	vmul.f32 v63, v5  }
0x40a: {  	[tilespmem:s0+$0xE0] =	vst v2  }
0x40b: {  	s3 =	simm.s32 $0x2800;
	[tilespmem:s0+$0xF0] =	vst v1  }
0x40c: {  	[spmem:s30] =	stream.indirect.scatter.add.f32 [tilespmem:s3], [sflag:$0x5], $0x80, s18, s28, $0xb8;
	[tilespmem:$0x1BCF8] =	vst v63  }
0x40d: {  	_ = 	snop  }
0x40e: {  	[spmem:s12] =	stream.indirect.scatter.add.f32 [tilespmem:s20], [sflag:$0x5], $0x1, s18, s28, $0xb8;
	[tilespmem:$0x1BCF8] =	vst v63  }
0x40f: {  	_ =	swait.ge [sflag:s21], $0x2800  }
0x410: {  	[sflag:s21] =	ssyncset.done $0x0  }
0x411: {  	[sflag:s21] =	ssyncadd.s32 $0xFFFFD800  }
0x412: {  	_ =	swait.ge [sflag:s21], $0x50  }
0x413: {  	[sflag:s21] =	ssyncset.done $0x0  }
0x414: {  	[sflag:s21] =	ssyncadd.s32 $0xFFFFFFB0  }
0x415: {  	_ =	swait.ge [sflag:s25], $0x2800  }
0x416: {  	[sflag:s25] =	ssyncset.done $0x0  }
0x417: {  	[sflag:s25] =	ssyncadd.s32 $0xFFFFD800  }
0x418: {  	_ =	swait.ge [sflag:s25], $0x50  }
0x419: {  	[sflag:s25] =	ssyncset.done $0x0  }
0x41a: {  	[sflag:s25] =	ssyncadd.s32 $0xFFFFFFB0  }
0x41b: {  	s4 =	stileid.u32;
	[bflag:$0x0] =	sbarrier.arrive $0xFFFF  }
0x41c: {  	s0 =	sshll.u32 s4, $0x6;
	s5 =	rddreg [dreg:$0xf]  }
0x41d: {  	s3 =	sor.u32 $0x1C01, s0;
	s6 =	rddreg [dreg:$0x5];
	s4 =	sshrl.u32 s5, $0x3  }
0x41e: {  	[hbm:s6], [sflag:s3] =	dma.local [spmem:s4], $0x500  }
0x41f: {  	s5 =	rddreg [dreg:$0x10]  }
0x420: {  	s4 =	sor.u32 $0x1C02, s0;
	s6 =	rddreg [dreg:$0x6];
	s5 =	sshrl.u32 s5, $0x3  }
0x421: {  	[hbm:s6], [sflag:s4] =	dma.local [spmem:s5], $0x500  }
0x422: {  	s5 =	rddreg [dreg:$0x11]  }
0x423: {  	s0 =	sor.u32 $0x1C03, s0;
	s6 =	rddreg [dreg:$0x7];
	s5 =	sshrl.u32 s5, $0x3  }
0x424: {  	[hbm:s6], [sflag:s0] =	dma.local [spmem:s5], $0x500  }
0x425: {  	s5 =	rddreg [dreg:$0x12]  }
0x426: {  	s6 =	rddreg [dreg:$0x8];
	s5 =	sshrl.u32 s5, $0x3  }
0x427: {  	[hbm:s6], [sflag:s3] =	dma.local [spmem:s5], $0x500  }
0x428: {  	s5 =	rddreg [dreg:$0x13]  }
0x429: {  	s6 =	rddreg [dreg:$0x9];
	s5 =	sshrl.u32 s5, $0x3  }
0x42a: {  	[hbm:s6], [sflag:s4] =	dma.local [spmem:s5], $0x500  }
0x42b: {  	s5 =	sshrl.u32 s19, $0x3;
	s6 =	rddreg [dreg:$0xa]  }
0x42c: {  	[hbm:s6], [sflag:s0] =	dma.local [spmem:s5], $0x500  }
0x42d: {  	s0 =	rddreg [dreg:$0x15]  }
0x42e: {  	s5 =	rddreg [dreg:$0xb];
	s0 =	sshrl.u32 s0, $0x3  }
0x42f: {  	[hbm:s5], [sflag:s3] =	dma.local [spmem:s0], $0x500  }
0x430: {  	s0 =	rddreg [dreg:$0x18]  }
0x431: {  	s3 =	rddreg [dreg:$0xc];
	s0 =	sshrl.u32 s0, $0x3  }
0x432: {  	[hbm:s3], [sflag:s4] =	dma.local [spmem:s0], $0x500  }
0x433: {  	s6 =	simm.s32 $0xA;
	s4 =	simm.s32 $0x7F80;
	s0 =	rddreg [dreg:$0x19]  }
0x434: {  	[tilespmem:s4], [sflag:$0xA] =	stream.linear.gather [spmem:s0], $0x280, $0x38;
	[tilespmem:$0x1BCF8] =	vst v63  }
0x435: {  	_ =	swait.ge [sflag:s6], $0x280  }
0x436: {  	[sflag:s6] =	ssyncset.done $0x0  }
0x437: {  	s5 =	rddreg [dreg:$0x1f];
	[sflag:s6] =	ssyncadd.s32 $0xFFFFFD80  }
0x438: {  	[hbm4b:s5+s23] =	stream.linear.scatter [tilespmem:s4], [sflag:$0xA], $0x280, $0x38;
	[tilespmem:$0x1BCF8] =	vst v63  }
0x439: {  	_ =	swait.ge [sflag:s6], $0x280  }
0x43a: {  	[sflag:s6] =	ssyncset.done $0x0  }
0x43b: {  	[sflag:s6] =	ssyncadd.s32 $0xFFFFFD80  }
0x43c: {  	_ =	swait.ge [sflag:s1], $0x500  }
0x43d: {  	[sflag:s1] =	ssyncset.done $0x0  }
0x43e: {  	[sflag:s1] =	ssyncadd.s32 $0xFFFFFB00  }
0x43f: {  	_ =	swait.ge [sflag:s2], $0x500  }
0x440: {  	[sflag:s2] =	ssyncset.done $0x0  }
0x441: {  	[sflag:s2] =	ssyncadd.s32 $0xFFFFFB00  }
0x442: {  	_ =	swait.ge [sflag:s8], $0x500  }
0x443: {  	[sflag:s8] =	ssyncset.done $0x0  }
0x444: {  	[sflag:s8] =	ssyncadd.s32 $0xFFFFFB00  }
0x445: {  	_ =	swait.ge [sflag:s1], $0x500  }
0x446: {  	[sflag:s1] =	ssyncset.done $0x0  }
0x447: {  	[sflag:s1] =	ssyncadd.s32 $0xFFFFFB00  }
0x448: {  	_ =	swait.ge [sflag:s2], $0x500  }
0x449: {  	[sflag:s2] =	ssyncset.done $0x0  }
0x44a: {  	[sflag:s2] =	ssyncadd.s32 $0xFFFFFB00  }
0x44b: {  	_ =	swait.ge [sflag:s8], $0x500  }
0x44c: {  	[sflag:s8] =	ssyncset.done $0x0  }
0x44d: {  	[sflag:s8] =	ssyncadd.s32 $0xFFFFFB00  }
0x44e: {  	_ =	swait.ge [sflag:s1], $0x500  }
0x44f: {  	[sflag:s1] =	ssyncset.done $0x0  }
0x450: {  	[sflag:s1] =	ssyncadd.s32 $0xFFFFFB00  }
0x451: {  	_ =	swait.ge [sflag:s2], $0x500  }
0x452: {  	s0 =	sld [smem:$0x7FC]  }
0x453: {  	s5 =	sld [smem:$0x7FD];
	_ =	sdelay $0x1  }
0x454: {  	s3 =	sadd.s32 $0x1, s0  }
0x455: {  	p0 =	sne.s32 s3, s5  }
.Ltmp8:
0x456: {  	_ = 	snop;
	(pc) =	sbr.rel @p0 .LBB2_1-.Ltmp8, $3  }
0x457: {  	_ =	sdelay $0x1  }
0x458: {  	[sflag:s2] =	ssyncset.done $0x0  }
0x459: {  	[sflag:s2] =	ssyncadd.s32 $0xFFFFFB00  }
0x45a: {  	_ =	sfence.sel $0x180000  }
0x45b: {  	[bflag:$0x0] =	sbarrier.arrive $0xFFFF  }
0x45c: {  	_ =	strace $0x90000047  }
0x45d: {  	s0 =	stileid.u32;
	[bflag:$0x2] =	sbarrier.arrive $0xFFFF  }
0x45e: {  	p0 =	sne.s32 s0, $0x0;
	s0 =	rddreg [dreg:$0x4]  }
0x45f: {  	s0 =	sadd.s32 @!p0 $0x100000, s0  }
0x460: {  	[sflag:s0] =	ssyncadd.tile.s32 @!p0 $0x1;
	_ =	shalt  }
.Lfunc_end2:
_tile_overlayer_lowered:
.L_overlay_start_2:
0x461: {  	(tag) =	ssettag $0x2  }
0x462: {  	s0 =	rddreg [dreg:$0x0];
	s2 =	stileid.u32  }
0x463: {  	s1 =	rddreg [dreg:$0x1];
	p0 =	sne.s32 s2, $0x0  }
0x464: {  	s3 =	rddreg [dreg:$0x2];
	[bflag:$0x3] =	sbarrier.arrive $0xFFFF;
	s2 =	simm.s32 @!p0 $0x1C0A  }
0x465: {  	[timem:s3], [sflag:s2] =	dma.local @!p0 [hbm:s0], s1  }
0x466: {  	s0 =	simm.s32 @!p0 $0xA  }
0x467: {  	_ =	swait.ge @!p0 [sflag:s0], s1  }
0x468: {  	s1 =	ssub.s32 @!p0 $0x0, s1;
	[sflag:s0] =	ssyncset.done @!p0 $0x0  }
0x469: {  	[sflag:s0] =	ssyncadd.s32 @!p0 s1  }
0x46a: {  	[bflag:$0x3] =	sbarrier.arrive $0xFFFF  }
0x46b: {  	_ =	shalt  }

</sc_bundles>
